<compile_context>
chip_gen: v7x
topology: tpu7x:2x2x1
jax: 0.10.2.dev20260603
libtpu: 0.0.44.dev20260713+nightly
codegen_flags: <defaults>
</compile_context>

<pallas_src>
import functools

import jax
import jax.numpy as jnp
from jax import lax
from jax.experimental import pallas as pl
from jax.experimental.pallas import tpu as pltpu
from jax.experimental.pallas import tpu_sc as plsc

B, S, H, HEADS, DH, FF, E, K = 2, 2048, 1024, 16, 64, 4096, 8, 2
T = B * S
EPS = 1e-12

BLK = 256
NB = 40
NPAD = NB * BLK
FFB = 2048
NFF = FF // FFB

NW = 32
GCH = 32


def _ln_rows(z, g, b):
    m = jnp.mean(z, axis=-1, keepdims=True)
    v = jnp.mean((z - m) ** 2, axis=-1, keepdims=True)
    return (z - m) / jnp.sqrt(v + EPS) * g + b


def _qkv_body(x_ref, w_ref, b_ref, o_ref):
    x = x_ref[...].astype(jnp.bfloat16)
    acc = jnp.dot(x, w_ref[...], preferred_element_type=jnp.float32)
    o_ref[...] = (acc + b_ref[...]).astype(jnp.bfloat16)


def _qkv(x2d, wqkv16, bqkv):
    return pl.pallas_call(
        _qkv_body,
        grid=(T // 256,),
        in_specs=[
            pl.BlockSpec((256, H), lambda i: (i, 0)),
            pl.BlockSpec((H, 3 * H), lambda i: (0, 0)),
            pl.BlockSpec((1, 3 * H), lambda i: (0, 0)),
        ],
        out_specs=pl.BlockSpec((256, 3 * H), lambda i: (i, 0)),
        out_shape=jax.ShapeDtypeStruct((T, 3 * H), jnp.bfloat16),
    )(x2d, wqkv16, bqkv)


def _attn_body(q_ref, k_ref, v_ref, o_ref):
    q = q_ref[0]
    k = k_ref[0]
    s = lax.dot_general(q, k, (((1,), (1,)), ((), ())),
                        preferred_element_type=jnp.float32) * 0.125
    m = jnp.max(s, axis=1, keepdims=True)
    p = jnp.exp(s - m)
    l = jnp.sum(p, axis=1, keepdims=True)
    a = (p / l).astype(jnp.bfloat16)
    ctx = jnp.dot(a, v_ref[0], preferred_element_type=jnp.float32)
    o_ref[0] = ctx.astype(jnp.bfloat16)


def _attention(qkvh):
    return pl.pallas_call(
        _attn_body,
        grid=(B, HEADS),
        in_specs=[
            pl.BlockSpec((1, S, DH), lambda b, h: (h, b, 0)),
            pl.BlockSpec((1, S, DH), lambda b, h: (h + HEADS, b, 0)),
            pl.BlockSpec((1, S, DH), lambda b, h: (h + 2 * HEADS, b, 0)),
        ],
        out_specs=pl.BlockSpec((1, S, DH), lambda b, h: (h, b, 0)),
        out_shape=jax.ShapeDtypeStruct((HEADS, T, DH), jnp.bfloat16),
    )(qkvh, qkvh, qkvh)


def _oproj_body(ctx_ref, x_ref, wo_ref, bo_ref, g_ref, b_ref, wg_ref,
                ao_ref, a16_ref, w1_ref, i1_ref, i2_ref):
    ctx = ctx_ref[...]
    z = jnp.dot(ctx, wo_ref[...], preferred_element_type=jnp.float32)
    z = z + bo_ref[...] + x_ref[...]
    a = _ln_rows(z, g_ref[...], b_ref[...])
    ao_ref[...] = a
    a16 = a.astype(jnp.bfloat16)
    a16_ref[...] = a16
    logits = jnp.dot(a16, wg_ref[...], preferred_element_type=jnp.float32)
    iota = lax.broadcasted_iota(jnp.int32, logits.shape, 1)
    m1 = jnp.max(logits, axis=1)
    sel1 = logits == m1[:, None]
    i1 = jnp.min(jnp.where(sel1, iota, E), axis=1)
    l2 = jnp.where(iota == i1[:, None], -1e30, logits)
    m2 = jnp.max(l2, axis=1)
    sel2 = l2 == m2[:, None]
    i2 = jnp.min(jnp.where(sel2, iota, E), axis=1)
    w1_ref[...] = 1.0 / (1.0 + jnp.exp(m2 - m1))
    i1_ref[...] = i1
    i2_ref[...] = i2


def _oproj_route(ctx, x2d, wo16, bo, ln_g, ln_b, wg):
    return pl.pallas_call(
        _oproj_body,
        grid=(T // 256,),
        in_specs=[
            pl.BlockSpec((256, H), lambda i: (i, 0)),
            pl.BlockSpec((256, H), lambda i: (i, 0)),
            pl.BlockSpec((H, H), lambda i: (0, 0)),
            pl.BlockSpec((1, H), lambda i: (0, 0)),
            pl.BlockSpec((1, H), lambda i: (0, 0)),
            pl.BlockSpec((1, H), lambda i: (0, 0)),
            pl.BlockSpec((H, E), lambda i: (0, 0)),
        ],
        out_specs=[
            pl.BlockSpec((256, H), lambda i: (i, 0)),
            pl.BlockSpec((256, H), lambda i: (i, 0)),
            pl.BlockSpec((256,), lambda i: (i,)),
            pl.BlockSpec((256,), lambda i: (i,)),
            pl.BlockSpec((256,), lambda i: (i,)),
        ],
        out_shape=[
            jax.ShapeDtypeStruct((T, H), jnp.float32),
            jax.ShapeDtypeStruct((T, H), jnp.bfloat16),
            jax.ShapeDtypeStruct((T,), jnp.float32),
            jax.ShapeDtypeStruct((T,), jnp.int32),
            jax.ShapeDtypeStruct((T,), jnp.int32),
        ],
    )(ctx, x2d, wo16, bo, ln_g, ln_b, wg)


def _sc_gather_rows(table, idx, n_out):
    W = table.shape[1]
    per_w = n_out // NW
    nch = per_w // GCH
    idx3 = idx.reshape(NW, nch, GCH)
    mesh = plsc.VectorSubcoreMesh(core_axis_name="c", subcore_axis_name="s")

    @functools.partial(
        pl.kernel,
        mesh=mesh,
        out_type=jax.ShapeDtypeStruct((n_out, W), table.dtype),
        scratch_types=[
            pltpu.VMEM((nch, GCH), jnp.int32),
            pltpu.VMEM((GCH, W), table.dtype),
            pltpu.VMEM((GCH, W), table.dtype),
            pltpu.SemaphoreType.DMA,
            pltpu.SemaphoreType.DMA,
        ],
    )
    def gather_kernel(table_hbm, idx_hbm, out_hbm, idx_v, buf0, buf1,
                      gsem0, gsem1):
        wid = lax.axis_index("s") * 2 + lax.axis_index("c")
        base = wid * per_w
        pltpu.sync_copy(idx_hbm.at[wid], idx_v)
        bufs = (buf0, buf1)
        sems = (gsem0, gsem1)
        cps = [None, None]
        cps[0] = pltpu.async_copy(table_hbm.at[idx_v.at[0]], buf0, gsem0)
        for c in range(nch):
            if c + 1 < nch:
                cps[(c + 1) % 2] = pltpu.async_copy(
                    table_hbm.at[idx_v.at[c + 1]], bufs[(c + 1) % 2],
                    sems[(c + 1) % 2])
            cps[c % 2].wait()
            pltpu.sync_copy(bufs[c % 2], out_hbm.at[pl.ds(base + c * GCH, GCH)])

    return gather_kernel(table, idx3)


def _moe_body(be_ref, x_ref, w1_ref, b1_ref, w2_ref, b2_ref, y_ref):
    j = pl.program_id(1)
    x = x_ref[...]
    h = jnp.dot(x, w1_ref[0], preferred_element_type=jnp.float32)
    h = h + b1_ref[0]
    h = (0.5 * h * (1.0 + lax.erf(h * 0.7071067811865476))).astype(
        jnp.bfloat16)
    yp = jnp.dot(h, w2_ref[0], preferred_element_type=jnp.float32)

    @pl.when(j == 0)
    def _():
        y_ref[...] = yp + b2_ref[0]

    @pl.when(j != 0)
    def _():
        y_ref[...] += yp


def _moe_ffn(x_sorted16, w1_16, b1, w2_16, b2, block_expert):
    grid_spec = pltpu.PrefetchScalarGridSpec(
        num_scalar_prefetch=1,
        grid=(NB, NFF),
        in_specs=[
            pl.BlockSpec((BLK, H), lambda i, j, be: (i, 0)),
            pl.BlockSpec((1, H, FFB), lambda i, j, be: (be[i], 0, j)),
            pl.BlockSpec((1, 1, FFB), lambda i, j, be: (be[i], 0, j)),
            pl.BlockSpec((1, FFB, H), lambda i, j, be: (be[i], j, 0)),
            pl.BlockSpec((1, 1, H), lambda i, j, be: (be[i], 0, 0)),
        ],
        out_specs=pl.BlockSpec((BLK, H), lambda i, j, be: (i, 0)),
    )
    return pl.pallas_call(
        _moe_body,
        grid_spec=grid_spec,
        out_shape=jax.ShapeDtypeStruct((NPAD, H), jnp.float32),
    )(block_expert, x_sorted16, w1_16, b1.reshape(E, 1, FF),
      w2_16, b2.reshape(E, 1, H))


def _combine_body(y0_ref, y1_ref, w1_ref, ao_ref, g_ref, b_ref, o_ref):
    w1 = w1_ref[...][:, None]
    moe = w1 * y0_ref[...] + (1.0 - w1) * y1_ref[...]
    o_ref[...] = _ln_rows(moe + ao_ref[...], g_ref[...], b_ref[...])


def _combine(y0, y1, w1, attn_out, ln2_g, ln2_b):
    return pl.pallas_call(
        _combine_body,
        grid=(T // 256,),
        in_specs=[
            pl.BlockSpec((256, H), lambda i: (i, 0)),
            pl.BlockSpec((256, H), lambda i: (i, 0)),
            pl.BlockSpec((256,), lambda i: (i,)),
            pl.BlockSpec((256, H), lambda i: (i, 0)),
            pl.BlockSpec((1, H), lambda i: (0, 0)),
            pl.BlockSpec((1, H), lambda i: (0, 0)),
        ],
        out_specs=pl.BlockSpec((256, H), lambda i: (i, 0)),
        out_shape=jax.ShapeDtypeStruct((T, H), jnp.float32),
    )(y0, y1, w1, attn_out, ln2_g, ln2_b)


def kernel(hidden_states, params):
    p = params
    x2d = hidden_states.reshape(T, H)

    wqkv16 = jnp.concatenate([p["Wq"], p["Wk"], p["Wv"]], axis=1).astype(
        jnp.bfloat16)
    bqkv = jnp.concatenate([p["bq"], p["bk"], p["bv"]])[None, :]
    wo16 = p["Wo"].astype(jnp.bfloat16)
    w1_16 = p["W1"].astype(jnp.bfloat16)
    w2_16 = p["W2"].astype(jnp.bfloat16)

    qkv = _qkv(x2d, wqkv16, bqkv)
    qkvh = qkv.reshape(T, 3 * HEADS, DH).transpose(1, 0, 2)
    ctxh = _attention(qkvh)
    ctx = ctxh.transpose(1, 0, 2).reshape(T, H)
    attn_out, attn16, w1, i1, i2 = _oproj_route(
        ctx, x2d, wo16, p["bo"][None, :], p["ln_attn_g"][None, :],
        p["ln_attn_b"][None, :], p["Wg"].astype(jnp.bfloat16))

    e_all = jnp.stack([i1, i2], axis=1).reshape(2 * T)
    onehot = (e_all[:, None] == jnp.arange(E)[None, :]).astype(jnp.int32)
    csum = jnp.cumsum(onehot, axis=0)
    counts = csum[-1]
    rank = jnp.take_along_axis(csum, e_all[:, None], axis=1)[:, 0] - 1
    padded = ((counts + BLK - 1) // BLK) * BLK
    offs = jnp.concatenate([jnp.zeros((1,), jnp.int32),
                            jnp.cumsum(padded).astype(jnp.int32)])
    dest = offs[e_all] + rank
    gidx = jnp.zeros((NPAD,), jnp.int32).at[dest].set(
        jnp.arange(2 * T, dtype=jnp.int32) // 2)
    block_expert = jnp.clip(
        jnp.searchsorted(offs, jnp.arange(NB, dtype=jnp.int32) * BLK,
                         side="right").astype(jnp.int32) - 1, 0, E - 1)

    attn16_words = lax.bitcast_convert_type(
        attn16.reshape(T, H // 2, 2), jnp.int32)
    xs_words = _sc_gather_rows(attn16_words, gidx, NPAD)
    x_sorted16 = lax.bitcast_convert_type(
        xs_words, jnp.bfloat16).reshape(NPAD, H)
    y = _moe_ffn(x_sorted16, w1_16, p["b1"], w2_16, p["b2"], block_expert)

    dest_k = dest.reshape(T, 2).T.reshape(2 * T)
    y_pairs = _sc_gather_rows(y, dest_k, 2 * T)
    y0 = y_pairs[:T]
    y1 = y_pairs[T:]

    out = _combine(y0, y1, w1, attn_out, p["ln2_g"][None, :],
                   p["ln2_b"][None, :])
    return out.reshape(B, S, H)

# --- scband reference (transcript-rebuilt; emitter-appended) ---
"""Pipeline reference for scband-instruct-blip-qformer-layer-with-mo-e-85667417686125 (READ-ONLY COPY).

The authoritative reference and input builder live on the scoring server;
editing this copy changes nothing except your own understanding.
"""

import jax, jax.numpy as jnp
import numpy as np

B, S, H, HEADS, DH, FF, E, K = 2, 2048, 1024, 16, 64, 4096, 8, 2
EPS = 1e-12

def _ln(x, g, b):
    m = jnp.mean(x, axis=-1, keepdims=True)
    v = jnp.mean((x - m) ** 2, axis=-1, keepdims=True)
    return (x - m) / jnp.sqrt(v + EPS) * g + b

def setup_inputs(seed: int = 0) -> dict:
    key = jax.random.key(seed)
    ks = jax.random.split(key, 16)
    def nrm(k, shape, scale=0.02):
        return jax.random.normal(k, shape, dtype=jnp.float32) * scale
    params = {
        "Wq": nrm(ks[0], (H, H)), "bq": jnp.zeros((H,), jnp.float32),
        "Wk": nrm(ks[1], (H, H)), "bk": jnp.zeros((H,), jnp.float32),
        "Wv": nrm(ks[2], (H, H)), "bv": jnp.zeros((H,), jnp.float32),
        "Wo": nrm(ks[3], (H, H)), "bo": jnp.zeros((H,), jnp.float32),
        "ln_attn_g": jnp.ones((H,), jnp.float32), "ln_attn_b": jnp.zeros((H,), jnp.float32),
        "Wg": nrm(ks[4], (H, E)),
        "W1": nrm(ks[5], (E, H, FF)), "b1": jnp.zeros((E, FF), jnp.float32),
        "W2": nrm(ks[6], (E, FF, H)), "b2": jnp.zeros((E, H), jnp.float32),
        "ln2_g": jnp.ones((H,), jnp.float32), "ln2_b": jnp.zeros((H,), jnp.float32),
    }
    hidden_states = jax.random.normal(ks[7], (B, S, H), dtype=jnp.float32)
    return {"hidden_states": hidden_states, "params": params}

def _forward(hs, p):
    x = hs
    def heads(t):
        return t.reshape(B, S, HEADS, DH).transpose(0, 2, 1, 3)
    q = heads(x @ p["Wq"] + p["bq"])
    k = heads(x @ p["Wk"] + p["bk"])
    v = heads(x @ p["Wv"] + p["bv"])
    scores = jnp.einsum("bhqd,bhkd->bhqk", q, k) / jnp.sqrt(jnp.float32(DH))
    attn = jax.nn.softmax(scores, axis=-1)
    ctx = jnp.einsum("bhqk,bhkd->bhqd", attn, v)
    ctx = ctx.transpose(0, 2, 1, 3).reshape(B, S, H)
    attn_out = _ln(ctx @ p["Wo"] + p["bo"] + x, p["ln_attn_g"], p["ln_attn_b"])
    # MoE FFN (MixtralSparseMoeBlock with InstructBlipQFormerMLP experts)
    T = B * S
    h = attn_out.reshape(T, H)
    router_logits = h @ p["Wg"]
    rw = jax.nn.softmax(router_logits.astype(jnp.float32), axis=-1)
    topw, topi = jax.lax.top_k(rw, K)
    topw = topw / jnp.sum(topw, axis=-1, keepdims=True)
    topw = topw.astype(h.dtype)
    wfull = jnp.zeros((T, E), h.dtype).at[jnp.arange(T)[:, None], topi].set(topw)
    out = jnp.zeros((T, H), h.dtype)
    for e in range(E):
        he = jax.nn.gelu(h @ p["W1"][e] + p["b1"][e], approximate=False)
        he = he @ p["W2"][e] + p["b2"][e]
        out = out + wfull[:, e:e + 1] * he
    moe = out.reshape(B, S, H)
    layer_output = _ln(moe + attn_out, p["ln2_g"], p["ln2_b"])
    return layer_output

def reference(hidden_states, params):
    return _forward(hidden_states, params)

if __name__ == "__main__":
    import jax
    _d = setup_inputs()
    print(jax.jit(kernel)(*tuple(_d.values())))

</pallas_src>

<mosaic_0001>
#map = affine_map<(d0, d1) -> (0, 0)>
#map1 = affine_map<(d0, d1) -> (0, 0, 0)>
module attributes {stable_mosaic.version = 14 : i64} {
  func.func @gather_kernel(%arg0: i32, %arg1: i32, %arg2: memref<4096x512xi32, #tpu.memory_space<hbm>>, %arg3: memref<32x10x32xi32, #tpu.memory_space<hbm>>, %arg4: memref<10240x512xi32, #tpu.memory_space<hbm>>, %arg5: memref<10x32xi32, #tpu.memory_space<vmem>>, %arg6: memref<32x512xi32, #tpu.memory_space<vmem>>, %arg7: memref<32x512xi32, #tpu.memory_space<vmem>>, %arg8: memref<!tpu.dma_semaphore, #tpu.memory_space<semaphore_mem>>, %arg9: memref<!tpu.dma_semaphore, #tpu.memory_space<semaphore_mem>>) attributes {dimension_semantics = [#tpu.dimension_semantics<core_parallel>, #tpu.dimension_semantics<subcore_parallel>], iteration_bounds = array<i64: 2, 16>, scalar_prefetch = 0 : i64, scratch_operands = 5 : i64, tpu.core_type = #tpu.core_type<sc_vector_subcore>, window_params = [{transform_indices = #map}, {transform_indices = #map1}, {transform_indices = #map}]} {
    %mul3A = arith.constant 2 : i32
    %mul3A_0 = arith.muli %arg1, %mul3A : i32
    %add3A = arith.addi %mul3A_0, %arg0 : i32
    %mul3A_1 = arith.constant 320 : i32
    %mul3A_2 = arith.muli %add3A, %mul3A_1 : i32
    "tpu.region"() ({
      %run_scoped3A = tpu.sem_alloc : memref<!tpu.dma_semaphore, #tpu.memory_space<semaphore_mem>>
      %dma_start3A_161 = arith.constant 0 : i32
      %dma_start3A_162 = arith.constant 0 : i32
      %dma_start3A_163 = tpu.memref_slice %arg3[%add3A, %dma_start3A_161, %dma_start3A_162] : memref<32x10x32xi32, #tpu.memory_space<hbm>> -> memref<1x10x32xi32, #tpu.memory_space<hbm>>
      %dma_start3A_164 = tpu.memref_squeeze %dma_start3A_163 : memref<1x10x32xi32, #tpu.memory_space<hbm>> -> memref<10x32xi32, #tpu.memory_space<hbm>>
      %dma_start3A_165 = arith.constant 0 : i32
      %dma_start3A_166 = arith.constant 0 : i32
      %dma_start3A_167 = tpu.memref_slice %arg3[%add3A, %dma_start3A_165, %dma_start3A_166] : memref<32x10x32xi32, #tpu.memory_space<hbm>> -> memref<1x10x32xi32, #tpu.memory_space<hbm>>
      %dma_start3A_168 = tpu.memref_squeeze %dma_start3A_167 : memref<1x10x32xi32, #tpu.memory_space<hbm>> -> memref<10x32xi32, #tpu.memory_space<hbm>>
      tpu.enqueue_dma source(%dma_start3A_168 : memref<10x32xi32, #tpu.memory_space<hbm>>) target(%arg5 : memref<10x32xi32, #tpu.memory_space<vmem>>) target_semaphore(%run_scoped3A : memref<!tpu.dma_semaphore, #tpu.memory_space<semaphore_mem>>)
      %dma_wait3A_169 = arith.constant 0 : i32
      %dma_wait3A_170 = arith.constant 0 : i32
      %dma_wait3A_171 = tpu.memref_slice %arg3[%add3A, %dma_wait3A_169, %dma_wait3A_170] : memref<32x10x32xi32, #tpu.memory_space<hbm>> -> memref<1x10x32xi32, #tpu.memory_space<hbm>>
      %dma_wait3A_172 = tpu.memref_squeeze %dma_wait3A_171 : memref<1x10x32xi32, #tpu.memory_space<hbm>> -> memref<10x32xi32, #tpu.memory_space<hbm>>
      %dma_wait3A_173 = arith.constant 0 : i32
      %dma_wait3A_174 = arith.constant 0 : i32
      %dma_wait3A_175 = tpu.memref_slice %arg3[%add3A, %dma_wait3A_173, %dma_wait3A_174] : memref<32x10x32xi32, #tpu.memory_space<hbm>> -> memref<1x10x32xi32, #tpu.memory_space<hbm>>
      %dma_wait3A_176 = tpu.memref_squeeze %dma_wait3A_175 : memref<1x10x32xi32, #tpu.memory_space<hbm>> -> memref<10x32xi32, #tpu.memory_space<hbm>>
      tpu.wait_dma2 semaphore(%run_scoped3A : memref<!tpu.dma_semaphore, #tpu.memory_space<semaphore_mem>>) src(%dma_wait3A_176 : memref<10x32xi32, #tpu.memory_space<hbm>>) dst(%arg5 : memref<10x32xi32, #tpu.memory_space<vmem>>)
      tpu.yield
    }) : () -> ()
    %dma_start3A = arith.constant 0 : i32
    %dma_start3A_3 = arith.constant 0 : i32
    %dma_start3A_4 = tpu.memref_slice %arg5[%dma_start3A, %dma_start3A_3] : memref<10x32xi32, #tpu.memory_space<vmem>> -> memref<1x32xi32, #tpu.memory_space<vmem>>
    %dma_start3A_5 = tpu.memref_squeeze %dma_start3A_4 : memref<1x32xi32, #tpu.memory_space<vmem>> -> memref<32xi32, #tpu.memory_space<vmem>>
    %dma_start3A_6 = arith.constant 0 : i32
    %dma_start3A_7 = arith.constant 0 : i32
    %dma_start3A_8 = tpu.memref_slice %arg2[%dma_start3A_6, %dma_start3A_7] : memref<4096x512xi32, #tpu.memory_space<hbm>> -> memref<4096x512xi32, #tpu.memory_space<hbm>>
    tpu.enqueue_indirect_dma source(%dma_start3A_8 : memref<4096x512xi32, #tpu.memory_space<hbm>>) target(%arg6 : memref<32x512xi32, #tpu.memory_space<vmem>>) offsets(%dma_start3A_5 : memref<32xi32, #tpu.memory_space<vmem>>) semaphore(%arg8 : memref<!tpu.dma_semaphore, #tpu.memory_space<semaphore_mem>>)
    %dma_start3A_9 = arith.constant 1 : i32
    %dma_start3A_10 = arith.constant 0 : i32
    %dma_start3A_11 = tpu.memref_slice %arg5[%dma_start3A_9, %dma_start3A_10] : memref<10x32xi32, #tpu.memory_space<vmem>> -> memref<1x32xi32, #tpu.memory_space<vmem>>
    %dma_start3A_12 = tpu.memref_squeeze %dma_start3A_11 : memref<1x32xi32, #tpu.memory_space<vmem>> -> memref<32xi32, #tpu.memory_space<vmem>>
    %dma_start3A_13 = arith.constant 0 : i32
    %dma_start3A_14 = arith.constant 0 : i32
    %dma_start3A_15 = tpu.memref_slice %arg2[%dma_start3A_13, %dma_start3A_14] : memref<4096x512xi32, #tpu.memory_space<hbm>> -> memref<4096x512xi32, #tpu.memory_space<hbm>>
    tpu.enqueue_indirect_dma source(%dma_start3A_15 : memref<4096x512xi32, #tpu.memory_space<hbm>>) target(%arg7 : memref<32x512xi32, #tpu.memory_space<vmem>>) offsets(%dma_start3A_12 : memref<32xi32, #tpu.memory_space<vmem>>) semaphore(%arg9 : memref<!tpu.dma_semaphore, #tpu.memory_space<semaphore_mem>>)
    %dma_wait3A = arith.constant 0 : i32
    %dma_wait3A_16 = arith.constant 0 : i32
    %dma_wait3A_17 = tpu.memref_slice %arg5[%dma_wait3A, %dma_wait3A_16] : memref<10x32xi32, #tpu.memory_space<vmem>> -> memref<1x32xi32, #tpu.memory_space<vmem>>
    %dma_wait3A_18 = tpu.memref_squeeze %dma_wait3A_17 : memref<1x32xi32, #tpu.memory_space<vmem>> -> memref<32xi32, #tpu.memory_space<vmem>>
    %dma_wait3A_19 = arith.constant 0 : i32
    %dma_wait3A_20 = arith.constant 0 : i32
    %dma_wait3A_21 = tpu.memref_slice %arg2[%dma_wait3A_19, %dma_wait3A_20] : memref<4096x512xi32, #tpu.memory_space<hbm>> -> memref<4096x512xi32, #tpu.memory_space<hbm>>
    tpu.wait_indirect_dma semaphore(%arg8 : memref<!tpu.dma_semaphore, #tpu.memory_space<semaphore_mem>>) src(%dma_wait3A_21 : memref<4096x512xi32, #tpu.memory_space<hbm>>) dst(%arg6 : memref<32x512xi32, #tpu.memory_space<vmem>>)
    %add3A_22 = arith.constant 0 : i32
    %add3A_23 = arith.addi %mul3A_2, %add3A_22 : i32
    "tpu.region"() ({
      %run_scoped3A = tpu.sem_alloc : memref<!tpu.dma_semaphore, #tpu.memory_space<semaphore_mem>>
      %dma_start3A_161 = arith.constant 0 : i32
      %dma_start3A_162 = tpu.memref_slice %arg4[%add3A_23, %dma_start3A_161] : memref<10240x512xi32, #tpu.memory_space<hbm>> -> memref<32x512xi32, #tpu.memory_space<hbm>>
      %dma_start3A_163 = arith.constant 0 : i32
      %dma_start3A_164 = tpu.memref_slice %arg4[%add3A_23, %dma_start3A_163] : memref<10240x512xi32, #tpu.memory_space<hbm>> -> memref<32x512xi32, #tpu.memory_space<hbm>>
      tpu.enqueue_dma source(%arg6 : memref<32x512xi32, #tpu.memory_space<vmem>>) target(%dma_start3A_164 : memref<32x512xi32, #tpu.memory_space<hbm>>) target_semaphore(%run_scoped3A : memref<!tpu.dma_semaphore, #tpu.memory_space<semaphore_mem>>)
      %dma_wait3A_165 = arith.constant 0 : i32
      %dma_wait3A_166 = tpu.memref_slice %arg4[%add3A_23, %dma_wait3A_165] : memref<10240x512xi32, #tpu.memory_space<hbm>> -> memref<32x512xi32, #tpu.memory_space<hbm>>
      %dma_wait3A_167 = arith.constant 0 : i32
      %dma_wait3A_168 = tpu.memref_slice %arg4[%add3A_23, %dma_wait3A_167] : memref<10240x512xi32, #tpu.memory_space<hbm>> -> memref<32x512xi32, #tpu.memory_space<hbm>>
      tpu.wait_dma2 semaphore(%run_scoped3A : memref<!tpu.dma_semaphore, #tpu.memory_space<semaphore_mem>>) src(%arg6 : memref<32x512xi32, #tpu.memory_space<vmem>>) dst(%dma_wait3A_168 : memref<32x512xi32, #tpu.memory_space<hbm>>)
      tpu.yield
    }) : () -> ()
    %dma_start3A_24 = arith.constant 2 : i32
    %dma_start3A_25 = arith.constant 0 : i32
    %dma_start3A_26 = tpu.memref_slice %arg5[%dma_start3A_24, %dma_start3A_25] : memref<10x32xi32, #tpu.memory_space<vmem>> -> memref<1x32xi32, #tpu.memory_space<vmem>>
    %dma_start3A_27 = tpu.memref_squeeze %dma_start3A_26 : memref<1x32xi32, #tpu.memory_space<vmem>> -> memref<32xi32, #tpu.memory_space<vmem>>
    %dma_start3A_28 = arith.constant 0 : i32
    %dma_start3A_29 = arith.constant 0 : i32
    %dma_start3A_30 = tpu.memref_slice %arg2[%dma_start3A_28, %dma_start3A_29] : memref<4096x512xi32, #tpu.memory_space<hbm>> -> memref<4096x512xi32, #tpu.memory_space<hbm>>
    tpu.enqueue_indirect_dma source(%dma_start3A_30 : memref<4096x512xi32, #tpu.memory_space<hbm>>) target(%arg6 : memref<32x512xi32, #tpu.memory_space<vmem>>) offsets(%dma_start3A_27 : memref<32xi32, #tpu.memory_space<vmem>>) semaphore(%arg8 : memref<!tpu.dma_semaphore, #tpu.memory_space<semaphore_mem>>)
    %dma_wait3A_31 = arith.constant 1 : i32
    %dma_wait3A_32 = arith.constant 0 : i32
    %dma_wait3A_33 = tpu.memref_slice %arg5[%dma_wait3A_31, %dma_wait3A_32] : memref<10x32xi32, #tpu.memory_space<vmem>> -> memref<1x32xi32, #tpu.memory_space<vmem>>
    %dma_wait3A_34 = tpu.memref_squeeze %dma_wait3A_33 : memref<1x32xi32, #tpu.memory_space<vmem>> -> memref<32xi32, #tpu.memory_space<vmem>>
    %dma_wait3A_35 = arith.constant 0 : i32
    %dma_wait3A_36 = arith.constant 0 : i32
    %dma_wait3A_37 = tpu.memref_slice %arg2[%dma_wait3A_35, %dma_wait3A_36] : memref<4096x512xi32, #tpu.memory_space<hbm>> -> memref<4096x512xi32, #tpu.memory_space<hbm>>
    tpu.wait_indirect_dma semaphore(%arg9 : memref<!tpu.dma_semaphore, #tpu.memory_space<semaphore_mem>>) src(%dma_wait3A_37 : memref<4096x512xi32, #tpu.memory_space<hbm>>) dst(%arg7 : memref<32x512xi32, #tpu.memory_space<vmem>>)
    %add3A_38 = arith.constant 32 : i32
    %add3A_39 = arith.addi %mul3A_2, %add3A_38 : i32
    "tpu.region"() ({
      %run_scoped3A = tpu.sem_alloc : memref<!tpu.dma_semaphore, #tpu.memory_space<semaphore_mem>>
      %dma_start3A_161 = arith.constant 0 : i32
      %dma_start3A_162 = tpu.memref_slice %arg4[%add3A_39, %dma_start3A_161] : memref<10240x512xi32, #tpu.memory_space<hbm>> -> memref<32x512xi32, #tpu.memory_space<hbm>>
      %dma_start3A_163 = arith.constant 0 : i32
      %dma_start3A_164 = tpu.memref_slice %arg4[%add3A_39, %dma_start3A_163] : memref<10240x512xi32, #tpu.memory_space<hbm>> -> memref<32x512xi32, #tpu.memory_space<hbm>>
      tpu.enqueue_dma source(%arg7 : memref<32x512xi32, #tpu.memory_space<vmem>>) target(%dma_start3A_164 : memref<32x512xi32, #tpu.memory_space<hbm>>) target_semaphore(%run_scoped3A : memref<!tpu.dma_semaphore, #tpu.memory_space<semaphore_mem>>)
      %dma_wait3A_165 = arith.constant 0 : i32
      %dma_wait3A_166 = tpu.memref_slice %arg4[%add3A_39, %dma_wait3A_165] : memref<10240x512xi32, #tpu.memory_space<hbm>> -> memref<32x512xi32, #tpu.memory_space<hbm>>
      %dma_wait3A_167 = arith.constant 0 : i32
      %dma_wait3A_168 = tpu.memref_slice %arg4[%add3A_39, %dma_wait3A_167] : memref<10240x512xi32, #tpu.memory_space<hbm>> -> memref<32x512xi32, #tpu.memory_space<hbm>>
      tpu.wait_dma2 semaphore(%run_scoped3A : memref<!tpu.dma_semaphore, #tpu.memory_space<semaphore_mem>>) src(%arg7 : memref<32x512xi32, #tpu.memory_space<vmem>>) dst(%dma_wait3A_168 : memref<32x512xi32, #tpu.memory_space<hbm>>)
      tpu.yield
    }) : () -> ()
    %dma_start3A_40 = arith.constant 3 : i32
    %dma_start3A_41 = arith.constant 0 : i32
    %dma_start3A_42 = tpu.memref_slice %arg5[%dma_start3A_40, %dma_start3A_41] : memref<10x32xi32, #tpu.memory_space<vmem>> -> memref<1x32xi32, #tpu.memory_space<vmem>>
    %dma_start3A_43 = tpu.memref_squeeze %dma_start3A_42 : memref<1x32xi32, #tpu.memory_space<vmem>> -> memref<32xi32, #tpu.memory_space<vmem>>
    %dma_start3A_44 = arith.constant 0 : i32
    %dma_start3A_45 = arith.constant 0 : i32
    %dma_start3A_46 = tpu.memref_slice %arg2[%dma_start3A_44, %dma_start3A_45] : memref<4096x512xi32, #tpu.memory_space<hbm>> -> memref<4096x512xi32, #tpu.memory_space<hbm>>
    tpu.enqueue_indirect_dma source(%dma_start3A_46 : memref<4096x512xi32, #tpu.memory_space<hbm>>) target(%arg7 : memref<32x512xi32, #tpu.memory_space<vmem>>) offsets(%dma_start3A_43 : memref<32xi32, #tpu.memory_space<vmem>>) semaphore(%arg9 : memref<!tpu.dma_semaphore, #tpu.memory_space<semaphore_mem>>)
    %dma_wait3A_47 = arith.constant 2 : i32
    %dma_wait3A_48 = arith.constant 0 : i32
    %dma_wait3A_49 = tpu.memref_slice %arg5[%dma_wait3A_47, %dma_wait3A_48] : memref<10x32xi32, #tpu.memory_space<vmem>> -> memref<1x32xi32, #tpu.memory_space<vmem>>
    %dma_wait3A_50 = tpu.memref_squeeze %dma_wait3A_49 : memref<1x32xi32, #tpu.memory_space<vmem>> -> memref<32xi32, #tpu.memory_space<vmem>>
    %dma_wait3A_51 = arith.constant 0 : i32
    %dma_wait3A_52 = arith.constant 0 : i32
    %dma_wait3A_53 = tpu.memref_slice %arg2[%dma_wait3A_51, %dma_wait3A_52] : memref<4096x512xi32, #tpu.memory_space<hbm>> -> memref<4096x512xi32, #tpu.memory_space<hbm>>
    tpu.wait_indirect_dma semaphore(%arg8 : memref<!tpu.dma_semaphore, #tpu.memory_space<semaphore_mem>>) src(%dma_wait3A_53 : memref<4096x512xi32, #tpu.memory_space<hbm>>) dst(%arg6 : memref<32x512xi32, #tpu.memory_space<vmem>>)
    %add3A_54 = arith.constant 64 : i32
    %add3A_55 = arith.addi %mul3A_2, %add3A_54 : i32
    "tpu.region"() ({
      %run_scoped3A = tpu.sem_alloc : memref<!tpu.dma_semaphore, #tpu.memory_space<semaphore_mem>>
      %dma_start3A_161 = arith.constant 0 : i32
      %dma_start3A_162 = tpu.memref_slice %arg4[%add3A_55, %dma_start3A_161] : memref<10240x512xi32, #tpu.memory_space<hbm>> -> memref<32x512xi32, #tpu.memory_space<hbm>>
      %dma_start3A_163 = arith.constant 0 : i32
      %dma_start3A_164 = tpu.memref_slice %arg4[%add3A_55, %dma_start3A_163] : memref<10240x512xi32, #tpu.memory_space<hbm>> -> memref<32x512xi32, #tpu.memory_space<hbm>>
      tpu.enqueue_dma source(%arg6 : memref<32x512xi32, #tpu.memory_space<vmem>>) target(%dma_start3A_164 : memref<32x512xi32, #tpu.memory_space<hbm>>) target_semaphore(%run_scoped3A : memref<!tpu.dma_semaphore, #tpu.memory_space<semaphore_mem>>)
      %dma_wait3A_165 = arith.constant 0 : i32
      %dma_wait3A_166 = tpu.memref_slice %arg4[%add3A_55, %dma_wait3A_165] : memref<10240x512xi32, #tpu.memory_space<hbm>> -> memref<32x512xi32, #tpu.memory_space<hbm>>
      %dma_wait3A_167 = arith.constant 0 : i32
      %dma_wait3A_168 = tpu.memref_slice %arg4[%add3A_55, %dma_wait3A_167] : memref<10240x512xi32, #tpu.memory_space<hbm>> -> memref<32x512xi32, #tpu.memory_space<hbm>>
      tpu.wait_dma2 semaphore(%run_scoped3A : memref<!tpu.dma_semaphore, #tpu.memory_space<semaphore_mem>>) src(%arg6 : memref<32x512xi32, #tpu.memory_space<vmem>>) dst(%dma_wait3A_168 : memref<32x512xi32, #tpu.memory_space<hbm>>)
      tpu.yield
    }) : () -> ()
    %dma_start3A_56 = arith.constant 4 : i32
    %dma_start3A_57 = arith.constant 0 : i32
    %dma_start3A_58 = tpu.memref_slice %arg5[%dma_start3A_56, %dma_start3A_57] : memref<10x32xi32, #tpu.memory_space<vmem>> -> memref<1x32xi32, #tpu.memory_space<vmem>>
    %dma_start3A_59 = tpu.memref_squeeze %dma_start3A_58 : memref<1x32xi32, #tpu.memory_space<vmem>> -> memref<32xi32, #tpu.memory_space<vmem>>
    %dma_start3A_60 = arith.constant 0 : i32
    %dma_start3A_61 = arith.constant 0 : i32
    %dma_start3A_62 = tpu.memref_slice %arg2[%dma_start3A_60, %dma_start3A_61] : memref<4096x512xi32, #tpu.memory_space<hbm>> -> memref<4096x512xi32, #tpu.memory_space<hbm>>
    tpu.enqueue_indirect_dma source(%dma_start3A_62 : memref<4096x512xi32, #tpu.memory_space<hbm>>) target(%arg6 : memref<32x512xi32, #tpu.memory_space<vmem>>) offsets(%dma_start3A_59 : memref<32xi32, #tpu.memory_space<vmem>>) semaphore(%arg8 : memref<!tpu.dma_semaphore, #tpu.memory_space<semaphore_mem>>)
    %dma_wait3A_63 = arith.constant 3 : i32
    %dma_wait3A_64 = arith.constant 0 : i32
    %dma_wait3A_65 = tpu.memref_slice %arg5[%dma_wait3A_63, %dma_wait3A_64] : memref<10x32xi32, #tpu.memory_space<vmem>> -> memref<1x32xi32, #tpu.memory_space<vmem>>
    %dma_wait3A_66 = tpu.memref_squeeze %dma_wait3A_65 : memref<1x32xi32, #tpu.memory_space<vmem>> -> memref<32xi32, #tpu.memory_space<vmem>>
    %dma_wait3A_67 = arith.constant 0 : i32
    %dma_wait3A_68 = arith.constant 0 : i32
    %dma_wait3A_69 = tpu.memref_slice %arg2[%dma_wait3A_67, %dma_wait3A_68] : memref<4096x512xi32, #tpu.memory_space<hbm>> -> memref<4096x512xi32, #tpu.memory_space<hbm>>
    tpu.wait_indirect_dma semaphore(%arg9 : memref<!tpu.dma_semaphore, #tpu.memory_space<semaphore_mem>>) src(%dma_wait3A_69 : memref<4096x512xi32, #tpu.memory_space<hbm>>) dst(%arg7 : memref<32x512xi32, #tpu.memory_space<vmem>>)
    %add3A_70 = arith.constant 96 : i32
    %add3A_71 = arith.addi %mul3A_2, %add3A_70 : i32
    "tpu.region"() ({
      %run_scoped3A = tpu.sem_alloc : memref<!tpu.dma_semaphore, #tpu.memory_space<semaphore_mem>>
      %dma_start3A_161 = arith.constant 0 : i32
      %dma_start3A_162 = tpu.memref_slice %arg4[%add3A_71, %dma_start3A_161] : memref<10240x512xi32, #tpu.memory_space<hbm>> -> memref<32x512xi32, #tpu.memory_space<hbm>>
      %dma_start3A_163 = arith.constant 0 : i32
      %dma_start3A_164 = tpu.memref_slice %arg4[%add3A_71, %dma_start3A_163] : memref<10240x512xi32, #tpu.memory_space<hbm>> -> memref<32x512xi32, #tpu.memory_space<hbm>>
      tpu.enqueue_dma source(%arg7 : memref<32x512xi32, #tpu.memory_space<vmem>>) target(%dma_start3A_164 : memref<32x512xi32, #tpu.memory_space<hbm>>) target_semaphore(%run_scoped3A : memref<!tpu.dma_semaphore, #tpu.memory_space<semaphore_mem>>)
      %dma_wait3A_165 = arith.constant 0 : i32
      %dma_wait3A_166 = tpu.memref_slice %arg4[%add3A_71, %dma_wait3A_165] : memref<10240x512xi32, #tpu.memory_space<hbm>> -> memref<32x512xi32, #tpu.memory_space<hbm>>
      %dma_wait3A_167 = arith.constant 0 : i32
      %dma_wait3A_168 = tpu.memref_slice %arg4[%add3A_71, %dma_wait3A_167] : memref<10240x512xi32, #tpu.memory_space<hbm>> -> memref<32x512xi32, #tpu.memory_space<hbm>>
      tpu.wait_dma2 semaphore(%run_scoped3A : memref<!tpu.dma_semaphore, #tpu.memory_space<semaphore_mem>>) src(%arg7 : memref<32x512xi32, #tpu.memory_space<vmem>>) dst(%dma_wait3A_168 : memref<32x512xi32, #tpu.memory_space<hbm>>)
      tpu.yield
    }) : () -> ()
    %dma_start3A_72 = arith.constant 5 : i32
    %dma_start3A_73 = arith.constant 0 : i32
    %dma_start3A_74 = tpu.memref_slice %arg5[%dma_start3A_72, %dma_start3A_73] : memref<10x32xi32, #tpu.memory_space<vmem>> -> memref<1x32xi32, #tpu.memory_space<vmem>>
    %dma_start3A_75 = tpu.memref_squeeze %dma_start3A_74 : memref<1x32xi32, #tpu.memory_space<vmem>> -> memref<32xi32, #tpu.memory_space<vmem>>
    %dma_start3A_76 = arith.constant 0 : i32
    %dma_start3A_77 = arith.constant 0 : i32
    %dma_start3A_78 = tpu.memref_slice %arg2[%dma_start3A_76, %dma_start3A_77] : memref<4096x512xi32, #tpu.memory_space<hbm>> -> memref<4096x512xi32, #tpu.memory_space<hbm>>
    tpu.enqueue_indirect_dma source(%dma_start3A_78 : memref<4096x512xi32, #tpu.memory_space<hbm>>) target(%arg7 : memref<32x512xi32, #tpu.memory_space<vmem>>) offsets(%dma_start3A_75 : memref<32xi32, #tpu.memory_space<vmem>>) semaphore(%arg9 : memref<!tpu.dma_semaphore, #tpu.memory_space<semaphore_mem>>)
    %dma_wait3A_79 = arith.constant 4 : i32
    %dma_wait3A_80 = arith.constant 0 : i32
    %dma_wait3A_81 = tpu.memref_slice %arg5[%dma_wait3A_79, %dma_wait3A_80] : memref<10x32xi32, #tpu.memory_space<vmem>> -> memref<1x32xi32, #tpu.memory_space<vmem>>
    %dma_wait3A_82 = tpu.memref_squeeze %dma_wait3A_81 : memref<1x32xi32, #tpu.memory_space<vmem>> -> memref<32xi32, #tpu.memory_space<vmem>>
    %dma_wait3A_83 = arith.constant 0 : i32
    %dma_wait3A_84 = arith.constant 0 : i32
    %dma_wait3A_85 = tpu.memref_slice %arg2[%dma_wait3A_83, %dma_wait3A_84] : memref<4096x512xi32, #tpu.memory_space<hbm>> -> memref<4096x512xi32, #tpu.memory_space<hbm>>
    tpu.wait_indirect_dma semaphore(%arg8 : memref<!tpu.dma_semaphore, #tpu.memory_space<semaphore_mem>>) src(%dma_wait3A_85 : memref<4096x512xi32, #tpu.memory_space<hbm>>) dst(%arg6 : memref<32x512xi32, #tpu.memory_space<vmem>>)
    %add3A_86 = arith.constant 128 : i32
    %add3A_87 = arith.addi %mul3A_2, %add3A_86 : i32
    "tpu.region"() ({
      %run_scoped3A = tpu.sem_alloc : memref<!tpu.dma_semaphore, #tpu.memory_space<semaphore_mem>>
      %dma_start3A_161 = arith.constant 0 : i32
      %dma_start3A_162 = tpu.memref_slice %arg4[%add3A_87, %dma_start3A_161] : memref<10240x512xi32, #tpu.memory_space<hbm>> -> memref<32x512xi32, #tpu.memory_space<hbm>>
      %dma_start3A_163 = arith.constant 0 : i32
      %dma_start3A_164 = tpu.memref_slice %arg4[%add3A_87, %dma_start3A_163] : memref<10240x512xi32, #tpu.memory_space<hbm>> -> memref<32x512xi32, #tpu.memory_space<hbm>>
      tpu.enqueue_dma source(%arg6 : memref<32x512xi32, #tpu.memory_space<vmem>>) target(%dma_start3A_164 : memref<32x512xi32, #tpu.memory_space<hbm>>) target_semaphore(%run_scoped3A : memref<!tpu.dma_semaphore, #tpu.memory_space<semaphore_mem>>)
      %dma_wait3A_165 = arith.constant 0 : i32
      %dma_wait3A_166 = tpu.memref_slice %arg4[%add3A_87, %dma_wait3A_165] : memref<10240x512xi32, #tpu.memory_space<hbm>> -> memref<32x512xi32, #tpu.memory_space<hbm>>
      %dma_wait3A_167 = arith.constant 0 : i32
      %dma_wait3A_168 = tpu.memref_slice %arg4[%add3A_87, %dma_wait3A_167] : memref<10240x512xi32, #tpu.memory_space<hbm>> -> memref<32x512xi32, #tpu.memory_space<hbm>>
      tpu.wait_dma2 semaphore(%run_scoped3A : memref<!tpu.dma_semaphore, #tpu.memory_space<semaphore_mem>>) src(%arg6 : memref<32x512xi32, #tpu.memory_space<vmem>>) dst(%dma_wait3A_168 : memref<32x512xi32, #tpu.memory_space<hbm>>)
      tpu.yield
    }) : () -> ()
    %dma_start3A_88 = arith.constant 6 : i32
    %dma_start3A_89 = arith.constant 0 : i32
    %dma_start3A_90 = tpu.memref_slice %arg5[%dma_start3A_88, %dma_start3A_89] : memref<10x32xi32, #tpu.memory_space<vmem>> -> memref<1x32xi32, #tpu.memory_space<vmem>>
    %dma_start3A_91 = tpu.memref_squeeze %dma_start3A_90 : memref<1x32xi32, #tpu.memory_space<vmem>> -> memref<32xi32, #tpu.memory_space<vmem>>
    %dma_start3A_92 = arith.constant 0 : i32
    %dma_start3A_93 = arith.constant 0 : i32
    %dma_start3A_94 = tpu.memref_slice %arg2[%dma_start3A_92, %dma_start3A_93] : memref<4096x512xi32, #tpu.memory_space<hbm>> -> memref<4096x512xi32, #tpu.memory_space<hbm>>
    tpu.enqueue_indirect_dma source(%dma_start3A_94 : memref<4096x512xi32, #tpu.memory_space<hbm>>) target(%arg6 : memref<32x512xi32, #tpu.memory_space<vmem>>) offsets(%dma_start3A_91 : memref<32xi32, #tpu.memory_space<vmem>>) semaphore(%arg8 : memref<!tpu.dma_semaphore, #tpu.memory_space<semaphore_mem>>)
    %dma_wait3A_95 = arith.constant 5 : i32
    %dma_wait3A_96 = arith.constant 0 : i32
    %dma_wait3A_97 = tpu.memref_slice %arg5[%dma_wait3A_95, %dma_wait3A_96] : memref<10x32xi32, #tpu.memory_space<vmem>> -> memref<1x32xi32, #tpu.memory_space<vmem>>
    %dma_wait3A_98 = tpu.memref_squeeze %dma_wait3A_97 : memref<1x32xi32, #tpu.memory_space<vmem>> -> memref<32xi32, #tpu.memory_space<vmem>>
    %dma_wait3A_99 = arith.constant 0 : i32
    %dma_wait3A_100 = arith.constant 0 : i32
    %dma_wait3A_101 = tpu.memref_slice %arg2[%dma_wait3A_99, %dma_wait3A_100] : memref<4096x512xi32, #tpu.memory_space<hbm>> -> memref<4096x512xi32, #tpu.memory_space<hbm>>
    tpu.wait_indirect_dma semaphore(%arg9 : memref<!tpu.dma_semaphore, #tpu.memory_space<semaphore_mem>>) src(%dma_wait3A_101 : memref<4096x512xi32, #tpu.memory_space<hbm>>) dst(%arg7 : memref<32x512xi32, #tpu.memory_space<vmem>>)
    %add3A_102 = arith.constant 160 : i32
    %add3A_103 = arith.addi %mul3A_2, %add3A_102 : i32
    "tpu.region"() ({
      %run_scoped3A = tpu.sem_alloc : memref<!tpu.dma_semaphore, #tpu.memory_space<semaphore_mem>>
      %dma_start3A_161 = arith.constant 0 : i32
      %dma_start3A_162 = tpu.memref_slice %arg4[%add3A_103, %dma_start3A_161] : memref<10240x512xi32, #tpu.memory_space<hbm>> -> memref<32x512xi32, #tpu.memory_space<hbm>>
      %dma_start3A_163 = arith.constant 0 : i32
      %dma_start3A_164 = tpu.memref_slice %arg4[%add3A_103, %dma_start3A_163] : memref<10240x512xi32, #tpu.memory_space<hbm>> -> memref<32x512xi32, #tpu.memory_space<hbm>>
      tpu.enqueue_dma source(%arg7 : memref<32x512xi32, #tpu.memory_space<vmem>>) target(%dma_start3A_164 : memref<32x512xi32, #tpu.memory_space<hbm>>) target_semaphore(%run_scoped3A : memref<!tpu.dma_semaphore, #tpu.memory_space<semaphore_mem>>)
      %dma_wait3A_165 = arith.constant 0 : i32
      %dma_wait3A_166 = tpu.memref_slice %arg4[%add3A_103, %dma_wait3A_165] : memref<10240x512xi32, #tpu.memory_space<hbm>> -> memref<32x512xi32, #tpu.memory_space<hbm>>
      %dma_wait3A_167 = arith.constant 0 : i32
      %dma_wait3A_168 = tpu.memref_slice %arg4[%add3A_103, %dma_wait3A_167] : memref<10240x512xi32, #tpu.memory_space<hbm>> -> memref<32x512xi32, #tpu.memory_space<hbm>>
      tpu.wait_dma2 semaphore(%run_scoped3A : memref<!tpu.dma_semaphore, #tpu.memory_space<semaphore_mem>>) src(%arg7 : memref<32x512xi32, #tpu.memory_space<vmem>>) dst(%dma_wait3A_168 : memref<32x512xi32, #tpu.memory_space<hbm>>)
      tpu.yield
    }) : () -> ()
    %dma_start3A_104 = arith.constant 7 : i32
    %dma_start3A_105 = arith.constant 0 : i32
    %dma_start3A_106 = tpu.memref_slice %arg5[%dma_start3A_104, %dma_start3A_105] : memref<10x32xi32, #tpu.memory_space<vmem>> -> memref<1x32xi32, #tpu.memory_space<vmem>>
    %dma_start3A_107 = tpu.memref_squeeze %dma_start3A_106 : memref<1x32xi32, #tpu.memory_space<vmem>> -> memref<32xi32, #tpu.memory_space<vmem>>
    %dma_start3A_108 = arith.constant 0 : i32
    %dma_start3A_109 = arith.constant 0 : i32
    %dma_start3A_110 = tpu.memref_slice %arg2[%dma_start3A_108, %dma_start3A_109] : memref<4096x512xi32, #tpu.memory_space<hbm>> -> memref<4096x512xi32, #tpu.memory_space<hbm>>
    tpu.enqueue_indirect_dma source(%dma_start3A_110 : memref<4096x512xi32, #tpu.memory_space<hbm>>) target(%arg7 : memref<32x512xi32, #tpu.memory_space<vmem>>) offsets(%dma_start3A_107 : memref<32xi32, #tpu.memory_space<vmem>>) semaphore(%arg9 : memref<!tpu.dma_semaphore, #tpu.memory_space<semaphore_mem>>)
    %dma_wait3A_111 = arith.constant 6 : i32
    %dma_wait3A_112 = arith.constant 0 : i32
    %dma_wait3A_113 = tpu.memref_slice %arg5[%dma_wait3A_111, %dma_wait3A_112] : memref<10x32xi32, #tpu.memory_space<vmem>> -> memref<1x32xi32, #tpu.memory_space<vmem>>
    %dma_wait3A_114 = tpu.memref_squeeze %dma_wait3A_113 : memref<1x32xi32, #tpu.memory_space<vmem>> -> memref<32xi32, #tpu.memory_space<vmem>>
    %dma_wait3A_115 = arith.constant 0 : i32
    %dma_wait3A_116 = arith.constant 0 : i32
    %dma_wait3A_117 = tpu.memref_slice %arg2[%dma_wait3A_115, %dma_wait3A_116] : memref<4096x512xi32, #tpu.memory_space<hbm>> -> memref<4096x512xi32, #tpu.memory_space<hbm>>
    tpu.wait_indirect_dma semaphore(%arg8 : memref<!tpu.dma_semaphore, #tpu.memory_space<semaphore_mem>>) src(%dma_wait3A_117 : memref<4096x512xi32, #tpu.memory_space<hbm>>) dst(%arg6 : memref<32x512xi32, #tpu.memory_space<vmem>>)
    %add3A_118 = arith.constant 192 : i32
    %add3A_119 = arith.addi %mul3A_2, %add3A_118 : i32
    "tpu.region"() ({
      %run_scoped3A = tpu.sem_alloc : memref<!tpu.dma_semaphore, #tpu.memory_space<semaphore_mem>>
      %dma_start3A_161 = arith.constant 0 : i32
      %dma_start3A_162 = tpu.memref_slice %arg4[%add3A_119, %dma_start3A_161] : memref<10240x512xi32, #tpu.memory_space<hbm>> -> memref<32x512xi32, #tpu.memory_space<hbm>>
      %dma_start3A_163 = arith.constant 0 : i32
      %dma_start3A_164 = tpu.memref_slice %arg4[%add3A_119, %dma_start3A_163] : memref<10240x512xi32, #tpu.memory_space<hbm>> -> memref<32x512xi32, #tpu.memory_space<hbm>>
      tpu.enqueue_dma source(%arg6 : memref<32x512xi32, #tpu.memory_space<vmem>>) target(%dma_start3A_164 : memref<32x512xi32, #tpu.memory_space<hbm>>) target_semaphore(%run_scoped3A : memref<!tpu.dma_semaphore, #tpu.memory_space<semaphore_mem>>)
      %dma_wait3A_165 = arith.constant 0 : i32
      %dma_wait3A_166 = tpu.memref_slice %arg4[%add3A_119, %dma_wait3A_165] : memref<10240x512xi32, #tpu.memory_space<hbm>> -> memref<32x512xi32, #tpu.memory_space<hbm>>
      %dma_wait3A_167 = arith.constant 0 : i32
      %dma_wait3A_168 = tpu.memref_slice %arg4[%add3A_119, %dma_wait3A_167] : memref<10240x512xi32, #tpu.memory_space<hbm>> -> memref<32x512xi32, #tpu.memory_space<hbm>>
      tpu.wait_dma2 semaphore(%run_scoped3A : memref<!tpu.dma_semaphore, #tpu.memory_space<semaphore_mem>>) src(%arg6 : memref<32x512xi32, #tpu.memory_space<vmem>>) dst(%dma_wait3A_168 : memref<32x512xi32, #tpu.memory_space<hbm>>)
      tpu.yield
    }) : () -> ()
    %dma_start3A_120 = arith.constant 8 : i32
    %dma_start3A_121 = arith.constant 0 : i32
    %dma_start3A_122 = tpu.memref_slice %arg5[%dma_start3A_120, %dma_start3A_121] : memref<10x32xi32, #tpu.memory_space<vmem>> -> memref<1x32xi32, #tpu.memory_space<vmem>>
    %dma_start3A_123 = tpu.memref_squeeze %dma_start3A_122 : memref<1x32xi32, #tpu.memory_space<vmem>> -> memref<32xi32, #tpu.memory_space<vmem>>
    %dma_start3A_124 = arith.constant 0 : i32
    %dma_start3A_125 = arith.constant 0 : i32
    %dma_start3A_126 = tpu.memref_slice %arg2[%dma_start3A_124, %dma_start3A_125] : memref<4096x512xi32, #tpu.memory_space<hbm>> -> memref<4096x512xi32, #tpu.memory_space<hbm>>
    tpu.enqueue_indirect_dma source(%dma_start3A_126 : memref<4096x512xi32, #tpu.memory_space<hbm>>) target(%arg6 : memref<32x512xi32, #tpu.memory_space<vmem>>) offsets(%dma_start3A_123 : memref<32xi32, #tpu.memory_space<vmem>>) semaphore(%arg8 : memref<!tpu.dma_semaphore, #tpu.memory_space<semaphore_mem>>)
    %dma_wait3A_127 = arith.constant 7 : i32
    %dma_wait3A_128 = arith.constant 0 : i32
    %dma_wait3A_129 = tpu.memref_slice %arg5[%dma_wait3A_127, %dma_wait3A_128] : memref<10x32xi32, #tpu.memory_space<vmem>> -> memref<1x32xi32, #tpu.memory_space<vmem>>
    %dma_wait3A_130 = tpu.memref_squeeze %dma_wait3A_129 : memref<1x32xi32, #tpu.memory_space<vmem>> -> memref<32xi32, #tpu.memory_space<vmem>>
    %dma_wait3A_131 = arith.constant 0 : i32
    %dma_wait3A_132 = arith.constant 0 : i32
    %dma_wait3A_133 = tpu.memref_slice %arg2[%dma_wait3A_131, %dma_wait3A_132] : memref<4096x512xi32, #tpu.memory_space<hbm>> -> memref<4096x512xi32, #tpu.memory_space<hbm>>
    tpu.wait_indirect_dma semaphore(%arg9 : memref<!tpu.dma_semaphore, #tpu.memory_space<semaphore_mem>>) src(%dma_wait3A_133 : memref<4096x512xi32, #tpu.memory_space<hbm>>) dst(%arg7 : memref<32x512xi32, #tpu.memory_space<vmem>>)
    %add3A_134 = arith.constant 224 : i32
    %add3A_135 = arith.addi %mul3A_2, %add3A_134 : i32
    "tpu.region"() ({
      %run_scoped3A = tpu.sem_alloc : memref<!tpu.dma_semaphore, #tpu.memory_space<semaphore_mem>>
      %dma_start3A_161 = arith.constant 0 : i32
      %dma_start3A_162 = tpu.memref_slice %arg4[%add3A_135, %dma_start3A_161] : memref<10240x512xi32, #tpu.memory_space<hbm>> -> memref<32x512xi32, #tpu.memory_space<hbm>>
      %dma_start3A_163 = arith.constant 0 : i32
      %dma_start3A_164 = tpu.memref_slice %arg4[%add3A_135, %dma_start3A_163] : memref<10240x512xi32, #tpu.memory_space<hbm>> -> memref<32x512xi32, #tpu.memory_space<hbm>>
      tpu.enqueue_dma source(%arg7 : memref<32x512xi32, #tpu.memory_space<vmem>>) target(%dma_start3A_164 : memref<32x512xi32, #tpu.memory_space<hbm>>) target_semaphore(%run_scoped3A : memref<!tpu.dma_semaphore, #tpu.memory_space<semaphore_mem>>)
      %dma_wait3A_165 = arith.constant 0 : i32
      %dma_wait3A_166 = tpu.memref_slice %arg4[%add3A_135, %dma_wait3A_165] : memref<10240x512xi32, #tpu.memory_space<hbm>> -> memref<32x512xi32, #tpu.memory_space<hbm>>
      %dma_wait3A_167 = arith.constant 0 : i32
      %dma_wait3A_168 = tpu.memref_slice %arg4[%add3A_135, %dma_wait3A_167] : memref<10240x512xi32, #tpu.memory_space<hbm>> -> memref<32x512xi32, #tpu.memory_space<hbm>>
      tpu.wait_dma2 semaphore(%run_scoped3A : memref<!tpu.dma_semaphore, #tpu.memory_space<semaphore_mem>>) src(%arg7 : memref<32x512xi32, #tpu.memory_space<vmem>>) dst(%dma_wait3A_168 : memref<32x512xi32, #tpu.memory_space<hbm>>)
      tpu.yield
    }) : () -> ()
    %dma_start3A_136 = arith.constant 9 : i32
    %dma_start3A_137 = arith.constant 0 : i32
    %dma_start3A_138 = tpu.memref_slice %arg5[%dma_start3A_136, %dma_start3A_137] : memref<10x32xi32, #tpu.memory_space<vmem>> -> memref<1x32xi32, #tpu.memory_space<vmem>>
    %dma_start3A_139 = tpu.memref_squeeze %dma_start3A_138 : memref<1x32xi32, #tpu.memory_space<vmem>> -> memref<32xi32, #tpu.memory_space<vmem>>
    %dma_start3A_140 = arith.constant 0 : i32
    %dma_start3A_141 = arith.constant 0 : i32
    %dma_start3A_142 = tpu.memref_slice %arg2[%dma_start3A_140, %dma_start3A_141] : memref<4096x512xi32, #tpu.memory_space<hbm>> -> memref<4096x512xi32, #tpu.memory_space<hbm>>
    tpu.enqueue_indirect_dma source(%dma_start3A_142 : memref<4096x512xi32, #tpu.memory_space<hbm>>) target(%arg7 : memref<32x512xi32, #tpu.memory_space<vmem>>) offsets(%dma_start3A_139 : memref<32xi32, #tpu.memory_space<vmem>>) semaphore(%arg9 : memref<!tpu.dma_semaphore, #tpu.memory_space<semaphore_mem>>)
    %dma_wait3A_143 = arith.constant 8 : i32
    %dma_wait3A_144 = arith.constant 0 : i32
    %dma_wait3A_145 = tpu.memref_slice %arg5[%dma_wait3A_143, %dma_wait3A_144] : memref<10x32xi32, #tpu.memory_space<vmem>> -> memref<1x32xi32, #tpu.memory_space<vmem>>
    %dma_wait3A_146 = tpu.memref_squeeze %dma_wait3A_145 : memref<1x32xi32, #tpu.memory_space<vmem>> -> memref<32xi32, #tpu.memory_space<vmem>>
    %dma_wait3A_147 = arith.constant 0 : i32
    %dma_wait3A_148 = arith.constant 0 : i32
    %dma_wait3A_149 = tpu.memref_slice %arg2[%dma_wait3A_147, %dma_wait3A_148] : memref<4096x512xi32, #tpu.memory_space<hbm>> -> memref<4096x512xi32, #tpu.memory_space<hbm>>
    tpu.wait_indirect_dma semaphore(%arg8 : memref<!tpu.dma_semaphore, #tpu.memory_space<semaphore_mem>>) src(%dma_wait3A_149 : memref<4096x512xi32, #tpu.memory_space<hbm>>) dst(%arg6 : memref<32x512xi32, #tpu.memory_space<vmem>>)
    %add3A_150 = arith.constant 256 : i32
    %add3A_151 = arith.addi %mul3A_2, %add3A_150 : i32
    "tpu.region"() ({
      %run_scoped3A = tpu.sem_alloc : memref<!tpu.dma_semaphore, #tpu.memory_space<semaphore_mem>>
      %dma_start3A_161 = arith.constant 0 : i32
      %dma_start3A_162 = tpu.memref_slice %arg4[%add3A_151, %dma_start3A_161] : memref<10240x512xi32, #tpu.memory_space<hbm>> -> memref<32x512xi32, #tpu.memory_space<hbm>>
      %dma_start3A_163 = arith.constant 0 : i32
      %dma_start3A_164 = tpu.memref_slice %arg4[%add3A_151, %dma_start3A_163] : memref<10240x512xi32, #tpu.memory_space<hbm>> -> memref<32x512xi32, #tpu.memory_space<hbm>>
      tpu.enqueue_dma source(%arg6 : memref<32x512xi32, #tpu.memory_space<vmem>>) target(%dma_start3A_164 : memref<32x512xi32, #tpu.memory_space<hbm>>) target_semaphore(%run_scoped3A : memref<!tpu.dma_semaphore, #tpu.memory_space<semaphore_mem>>)
      %dma_wait3A_165 = arith.constant 0 : i32
      %dma_wait3A_166 = tpu.memref_slice %arg4[%add3A_151, %dma_wait3A_165] : memref<10240x512xi32, #tpu.memory_space<hbm>> -> memref<32x512xi32, #tpu.memory_space<hbm>>
      %dma_wait3A_167 = arith.constant 0 : i32
      %dma_wait3A_168 = tpu.memref_slice %arg4[%add3A_151, %dma_wait3A_167] : memref<10240x512xi32, #tpu.memory_space<hbm>> -> memref<32x512xi32, #tpu.memory_space<hbm>>
      tpu.wait_dma2 semaphore(%run_scoped3A : memref<!tpu.dma_semaphore, #tpu.memory_space<semaphore_mem>>) src(%arg6 : memref<32x512xi32, #tpu.memory_space<vmem>>) dst(%dma_wait3A_168 : memref<32x512xi32, #tpu.memory_space<hbm>>)
      tpu.yield
    }) : () -> ()
    %dma_wait3A_152 = arith.constant 9 : i32
    %dma_wait3A_153 = arith.constant 0 : i32
    %dma_wait3A_154 = tpu.memref_slice %arg5[%dma_wait3A_152, %dma_wait3A_153] : memref<10x32xi32, #tpu.memory_space<vmem>> -> memref<1x32xi32, #tpu.memory_space<vmem>>
    %dma_wait3A_155 = tpu.memref_squeeze %dma_wait3A_154 : memref<1x32xi32, #tpu.memory_space<vmem>> -> memref<32xi32, #tpu.memory_space<vmem>>
    %dma_wait3A_156 = arith.constant 0 : i32
    %dma_wait3A_157 = arith.constant 0 : i32
    %dma_wait3A_158 = tpu.memref_slice %arg2[%dma_wait3A_156, %dma_wait3A_157] : memref<4096x512xi32, #tpu.memory_space<hbm>> -> memref<4096x512xi32, #tpu.memory_space<hbm>>
    tpu.wait_indirect_dma semaphore(%arg9 : memref<!tpu.dma_semaphore, #tpu.memory_space<semaphore_mem>>) src(%dma_wait3A_158 : memref<4096x512xi32, #tpu.memory_space<hbm>>) dst(%arg7 : memref<32x512xi32, #tpu.memory_space<vmem>>)
    %add3A_159 = arith.constant 288 : i32
    %add3A_160 = arith.addi %mul3A_2, %add3A_159 : i32
    "tpu.region"() ({
      %run_scoped3A = tpu.sem_alloc : memref<!tpu.dma_semaphore, #tpu.memory_space<semaphore_mem>>
      %dma_start3A_161 = arith.constant 0 : i32
      %dma_start3A_162 = tpu.memref_slice %arg4[%add3A_160, %dma_start3A_161] : memref<10240x512xi32, #tpu.memory_space<hbm>> -> memref<32x512xi32, #tpu.memory_space<hbm>>
      %dma_start3A_163 = arith.constant 0 : i32
      %dma_start3A_164 = tpu.memref_slice %arg4[%add3A_160, %dma_start3A_163] : memref<10240x512xi32, #tpu.memory_space<hbm>> -> memref<32x512xi32, #tpu.memory_space<hbm>>
      tpu.enqueue_dma source(%arg7 : memref<32x512xi32, #tpu.memory_space<vmem>>) target(%dma_start3A_164 : memref<32x512xi32, #tpu.memory_space<hbm>>) target_semaphore(%run_scoped3A : memref<!tpu.dma_semaphore, #tpu.memory_space<semaphore_mem>>)
      %dma_wait3A_165 = arith.constant 0 : i32
      %dma_wait3A_166 = tpu.memref_slice %arg4[%add3A_160, %dma_wait3A_165] : memref<10240x512xi32, #tpu.memory_space<hbm>> -> memref<32x512xi32, #tpu.memory_space<hbm>>
      %dma_wait3A_167 = arith.constant 0 : i32
      %dma_wait3A_168 = tpu.memref_slice %arg4[%add3A_160, %dma_wait3A_167] : memref<10240x512xi32, #tpu.memory_space<hbm>> -> memref<32x512xi32, #tpu.memory_space<hbm>>
      tpu.wait_dma2 semaphore(%run_scoped3A : memref<!tpu.dma_semaphore, #tpu.memory_space<semaphore_mem>>) src(%arg7 : memref<32x512xi32, #tpu.memory_space<vmem>>) dst(%dma_wait3A_168 : memref<32x512xi32, #tpu.memory_space<hbm>>)
      tpu.yield
    }) : () -> ()
    return
  }
}

#map = affine_map<(d0, d1) -> (0, 0)>
#map1 = affine_map<(d0, d1) -> (0, 0, 0)>
module attributes {stable_mosaic.version = 14 : i64} {
  func.func @gather_kernel(%arg0: i32, %arg1: i32, %arg2: memref<10240x1024xf32, #tpu.memory_space<hbm>>, %arg3: memref<32x8x32xi32, #tpu.memory_space<hbm>>, %arg4: memref<8192x1024xf32, #tpu.memory_space<hbm>>, %arg5: memref<8x32xi32, #tpu.memory_space<vmem>>, %arg6: memref<32x1024xf32, #tpu.memory_space<vmem>>, %arg7: memref<32x1024xf32, #tpu.memory_space<vmem>>, %arg8: memref<!tpu.dma_semaphore, #tpu.memory_space<semaphore_mem>>, %arg9: memref<!tpu.dma_semaphore, #tpu.memory_space<semaphore_mem>>) attributes {dimension_semantics = [#tpu.dimension_semantics<core_parallel>, #tpu.dimension_semantics<subcore_parallel>], iteration_bounds = array<i64: 2, 16>, scalar_prefetch = 0 : i64, scratch_operands = 5 : i64, tpu.core_type = #tpu.core_type<sc_vector_subcore>, window_params = [{transform_indices = #map}, {transform_indices = #map1}, {transform_indices = #map}]} {
    %mul3A = arith.constant 2 : i32
    %mul3A_0 = arith.muli %arg1, %mul3A : i32
    %add3A = arith.addi %mul3A_0, %arg0 : i32
    %mul3A_1 = arith.constant 256 : i32
    %mul3A_2 = arith.muli %add3A, %mul3A_1 : i32
    "tpu.region"() ({
      %run_scoped3A = tpu.sem_alloc : memref<!tpu.dma_semaphore, #tpu.memory_space<semaphore_mem>>
      %dma_start3A_129 = arith.constant 0 : i32
      %dma_start3A_130 = arith.constant 0 : i32
      %dma_start3A_131 = tpu.memref_slice %arg3[%add3A, %dma_start3A_129, %dma_start3A_130] : memref<32x8x32xi32, #tpu.memory_space<hbm>> -> memref<1x8x32xi32, #tpu.memory_space<hbm>>
      %dma_start3A_132 = tpu.memref_squeeze %dma_start3A_131 : memref<1x8x32xi32, #tpu.memory_space<hbm>> -> memref<8x32xi32, #tpu.memory_space<hbm>>
      %dma_start3A_133 = arith.constant 0 : i32
      %dma_start3A_134 = arith.constant 0 : i32
      %dma_start3A_135 = tpu.memref_slice %arg3[%add3A, %dma_start3A_133, %dma_start3A_134] : memref<32x8x32xi32, #tpu.memory_space<hbm>> -> memref<1x8x32xi32, #tpu.memory_space<hbm>>
      %dma_start3A_136 = tpu.memref_squeeze %dma_start3A_135 : memref<1x8x32xi32, #tpu.memory_space<hbm>> -> memref<8x32xi32, #tpu.memory_space<hbm>>
      tpu.enqueue_dma source(%dma_start3A_136 : memref<8x32xi32, #tpu.memory_space<hbm>>) target(%arg5 : memref<8x32xi32, #tpu.memory_space<vmem>>) target_semaphore(%run_scoped3A : memref<!tpu.dma_semaphore, #tpu.memory_space<semaphore_mem>>)
      %dma_wait3A_137 = arith.constant 0 : i32
      %dma_wait3A_138 = arith.constant 0 : i32
      %dma_wait3A_139 = tpu.memref_slice %arg3[%add3A, %dma_wait3A_137, %dma_wait3A_138] : memref<32x8x32xi32, #tpu.memory_space<hbm>> -> memref<1x8x32xi32, #tpu.memory_space<hbm>>
      %dma_wait3A_140 = tpu.memref_squeeze %dma_wait3A_139 : memref<1x8x32xi32, #tpu.memory_space<hbm>> -> memref<8x32xi32, #tpu.memory_space<hbm>>
      %dma_wait3A_141 = arith.constant 0 : i32
      %dma_wait3A_142 = arith.constant 0 : i32
      %dma_wait3A_143 = tpu.memref_slice %arg3[%add3A, %dma_wait3A_141, %dma_wait3A_142] : memref<32x8x32xi32, #tpu.memory_space<hbm>> -> memref<1x8x32xi32, #tpu.memory_space<hbm>>
      %dma_wait3A_144 = tpu.memref_squeeze %dma_wait3A_143 : memref<1x8x32xi32, #tpu.memory_space<hbm>> -> memref<8x32xi32, #tpu.memory_space<hbm>>
      tpu.wait_dma2 semaphore(%run_scoped3A : memref<!tpu.dma_semaphore, #tpu.memory_space<semaphore_mem>>) src(%dma_wait3A_144 : memref<8x32xi32, #tpu.memory_space<hbm>>) dst(%arg5 : memref<8x32xi32, #tpu.memory_space<vmem>>)
      tpu.yield
    }) : () -> ()
    %dma_start3A = arith.constant 0 : i32
    %dma_start3A_3 = arith.constant 0 : i32
    %dma_start3A_4 = tpu.memref_slice %arg5[%dma_start3A, %dma_start3A_3] : memref<8x32xi32, #tpu.memory_space<vmem>> -> memref<1x32xi32, #tpu.memory_space<vmem>>
    %dma_start3A_5 = tpu.memref_squeeze %dma_start3A_4 : memref<1x32xi32, #tpu.memory_space<vmem>> -> memref<32xi32, #tpu.memory_space<vmem>>
    %dma_start3A_6 = arith.constant 0 : i32
    %dma_start3A_7 = arith.constant 0 : i32
    %dma_start3A_8 = tpu.memref_slice %arg2[%dma_start3A_6, %dma_start3A_7] : memref<10240x1024xf32, #tpu.memory_space<hbm>> -> memref<10240x1024xf32, #tpu.memory_space<hbm>>
    tpu.enqueue_indirect_dma source(%dma_start3A_8 : memref<10240x1024xf32, #tpu.memory_space<hbm>>) target(%arg6 : memref<32x1024xf32, #tpu.memory_space<vmem>>) offsets(%dma_start3A_5 : memref<32xi32, #tpu.memory_space<vmem>>) semaphore(%arg8 : memref<!tpu.dma_semaphore, #tpu.memory_space<semaphore_mem>>)
    %dma_start3A_9 = arith.constant 1 : i32
    %dma_start3A_10 = arith.constant 0 : i32
    %dma_start3A_11 = tpu.memref_slice %arg5[%dma_start3A_9, %dma_start3A_10] : memref<8x32xi32, #tpu.memory_space<vmem>> -> memref<1x32xi32, #tpu.memory_space<vmem>>
    %dma_start3A_12 = tpu.memref_squeeze %dma_start3A_11 : memref<1x32xi32, #tpu.memory_space<vmem>> -> memref<32xi32, #tpu.memory_space<vmem>>
    %dma_start3A_13 = arith.constant 0 : i32
    %dma_start3A_14 = arith.constant 0 : i32
    %dma_start3A_15 = tpu.memref_slice %arg2[%dma_start3A_13, %dma_start3A_14] : memref<10240x1024xf32, #tpu.memory_space<hbm>> -> memref<10240x1024xf32, #tpu.memory_space<hbm>>
    tpu.enqueue_indirect_dma source(%dma_start3A_15 : memref<10240x1024xf32, #tpu.memory_space<hbm>>) target(%arg7 : memref<32x1024xf32, #tpu.memory_space<vmem>>) offsets(%dma_start3A_12 : memref<32xi32, #tpu.memory_space<vmem>>) semaphore(%arg9 : memref<!tpu.dma_semaphore, #tpu.memory_space<semaphore_mem>>)
    %dma_wait3A = arith.constant 0 : i32
    %dma_wait3A_16 = arith.constant 0 : i32
    %dma_wait3A_17 = tpu.memref_slice %arg5[%dma_wait3A, %dma_wait3A_16] : memref<8x32xi32, #tpu.memory_space<vmem>> -> memref<1x32xi32, #tpu.memory_space<vmem>>
    %dma_wait3A_18 = tpu.memref_squeeze %dma_wait3A_17 : memref<1x32xi32, #tpu.memory_space<vmem>> -> memref<32xi32, #tpu.memory_space<vmem>>
    %dma_wait3A_19 = arith.constant 0 : i32
    %dma_wait3A_20 = arith.constant 0 : i32
    %dma_wait3A_21 = tpu.memref_slice %arg2[%dma_wait3A_19, %dma_wait3A_20] : memref<10240x1024xf32, #tpu.memory_space<hbm>> -> memref<10240x1024xf32, #tpu.memory_space<hbm>>
    tpu.wait_indirect_dma semaphore(%arg8 : memref<!tpu.dma_semaphore, #tpu.memory_space<semaphore_mem>>) src(%dma_wait3A_21 : memref<10240x1024xf32, #tpu.memory_space<hbm>>) dst(%arg6 : memref<32x1024xf32, #tpu.memory_space<vmem>>)
    %add3A_22 = arith.constant 0 : i32
    %add3A_23 = arith.addi %mul3A_2, %add3A_22 : i32
    "tpu.region"() ({
      %run_scoped3A = tpu.sem_alloc : memref<!tpu.dma_semaphore, #tpu.memory_space<semaphore_mem>>
      %dma_start3A_129 = arith.constant 0 : i32
      %dma_start3A_130 = tpu.memref_slice %arg4[%add3A_23, %dma_start3A_129] : memref<8192x1024xf32, #tpu.memory_space<hbm>> -> memref<32x1024xf32, #tpu.memory_space<hbm>>
      %dma_start3A_131 = arith.constant 0 : i32
      %dma_start3A_132 = tpu.memref_slice %arg4[%add3A_23, %dma_start3A_131] : memref<8192x1024xf32, #tpu.memory_space<hbm>> -> memref<32x1024xf32, #tpu.memory_space<hbm>>
      tpu.enqueue_dma source(%arg6 : memref<32x1024xf32, #tpu.memory_space<vmem>>) target(%dma_start3A_132 : memref<32x1024xf32, #tpu.memory_space<hbm>>) target_semaphore(%run_scoped3A : memref<!tpu.dma_semaphore, #tpu.memory_space<semaphore_mem>>)
      %dma_wait3A_133 = arith.constant 0 : i32
      %dma_wait3A_134 = tpu.memref_slice %arg4[%add3A_23, %dma_wait3A_133] : memref<8192x1024xf32, #tpu.memory_space<hbm>> -> memref<32x1024xf32, #tpu.memory_space<hbm>>
      %dma_wait3A_135 = arith.constant 0 : i32
      %dma_wait3A_136 = tpu.memref_slice %arg4[%add3A_23, %dma_wait3A_135] : memref<8192x1024xf32, #tpu.memory_space<hbm>> -> memref<32x1024xf32, #tpu.memory_space<hbm>>
      tpu.wait_dma2 semaphore(%run_scoped3A : memref<!tpu.dma_semaphore, #tpu.memory_space<semaphore_mem>>) src(%arg6 : memref<32x1024xf32, #tpu.memory_space<vmem>>) dst(%dma_wait3A_136 : memref<32x1024xf32, #tpu.memory_space<hbm>>)
      tpu.yield
    }) : () -> ()
    %dma_start3A_24 = arith.constant 2 : i32
    %dma_start3A_25 = arith.constant 0 : i32
    %dma_start3A_26 = tpu.memref_slice %arg5[%dma_start3A_24, %dma_start3A_25] : memref<8x32xi32, #tpu.memory_space<vmem>> -> memref<1x32xi32, #tpu.memory_space<vmem>>
    %dma_start3A_27 = tpu.memref_squeeze %dma_start3A_26 : memref<1x32xi32, #tpu.memory_space<vmem>> -> memref<32xi32, #tpu.memory_space<vmem>>
    %dma_start3A_28 = arith.constant 0 : i32
    %dma_start3A_29 = arith.constant 0 : i32
    %dma_start3A_30 = tpu.memref_slice %arg2[%dma_start3A_28, %dma_start3A_29] : memref<10240x1024xf32, #tpu.memory_space<hbm>> -> memref<10240x1024xf32, #tpu.memory_space<hbm>>
    tpu.enqueue_indirect_dma source(%dma_start3A_30 : memref<10240x1024xf32, #tpu.memory_space<hbm>>) target(%arg6 : memref<32x1024xf32, #tpu.memory_space<vmem>>) offsets(%dma_start3A_27 : memref<32xi32, #tpu.memory_space<vmem>>) semaphore(%arg8 : memref<!tpu.dma_semaphore, #tpu.memory_space<semaphore_mem>>)
    %dma_wait3A_31 = arith.constant 1 : i32
    %dma_wait3A_32 = arith.constant 0 : i32
    %dma_wait3A_33 = tpu.memref_slice %arg5[%dma_wait3A_31, %dma_wait3A_32] : memref<8x32xi32, #tpu.memory_space<vmem>> -> memref<1x32xi32, #tpu.memory_space<vmem>>
    %dma_wait3A_34 = tpu.memref_squeeze %dma_wait3A_33 : memref<1x32xi32, #tpu.memory_space<vmem>> -> memref<32xi32, #tpu.memory_space<vmem>>
    %dma_wait3A_35 = arith.constant 0 : i32
    %dma_wait3A_36 = arith.constant 0 : i32
    %dma_wait3A_37 = tpu.memref_slice %arg2[%dma_wait3A_35, %dma_wait3A_36] : memref<10240x1024xf32, #tpu.memory_space<hbm>> -> memref<10240x1024xf32, #tpu.memory_space<hbm>>
    tpu.wait_indirect_dma semaphore(%arg9 : memref<!tpu.dma_semaphore, #tpu.memory_space<semaphore_mem>>) src(%dma_wait3A_37 : memref<10240x1024xf32, #tpu.memory_space<hbm>>) dst(%arg7 : memref<32x1024xf32, #tpu.memory_space<vmem>>)
    %add3A_38 = arith.constant 32 : i32
    %add3A_39 = arith.addi %mul3A_2, %add3A_38 : i32
    "tpu.region"() ({
      %run_scoped3A = tpu.sem_alloc : memref<!tpu.dma_semaphore, #tpu.memory_space<semaphore_mem>>
      %dma_start3A_129 = arith.constant 0 : i32
      %dma_start3A_130 = tpu.memref_slice %arg4[%add3A_39, %dma_start3A_129] : memref<8192x1024xf32, #tpu.memory_space<hbm>> -> memref<32x1024xf32, #tpu.memory_space<hbm>>
      %dma_start3A_131 = arith.constant 0 : i32
      %dma_start3A_132 = tpu.memref_slice %arg4[%add3A_39, %dma_start3A_131] : memref<8192x1024xf32, #tpu.memory_space<hbm>> -> memref<32x1024xf32, #tpu.memory_space<hbm>>
      tpu.enqueue_dma source(%arg7 : memref<32x1024xf32, #tpu.memory_space<vmem>>) target(%dma_start3A_132 : memref<32x1024xf32, #tpu.memory_space<hbm>>) target_semaphore(%run_scoped3A : memref<!tpu.dma_semaphore, #tpu.memory_space<semaphore_mem>>)
      %dma_wait3A_133 = arith.constant 0 : i32
      %dma_wait3A_134 = tpu.memref_slice %arg4[%add3A_39, %dma_wait3A_133] : memref<8192x1024xf32, #tpu.memory_space<hbm>> -> memref<32x1024xf32, #tpu.memory_space<hbm>>
      %dma_wait3A_135 = arith.constant 0 : i32
      %dma_wait3A_136 = tpu.memref_slice %arg4[%add3A_39, %dma_wait3A_135] : memref<8192x1024xf32, #tpu.memory_space<hbm>> -> memref<32x1024xf32, #tpu.memory_space<hbm>>
      tpu.wait_dma2 semaphore(%run_scoped3A : memref<!tpu.dma_semaphore, #tpu.memory_space<semaphore_mem>>) src(%arg7 : memref<32x1024xf32, #tpu.memory_space<vmem>>) dst(%dma_wait3A_136 : memref<32x1024xf32, #tpu.memory_space<hbm>>)
      tpu.yield
    }) : () -> ()
    %dma_start3A_40 = arith.constant 3 : i32
    %dma_start3A_41 = arith.constant 0 : i32
    %dma_start3A_42 = tpu.memref_slice %arg5[%dma_start3A_40, %dma_start3A_41] : memref<8x32xi32, #tpu.memory_space<vmem>> -> memref<1x32xi32, #tpu.memory_space<vmem>>
    %dma_start3A_43 = tpu.memref_squeeze %dma_start3A_42 : memref<1x32xi32, #tpu.memory_space<vmem>> -> memref<32xi32, #tpu.memory_space<vmem>>
    %dma_start3A_44 = arith.constant 0 : i32
    %dma_start3A_45 = arith.constant 0 : i32
    %dma_start3A_46 = tpu.memref_slice %arg2[%dma_start3A_44, %dma_start3A_45] : memref<10240x1024xf32, #tpu.memory_space<hbm>> -> memref<10240x1024xf32, #tpu.memory_space<hbm>>
    tpu.enqueue_indirect_dma source(%dma_start3A_46 : memref<10240x1024xf32, #tpu.memory_space<hbm>>) target(%arg7 : memref<32x1024xf32, #tpu.memory_space<vmem>>) offsets(%dma_start3A_43 : memref<32xi32, #tpu.memory_space<vmem>>) semaphore(%arg9 : memref<!tpu.dma_semaphore, #tpu.memory_space<semaphore_mem>>)
    %dma_wait3A_47 = arith.constant 2 : i32
    %dma_wait3A_48 = arith.constant 0 : i32
    %dma_wait3A_49 = tpu.memref_slice %arg5[%dma_wait3A_47, %dma_wait3A_48] : memref<8x32xi32, #tpu.memory_space<vmem>> -> memref<1x32xi32, #tpu.memory_space<vmem>>
    %dma_wait3A_50 = tpu.memref_squeeze %dma_wait3A_49 : memref<1x32xi32, #tpu.memory_space<vmem>> -> memref<32xi32, #tpu.memory_space<vmem>>
    %dma_wait3A_51 = arith.constant 0 : i32
    %dma_wait3A_52 = arith.constant 0 : i32
    %dma_wait3A_53 = tpu.memref_slice %arg2[%dma_wait3A_51, %dma_wait3A_52] : memref<10240x1024xf32, #tpu.memory_space<hbm>> -> memref<10240x1024xf32, #tpu.memory_space<hbm>>
    tpu.wait_indirect_dma semaphore(%arg8 : memref<!tpu.dma_semaphore, #tpu.memory_space<semaphore_mem>>) src(%dma_wait3A_53 : memref<10240x1024xf32, #tpu.memory_space<hbm>>) dst(%arg6 : memref<32x1024xf32, #tpu.memory_space<vmem>>)
    %add3A_54 = arith.constant 64 : i32
    %add3A_55 = arith.addi %mul3A_2, %add3A_54 : i32
    "tpu.region"() ({
      %run_scoped3A = tpu.sem_alloc : memref<!tpu.dma_semaphore, #tpu.memory_space<semaphore_mem>>
      %dma_start3A_129 = arith.constant 0 : i32
      %dma_start3A_130 = tpu.memref_slice %arg4[%add3A_55, %dma_start3A_129] : memref<8192x1024xf32, #tpu.memory_space<hbm>> -> memref<32x1024xf32, #tpu.memory_space<hbm>>
      %dma_start3A_131 = arith.constant 0 : i32
      %dma_start3A_132 = tpu.memref_slice %arg4[%add3A_55, %dma_start3A_131] : memref<8192x1024xf32, #tpu.memory_space<hbm>> -> memref<32x1024xf32, #tpu.memory_space<hbm>>
      tpu.enqueue_dma source(%arg6 : memref<32x1024xf32, #tpu.memory_space<vmem>>) target(%dma_start3A_132 : memref<32x1024xf32, #tpu.memory_space<hbm>>) target_semaphore(%run_scoped3A : memref<!tpu.dma_semaphore, #tpu.memory_space<semaphore_mem>>)
      %dma_wait3A_133 = arith.constant 0 : i32
      %dma_wait3A_134 = tpu.memref_slice %arg4[%add3A_55, %dma_wait3A_133] : memref<8192x1024xf32, #tpu.memory_space<hbm>> -> memref<32x1024xf32, #tpu.memory_space<hbm>>
      %dma_wait3A_135 = arith.constant 0 : i32
      %dma_wait3A_136 = tpu.memref_slice %arg4[%add3A_55, %dma_wait3A_135] : memref<8192x1024xf32, #tpu.memory_space<hbm>> -> memref<32x1024xf32, #tpu.memory_space<hbm>>
      tpu.wait_dma2 semaphore(%run_scoped3A : memref<!tpu.dma_semaphore, #tpu.memory_space<semaphore_mem>>) src(%arg6 : memref<32x1024xf32, #tpu.memory_space<vmem>>) dst(%dma_wait3A_136 : memref<32x1024xf32, #tpu.memory_space<hbm>>)
      tpu.yield
    }) : () -> ()
    %dma_start3A_56 = arith.constant 4 : i32
    %dma_start3A_57 = arith.constant 0 : i32
    %dma_start3A_58 = tpu.memref_slice %arg5[%dma_start3A_56, %dma_start3A_57] : memref<8x32xi32, #tpu.memory_space<vmem>> -> memref<1x32xi32, #tpu.memory_space<vmem>>
    %dma_start3A_59 = tpu.memref_squeeze %dma_start3A_58 : memref<1x32xi32, #tpu.memory_space<vmem>> -> memref<32xi32, #tpu.memory_space<vmem>>
    %dma_start3A_60 = arith.constant 0 : i32
    %dma_start3A_61 = arith.constant 0 : i32
    %dma_start3A_62 = tpu.memref_slice %arg2[%dma_start3A_60, %dma_start3A_61] : memref<10240x1024xf32, #tpu.memory_space<hbm>> -> memref<10240x1024xf32, #tpu.memory_space<hbm>>
    tpu.enqueue_indirect_dma source(%dma_start3A_62 : memref<10240x1024xf32, #tpu.memory_space<hbm>>) target(%arg6 : memref<32x1024xf32, #tpu.memory_space<vmem>>) offsets(%dma_start3A_59 : memref<32xi32, #tpu.memory_space<vmem>>) semaphore(%arg8 : memref<!tpu.dma_semaphore, #tpu.memory_space<semaphore_mem>>)
    %dma_wait3A_63 = arith.constant 3 : i32
    %dma_wait3A_64 = arith.constant 0 : i32
    %dma_wait3A_65 = tpu.memref_slice %arg5[%dma_wait3A_63, %dma_wait3A_64] : memref<8x32xi32, #tpu.memory_space<vmem>> -> memref<1x32xi32, #tpu.memory_space<vmem>>
    %dma_wait3A_66 = tpu.memref_squeeze %dma_wait3A_65 : memref<1x32xi32, #tpu.memory_space<vmem>> -> memref<32xi32, #tpu.memory_space<vmem>>
    %dma_wait3A_67 = arith.constant 0 : i32
    %dma_wait3A_68 = arith.constant 0 : i32
    %dma_wait3A_69 = tpu.memref_slice %arg2[%dma_wait3A_67, %dma_wait3A_68] : memref<10240x1024xf32, #tpu.memory_space<hbm>> -> memref<10240x1024xf32, #tpu.memory_space<hbm>>
    tpu.wait_indirect_dma semaphore(%arg9 : memref<!tpu.dma_semaphore, #tpu.memory_space<semaphore_mem>>) src(%dma_wait3A_69 : memref<10240x1024xf32, #tpu.memory_space<hbm>>) dst(%arg7 : memref<32x1024xf32, #tpu.memory_space<vmem>>)
    %add3A_70 = arith.constant 96 : i32
    %add3A_71 = arith.addi %mul3A_2, %add3A_70 : i32
    "tpu.region"() ({
      %run_scoped3A = tpu.sem_alloc : memref<!tpu.dma_semaphore, #tpu.memory_space<semaphore_mem>>
      %dma_start3A_129 = arith.constant 0 : i32
      %dma_start3A_130 = tpu.memref_slice %arg4[%add3A_71, %dma_start3A_129] : memref<8192x1024xf32, #tpu.memory_space<hbm>> -> memref<32x1024xf32, #tpu.memory_space<hbm>>
      %dma_start3A_131 = arith.constant 0 : i32
      %dma_start3A_132 = tpu.memref_slice %arg4[%add3A_71, %dma_start3A_131] : memref<8192x1024xf32, #tpu.memory_space<hbm>> -> memref<32x1024xf32, #tpu.memory_space<hbm>>
      tpu.enqueue_dma source(%arg7 : memref<32x1024xf32, #tpu.memory_space<vmem>>) target(%dma_start3A_132 : memref<32x1024xf32, #tpu.memory_space<hbm>>) target_semaphore(%run_scoped3A : memref<!tpu.dma_semaphore, #tpu.memory_space<semaphore_mem>>)
      %dma_wait3A_133 = arith.constant 0 : i32
      %dma_wait3A_134 = tpu.memref_slice %arg4[%add3A_71, %dma_wait3A_133] : memref<8192x1024xf32, #tpu.memory_space<hbm>> -> memref<32x1024xf32, #tpu.memory_space<hbm>>
      %dma_wait3A_135 = arith.constant 0 : i32
      %dma_wait3A_136 = tpu.memref_slice %arg4[%add3A_71, %dma_wait3A_135] : memref<8192x1024xf32, #tpu.memory_space<hbm>> -> memref<32x1024xf32, #tpu.memory_space<hbm>>
      tpu.wait_dma2 semaphore(%run_scoped3A : memref<!tpu.dma_semaphore, #tpu.memory_space<semaphore_mem>>) src(%arg7 : memref<32x1024xf32, #tpu.memory_space<vmem>>) dst(%dma_wait3A_136 : memref<32x1024xf32, #tpu.memory_space<hbm>>)
      tpu.yield
    }) : () -> ()
    %dma_start3A_72 = arith.constant 5 : i32
    %dma_start3A_73 = arith.constant 0 : i32
    %dma_start3A_74 = tpu.memref_slice %arg5[%dma_start3A_72, %dma_start3A_73] : memref<8x32xi32, #tpu.memory_space<vmem>> -> memref<1x32xi32, #tpu.memory_space<vmem>>
    %dma_start3A_75 = tpu.memref_squeeze %dma_start3A_74 : memref<1x32xi32, #tpu.memory_space<vmem>> -> memref<32xi32, #tpu.memory_space<vmem>>
    %dma_start3A_76 = arith.constant 0 : i32
    %dma_start3A_77 = arith.constant 0 : i32
    %dma_start3A_78 = tpu.memref_slice %arg2[%dma_start3A_76, %dma_start3A_77] : memref<10240x1024xf32, #tpu.memory_space<hbm>> -> memref<10240x1024xf32, #tpu.memory_space<hbm>>
    tpu.enqueue_indirect_dma source(%dma_start3A_78 : memref<10240x1024xf32, #tpu.memory_space<hbm>>) target(%arg7 : memref<32x1024xf32, #tpu.memory_space<vmem>>) offsets(%dma_start3A_75 : memref<32xi32, #tpu.memory_space<vmem>>) semaphore(%arg9 : memref<!tpu.dma_semaphore, #tpu.memory_space<semaphore_mem>>)
    %dma_wait3A_79 = arith.constant 4 : i32
    %dma_wait3A_80 = arith.constant 0 : i32
    %dma_wait3A_81 = tpu.memref_slice %arg5[%dma_wait3A_79, %dma_wait3A_80] : memref<8x32xi32, #tpu.memory_space<vmem>> -> memref<1x32xi32, #tpu.memory_space<vmem>>
    %dma_wait3A_82 = tpu.memref_squeeze %dma_wait3A_81 : memref<1x32xi32, #tpu.memory_space<vmem>> -> memref<32xi32, #tpu.memory_space<vmem>>
    %dma_wait3A_83 = arith.constant 0 : i32
    %dma_wait3A_84 = arith.constant 0 : i32
    %dma_wait3A_85 = tpu.memref_slice %arg2[%dma_wait3A_83, %dma_wait3A_84] : memref<10240x1024xf32, #tpu.memory_space<hbm>> -> memref<10240x1024xf32, #tpu.memory_space<hbm>>
    tpu.wait_indirect_dma semaphore(%arg8 : memref<!tpu.dma_semaphore, #tpu.memory_space<semaphore_mem>>) src(%dma_wait3A_85 : memref<10240x1024xf32, #tpu.memory_space<hbm>>) dst(%arg6 : memref<32x1024xf32, #tpu.memory_space<vmem>>)
    %add3A_86 = arith.constant 128 : i32
    %add3A_87 = arith.addi %mul3A_2, %add3A_86 : i32
    "tpu.region"() ({
      %run_scoped3A = tpu.sem_alloc : memref<!tpu.dma_semaphore, #tpu.memory_space<semaphore_mem>>
      %dma_start3A_129 = arith.constant 0 : i32
      %dma_start3A_130 = tpu.memref_slice %arg4[%add3A_87, %dma_start3A_129] : memref<8192x1024xf32, #tpu.memory_space<hbm>> -> memref<32x1024xf32, #tpu.memory_space<hbm>>
      %dma_start3A_131 = arith.constant 0 : i32
      %dma_start3A_132 = tpu.memref_slice %arg4[%add3A_87, %dma_start3A_131] : memref<8192x1024xf32, #tpu.memory_space<hbm>> -> memref<32x1024xf32, #tpu.memory_space<hbm>>
      tpu.enqueue_dma source(%arg6 : memref<32x1024xf32, #tpu.memory_space<vmem>>) target(%dma_start3A_132 : memref<32x1024xf32, #tpu.memory_space<hbm>>) target_semaphore(%run_scoped3A : memref<!tpu.dma_semaphore, #tpu.memory_space<semaphore_mem>>)
      %dma_wait3A_133 = arith.constant 0 : i32
      %dma_wait3A_134 = tpu.memref_slice %arg4[%add3A_87, %dma_wait3A_133] : memref<8192x1024xf32, #tpu.memory_space<hbm>> -> memref<32x1024xf32, #tpu.memory_space<hbm>>
      %dma_wait3A_135 = arith.constant 0 : i32
      %dma_wait3A_136 = tpu.memref_slice %arg4[%add3A_87, %dma_wait3A_135] : memref<8192x1024xf32, #tpu.memory_space<hbm>> -> memref<32x1024xf32, #tpu.memory_space<hbm>>
      tpu.wait_dma2 semaphore(%run_scoped3A : memref<!tpu.dma_semaphore, #tpu.memory_space<semaphore_mem>>) src(%arg6 : memref<32x1024xf32, #tpu.memory_space<vmem>>) dst(%dma_wait3A_136 : memref<32x1024xf32, #tpu.memory_space<hbm>>)
      tpu.yield
    }) : () -> ()
    %dma_start3A_88 = arith.constant 6 : i32
    %dma_start3A_89 = arith.constant 0 : i32
    %dma_start3A_90 = tpu.memref_slice %arg5[%dma_start3A_88, %dma_start3A_89] : memref<8x32xi32, #tpu.memory_space<vmem>> -> memref<1x32xi32, #tpu.memory_space<vmem>>
    %dma_start3A_91 = tpu.memref_squeeze %dma_start3A_90 : memref<1x32xi32, #tpu.memory_space<vmem>> -> memref<32xi32, #tpu.memory_space<vmem>>
    %dma_start3A_92 = arith.constant 0 : i32
    %dma_start3A_93 = arith.constant 0 : i32
    %dma_start3A_94 = tpu.memref_slice %arg2[%dma_start3A_92, %dma_start3A_93] : memref<10240x1024xf32, #tpu.memory_space<hbm>> -> memref<10240x1024xf32, #tpu.memory_space<hbm>>
    tpu.enqueue_indirect_dma source(%dma_start3A_94 : memref<10240x1024xf32, #tpu.memory_space<hbm>>) target(%arg6 : memref<32x1024xf32, #tpu.memory_space<vmem>>) offsets(%dma_start3A_91 : memref<32xi32, #tpu.memory_space<vmem>>) semaphore(%arg8 : memref<!tpu.dma_semaphore, #tpu.memory_space<semaphore_mem>>)
    %dma_wait3A_95 = arith.constant 5 : i32
    %dma_wait3A_96 = arith.constant 0 : i32
    %dma_wait3A_97 = tpu.memref_slice %arg5[%dma_wait3A_95, %dma_wait3A_96] : memref<8x32xi32, #tpu.memory_space<vmem>> -> memref<1x32xi32, #tpu.memory_space<vmem>>
    %dma_wait3A_98 = tpu.memref_squeeze %dma_wait3A_97 : memref<1x32xi32, #tpu.memory_space<vmem>> -> memref<32xi32, #tpu.memory_space<vmem>>
    %dma_wait3A_99 = arith.constant 0 : i32
    %dma_wait3A_100 = arith.constant 0 : i32
    %dma_wait3A_101 = tpu.memref_slice %arg2[%dma_wait3A_99, %dma_wait3A_100] : memref<10240x1024xf32, #tpu.memory_space<hbm>> -> memref<10240x1024xf32, #tpu.memory_space<hbm>>
    tpu.wait_indirect_dma semaphore(%arg9 : memref<!tpu.dma_semaphore, #tpu.memory_space<semaphore_mem>>) src(%dma_wait3A_101 : memref<10240x1024xf32, #tpu.memory_space<hbm>>) dst(%arg7 : memref<32x1024xf32, #tpu.memory_space<vmem>>)
    %add3A_102 = arith.constant 160 : i32
    %add3A_103 = arith.addi %mul3A_2, %add3A_102 : i32
    "tpu.region"() ({
      %run_scoped3A = tpu.sem_alloc : memref<!tpu.dma_semaphore, #tpu.memory_space<semaphore_mem>>
      %dma_start3A_129 = arith.constant 0 : i32
      %dma_start3A_130 = tpu.memref_slice %arg4[%add3A_103, %dma_start3A_129] : memref<8192x1024xf32, #tpu.memory_space<hbm>> -> memref<32x1024xf32, #tpu.memory_space<hbm>>
      %dma_start3A_131 = arith.constant 0 : i32
      %dma_start3A_132 = tpu.memref_slice %arg4[%add3A_103, %dma_start3A_131] : memref<8192x1024xf32, #tpu.memory_space<hbm>> -> memref<32x1024xf32, #tpu.memory_space<hbm>>
      tpu.enqueue_dma source(%arg7 : memref<32x1024xf32, #tpu.memory_space<vmem>>) target(%dma_start3A_132 : memref<32x1024xf32, #tpu.memory_space<hbm>>) target_semaphore(%run_scoped3A : memref<!tpu.dma_semaphore, #tpu.memory_space<semaphore_mem>>)
      %dma_wait3A_133 = arith.constant 0 : i32
      %dma_wait3A_134 = tpu.memref_slice %arg4[%add3A_103, %dma_wait3A_133] : memref<8192x1024xf32, #tpu.memory_space<hbm>> -> memref<32x1024xf32, #tpu.memory_space<hbm>>
      %dma_wait3A_135 = arith.constant 0 : i32
      %dma_wait3A_136 = tpu.memref_slice %arg4[%add3A_103, %dma_wait3A_135] : memref<8192x1024xf32, #tpu.memory_space<hbm>> -> memref<32x1024xf32, #tpu.memory_space<hbm>>
      tpu.wait_dma2 semaphore(%run_scoped3A : memref<!tpu.dma_semaphore, #tpu.memory_space<semaphore_mem>>) src(%arg7 : memref<32x1024xf32, #tpu.memory_space<vmem>>) dst(%dma_wait3A_136 : memref<32x1024xf32, #tpu.memory_space<hbm>>)
      tpu.yield
    }) : () -> ()
    %dma_start3A_104 = arith.constant 7 : i32
    %dma_start3A_105 = arith.constant 0 : i32
    %dma_start3A_106 = tpu.memref_slice %arg5[%dma_start3A_104, %dma_start3A_105] : memref<8x32xi32, #tpu.memory_space<vmem>> -> memref<1x32xi32, #tpu.memory_space<vmem>>
    %dma_start3A_107 = tpu.memref_squeeze %dma_start3A_106 : memref<1x32xi32, #tpu.memory_space<vmem>> -> memref<32xi32, #tpu.memory_space<vmem>>
    %dma_start3A_108 = arith.constant 0 : i32
    %dma_start3A_109 = arith.constant 0 : i32
    %dma_start3A_110 = tpu.memref_slice %arg2[%dma_start3A_108, %dma_start3A_109] : memref<10240x1024xf32, #tpu.memory_space<hbm>> -> memref<10240x1024xf32, #tpu.memory_space<hbm>>
    tpu.enqueue_indirect_dma source(%dma_start3A_110 : memref<10240x1024xf32, #tpu.memory_space<hbm>>) target(%arg7 : memref<32x1024xf32, #tpu.memory_space<vmem>>) offsets(%dma_start3A_107 : memref<32xi32, #tpu.memory_space<vmem>>) semaphore(%arg9 : memref<!tpu.dma_semaphore, #tpu.memory_space<semaphore_mem>>)
    %dma_wait3A_111 = arith.constant 6 : i32
    %dma_wait3A_112 = arith.constant 0 : i32
    %dma_wait3A_113 = tpu.memref_slice %arg5[%dma_wait3A_111, %dma_wait3A_112] : memref<8x32xi32, #tpu.memory_space<vmem>> -> memref<1x32xi32, #tpu.memory_space<vmem>>
    %dma_wait3A_114 = tpu.memref_squeeze %dma_wait3A_113 : memref<1x32xi32, #tpu.memory_space<vmem>> -> memref<32xi32, #tpu.memory_space<vmem>>
    %dma_wait3A_115 = arith.constant 0 : i32
    %dma_wait3A_116 = arith.constant 0 : i32
    %dma_wait3A_117 = tpu.memref_slice %arg2[%dma_wait3A_115, %dma_wait3A_116] : memref<10240x1024xf32, #tpu.memory_space<hbm>> -> memref<10240x1024xf32, #tpu.memory_space<hbm>>
    tpu.wait_indirect_dma semaphore(%arg8 : memref<!tpu.dma_semaphore, #tpu.memory_space<semaphore_mem>>) src(%dma_wait3A_117 : memref<10240x1024xf32, #tpu.memory_space<hbm>>) dst(%arg6 : memref<32x1024xf32, #tpu.memory_space<vmem>>)
    %add3A_118 = arith.constant 192 : i32
    %add3A_119 = arith.addi %mul3A_2, %add3A_118 : i32
    "tpu.region"() ({
      %run_scoped3A = tpu.sem_alloc : memref<!tpu.dma_semaphore, #tpu.memory_space<semaphore_mem>>
      %dma_start3A_129 = arith.constant 0 : i32
      %dma_start3A_130 = tpu.memref_slice %arg4[%add3A_119, %dma_start3A_129] : memref<8192x1024xf32, #tpu.memory_space<hbm>> -> memref<32x1024xf32, #tpu.memory_space<hbm>>
      %dma_start3A_131 = arith.constant 0 : i32
      %dma_start3A_132 = tpu.memref_slice %arg4[%add3A_119, %dma_start3A_131] : memref<8192x1024xf32, #tpu.memory_space<hbm>> -> memref<32x1024xf32, #tpu.memory_space<hbm>>
      tpu.enqueue_dma source(%arg6 : memref<32x1024xf32, #tpu.memory_space<vmem>>) target(%dma_start3A_132 : memref<32x1024xf32, #tpu.memory_space<hbm>>) target_semaphore(%run_scoped3A : memref<!tpu.dma_semaphore, #tpu.memory_space<semaphore_mem>>)
      %dma_wait3A_133 = arith.constant 0 : i32
      %dma_wait3A_134 = tpu.memref_slice %arg4[%add3A_119, %dma_wait3A_133] : memref<8192x1024xf32, #tpu.memory_space<hbm>> -> memref<32x1024xf32, #tpu.memory_space<hbm>>
      %dma_wait3A_135 = arith.constant 0 : i32
      %dma_wait3A_136 = tpu.memref_slice %arg4[%add3A_119, %dma_wait3A_135] : memref<8192x1024xf32, #tpu.memory_space<hbm>> -> memref<32x1024xf32, #tpu.memory_space<hbm>>
      tpu.wait_dma2 semaphore(%run_scoped3A : memref<!tpu.dma_semaphore, #tpu.memory_space<semaphore_mem>>) src(%arg6 : memref<32x1024xf32, #tpu.memory_space<vmem>>) dst(%dma_wait3A_136 : memref<32x1024xf32, #tpu.memory_space<hbm>>)
      tpu.yield
    }) : () -> ()
    %dma_wait3A_120 = arith.constant 7 : i32
    %dma_wait3A_121 = arith.constant 0 : i32
    %dma_wait3A_122 = tpu.memref_slice %arg5[%dma_wait3A_120, %dma_wait3A_121] : memref<8x32xi32, #tpu.memory_space<vmem>> -> memref<1x32xi32, #tpu.memory_space<vmem>>
    %dma_wait3A_123 = tpu.memref_squeeze %dma_wait3A_122 : memref<1x32xi32, #tpu.memory_space<vmem>> -> memref<32xi32, #tpu.memory_space<vmem>>
    %dma_wait3A_124 = arith.constant 0 : i32
    %dma_wait3A_125 = arith.constant 0 : i32
    %dma_wait3A_126 = tpu.memref_slice %arg2[%dma_wait3A_124, %dma_wait3A_125] : memref<10240x1024xf32, #tpu.memory_space<hbm>> -> memref<10240x1024xf32, #tpu.memory_space<hbm>>
    tpu.wait_indirect_dma semaphore(%arg9 : memref<!tpu.dma_semaphore, #tpu.memory_space<semaphore_mem>>) src(%dma_wait3A_126 : memref<10240x1024xf32, #tpu.memory_space<hbm>>) dst(%arg7 : memref<32x1024xf32, #tpu.memory_space<vmem>>)
    %add3A_127 = arith.constant 224 : i32
    %add3A_128 = arith.addi %mul3A_2, %add3A_127 : i32
    "tpu.region"() ({
      %run_scoped3A = tpu.sem_alloc : memref<!tpu.dma_semaphore, #tpu.memory_space<semaphore_mem>>
      %dma_start3A_129 = arith.constant 0 : i32
      %dma_start3A_130 = tpu.memref_slice %arg4[%add3A_128, %dma_start3A_129] : memref<8192x1024xf32, #tpu.memory_space<hbm>> -> memref<32x1024xf32, #tpu.memory_space<hbm>>
      %dma_start3A_131 = arith.constant 0 : i32
      %dma_start3A_132 = tpu.memref_slice %arg4[%add3A_128, %dma_start3A_131] : memref<8192x1024xf32, #tpu.memory_space<hbm>> -> memref<32x1024xf32, #tpu.memory_space<hbm>>
      tpu.enqueue_dma source(%arg7 : memref<32x1024xf32, #tpu.memory_space<vmem>>) target(%dma_start3A_132 : memref<32x1024xf32, #tpu.memory_space<hbm>>) target_semaphore(%run_scoped3A : memref<!tpu.dma_semaphore, #tpu.memory_space<semaphore_mem>>)
      %dma_wait3A_133 = arith.constant 0 : i32
      %dma_wait3A_134 = tpu.memref_slice %arg4[%add3A_128, %dma_wait3A_133] : memref<8192x1024xf32, #tpu.memory_space<hbm>> -> memref<32x1024xf32, #tpu.memory_space<hbm>>
      %dma_wait3A_135 = arith.constant 0 : i32
      %dma_wait3A_136 = tpu.memref_slice %arg4[%add3A_128, %dma_wait3A_135] : memref<8192x1024xf32, #tpu.memory_space<hbm>> -> memref<32x1024xf32, #tpu.memory_space<hbm>>
      tpu.wait_dma2 semaphore(%run_scoped3A : memref<!tpu.dma_semaphore, #tpu.memory_space<semaphore_mem>>) src(%arg7 : memref<32x1024xf32, #tpu.memory_space<vmem>>) dst(%dma_wait3A_136 : memref<32x1024xf32, #tpu.memory_space<hbm>>)
      tpu.yield
    }) : () -> ()
    return
  }
}

module attributes {stable_mosaic.version = 14 : i64} {
  func.func @_qkv_body(%arg0: i32, %arg1: memref<256x1024xf32, #tpu.memory_space<vmem>>, %arg2: memref<1024x3072xbf16, #tpu.memory_space<vmem>>, %arg3: memref<1x3072xf32, #tpu.memory_space<vmem>>, %arg4: memref<256x3072xbf16, #tpu.memory_space<vmem>>) attributes {dimension_semantics = [#tpu.dimension_semantics<arbitrary>], iteration_bounds = array<i64: 16>, scalar_prefetch = 0 : i64, scratch_operands = 0 : i64, tpu.core_type = #tpu.core_type<tc>, window_params = [{transform_indices = @transform_0, window_bounds = array<i64: 256, 1024>}, {pipeline_mode = #tpu.pipeline_mode<synchronous>, transform_indices = @transform_1, window_bounds = array<i64: 1024, 3072>}, {pipeline_mode = #tpu.pipeline_mode<synchronous>, transform_indices = @transform_2, window_bounds = array<i64: 1, 3072>}, {transform_indices = @transform_3, window_bounds = array<i64: 256, 3072>}]} {
    %get3A = arith.constant 0 : index
    %get3A_0 = arith.constant 0 : index
    %get3A_1 = vector.load %arg1[%get3A, %get3A_0] : memref<256x1024xf32, #tpu.memory_space<vmem>>, vector<256x1024xf32>
    %convert_element_type3A = arith.truncf %get3A_1 : vector<256x1024xf32> to vector<256x1024xbf16>
    %get3A_2 = arith.constant 0 : index
    %get3A_3 = arith.constant 0 : index
    %get3A_4 = vector.load %arg2[%get3A_2, %get3A_3] : memref<1024x3072xbf16, #tpu.memory_space<vmem>>, vector<1024x3072xbf16>
    %dot_general3A = arith.constant dense<0.000000e+00> : vector<256x3072xf32>
    %dot_general3A_5 = tpu.matmul %convert_element_type3A, %get3A_4, %dot_general3A {dimension_numbers = #tpu.dot_dimension_numbers<[1], [0], [0], [1], [0, 0, 1, 1], [], []>, transpose_lhs_hint = false} : vector<256x1024xbf16>, vector<1024x3072xbf16>, vector<256x3072xf32> -> vector<256x3072xf32>
    %get3A_6 = arith.constant 0 : index
    %get3A_7 = arith.constant 0 : index
    %get3A_8 = vector.load %arg3[%get3A_6, %get3A_7] : memref<1x3072xf32, #tpu.memory_space<vmem>>, vector<1x3072xf32>
    %add3A = vector.broadcast %get3A_8 : vector<1x3072xf32> to vector<256x3072xf32>
    %add3A_9 = arith.addf %dot_general3A_5, %add3A : vector<256x3072xf32>
    %convert_element_type3A_10 = arith.truncf %add3A_9 : vector<256x3072xf32> to vector<256x3072xbf16>
    %swap3A = arith.constant 0 : index
    %swap3A_11 = arith.constant 0 : index
    %swap3A_12 = vector.load %arg4[%swap3A, %swap3A_11] : memref<256x3072xbf16, #tpu.memory_space<vmem>>, vector<256x3072xbf16>
    tpu.vector_store %arg4[%swap3A, %swap3A_11], %convert_element_type3A_10 {strides = array<i32>} : memref<256x3072xbf16, #tpu.memory_space<vmem>>, vector<256x3072xbf16>,
    return
  }
  func.func @transform_0(%arg0: i32) -> (i32, i32) {
    %c0_i32 = arith.constant 0 : i32
    %c0_i32_0 = arith.constant 0 : i32
    return %arg0, %c0_i32 : i32, i32
  }
  func.func @transform_1(%arg0: i32) -> (i32, i32) {
    %c0_i32 = arith.constant 0 : i32
    %c0_i32_0 = arith.constant 0 : i32
    %c0_i32_1 = arith.constant 0 : i32
    return %c0_i32, %c0_i32_0 : i32, i32
  }
  func.func @transform_2(%arg0: i32) -> (i32, i32) {
    %c0_i32 = arith.constant 0 : i32
    %c0_i32_0 = arith.constant 0 : i32
    %c0_i32_1 = arith.constant 0 : i32
    return %c0_i32, %c0_i32_0 : i32, i32
  }
  func.func @transform_3(%arg0: i32) -> (i32, i32) {
    %c0_i32 = arith.constant 0 : i32
    %c0_i32_0 = arith.constant 0 : i32
    return %arg0, %c0_i32 : i32, i32
  }
}

module attributes {stable_mosaic.version = 14 : i64} {
  func.func @_attn_body(%arg0: i32, %arg1: i32, %arg2: memref<1x2048x64xbf16, #tpu.memory_space<vmem>>, %arg3: memref<1x2048x64xbf16, #tpu.memory_space<vmem>>, %arg4: memref<1x2048x64xbf16, #tpu.memory_space<vmem>>, %arg5: memref<1x2048x64xbf16, #tpu.memory_space<vmem>>) attributes {dimension_semantics = [#tpu.dimension_semantics<arbitrary>, #tpu.dimension_semantics<arbitrary>], iteration_bounds = array<i64: 2, 16>, scalar_prefetch = 0 : i64, scratch_operands = 0 : i64, tpu.core_type = #tpu.core_type<tc>, window_params = [{transform_indices = @transform_0, window_bounds = array<i64: 1, 2048, 64>}, {transform_indices = @transform_1, window_bounds = array<i64: 1, 2048, 64>}, {transform_indices = @transform_2, window_bounds = array<i64: 1, 2048, 64>}, {transform_indices = @transform_3, window_bounds = array<i64: 1, 2048, 64>}]} {
    %get3A = arith.constant 0 : index
    %get3A_0 = arith.constant 0 : index
    %get3A_1 = arith.constant 0 : index
    %get3A_2 = vector.load %arg2[%get3A, %get3A_0, %get3A_1] : memref<1x2048x64xbf16, #tpu.memory_space<vmem>>, vector<1x2048x64xbf16>
    %get3A_3 = vector.shape_cast %get3A_2 : vector<1x2048x64xbf16> to vector<2048x64xbf16>
    %get3A_4 = arith.constant 0 : index
    %get3A_5 = arith.constant 0 : index
    %get3A_6 = arith.constant 0 : index
    %get3A_7 = vector.load %arg3[%get3A_4, %get3A_5, %get3A_6] : memref<1x2048x64xbf16, #tpu.memory_space<vmem>>, vector<1x2048x64xbf16>
    %get3A_8 = vector.shape_cast %get3A_7 : vector<1x2048x64xbf16> to vector<2048x64xbf16>
    %dot_general3A = arith.constant dense<0.000000e+00> : vector<2048x2048xf32>
    %dot_general3A_9 = tpu.matmul %get3A_3, %get3A_8, %dot_general3A {dimension_numbers = #tpu.dot_dimension_numbers<[1], [1], [0], [0], [0, 0, 1, 0], [], []>, transpose_lhs_hint = false} : vector<2048x64xbf16>, vector<2048x64xbf16>, vector<2048x2048xf32> -> vector<2048x2048xf32>
    %mul3A = arith.constant 1.250000e-01 : f32
    %mul3A_10 = vector.broadcast %mul3A : f32 to vector<2048x2048xf32>
    %mul3A_11 = arith.mulf %dot_general3A_9, %mul3A_10 : vector<2048x2048xf32>
    %reduce_max3A = arith.constant dense<0xFF800000> : vector<2048xf32>
    %reduce_max3A_12 = vector.multi_reduction <maximumf>, %mul3A_11, %reduce_max3A [1] : vector<2048x2048xf32> to vector<2048xf32>
    %broadcast_in_dim3A = vector.shape_cast %reduce_max3A_12 : vector<2048xf32> to vector<2048x1xf32>
    %sub3A = vector.broadcast %broadcast_in_dim3A : vector<2048x1xf32> to vector<2048x2048xf32>
    %sub3A_13 = arith.subf %mul3A_11, %sub3A : vector<2048x2048xf32>
    %exp3A = math.exp %sub3A_13 : vector<2048x2048xf32>
    %reduce_sum3A = arith.constant dense<0.000000e+00> : vector<2048xf32>
    %reduce_sum3A_14 = vector.multi_reduction <add>, %exp3A, %reduce_sum3A [1] : vector<2048x2048xf32> to vector<2048xf32>
    %broadcast_in_dim3A_15 = vector.shape_cast %reduce_sum3A_14 : vector<2048xf32> to vector<2048x1xf32>
    %div3A = vector.broadcast %broadcast_in_dim3A_15 : vector<2048x1xf32> to vector<2048x2048xf32>
    %div3A_16 = arith.divf %exp3A, %div3A : vector<2048x2048xf32>
    %convert_element_type3A = arith.truncf %div3A_16 : vector<2048x2048xf32> to vector<2048x2048xbf16>
    %get3A_17 = arith.constant 0 : index
    %get3A_18 = arith.constant 0 : index
    %get3A_19 = arith.constant 0 : index
    %get3A_20 = vector.load %arg4[%get3A_17, %get3A_18, %get3A_19] : memref<1x2048x64xbf16, #tpu.memory_space<vmem>>, vector<1x2048x64xbf16>
    %get3A_21 = vector.shape_cast %get3A_20 : vector<1x2048x64xbf16> to vector<2048x64xbf16>
    %dot_general3A_22 = arith.constant dense<0.000000e+00> : vector<2048x64xf32>
    %dot_general3A_23 = tpu.matmul %convert_element_type3A, %get3A_21, %dot_general3A_22 {dimension_numbers = #tpu.dot_dimension_numbers<[1], [0], [0], [1], [0, 0, 1, 1], [], []>, transpose_lhs_hint = false} : vector<2048x2048xbf16>, vector<2048x64xbf16>, vector<2048x64xf32> -> vector<2048x64xf32>
    %convert_element_type3A_24 = arith.truncf %dot_general3A_23 : vector<2048x64xf32> to vector<2048x64xbf16>
    %swap3A = arith.constant 0 : index
    %swap3A_25 = arith.constant 0 : index
    %swap3A_26 = arith.constant 0 : index
    %swap3A_27 = vector.load %arg5[%swap3A, %swap3A_25, %swap3A_26] : memref<1x2048x64xbf16, #tpu.memory_space<vmem>>, vector<1x2048x64xbf16>
    %swap3A_28 = vector.shape_cast %swap3A_27 : vector<1x2048x64xbf16> to vector<2048x64xbf16>
    %swap3A_29 = vector.shape_cast %convert_element_type3A_24 : vector<2048x64xbf16> to vector<1x2048x64xbf16>
    tpu.vector_store %arg5[%swap3A, %swap3A_25, %swap3A_26], %swap3A_29 {strides = array<i32>} : memref<1x2048x64xbf16, #tpu.memory_space<vmem>>, vector<1x2048x64xbf16>,
    return
  }
  func.func @transform_0(%arg0: i32, %arg1: i32) -> (i32, i32, i32) {
    %c0_i32 = arith.constant 0 : i32
    %c0_i32_0 = arith.constant 0 : i32
    return %arg1, %arg0, %c0_i32 : i32, i32, i32
  }
  func.func @transform_1(%arg0: i32, %arg1: i32) -> (i32, i32, i32) {
    %add3A = arith.constant 16 : i32
    %add3A_0 = arith.addi %arg1, %add3A : i32
    %c0_i32 = arith.constant 0 : i32
    %c0_i32_1 = arith.constant 0 : i32
    return %add3A_0, %arg0, %c0_i32 : i32, i32, i32
  }
  func.func @transform_2(%arg0: i32, %arg1: i32) -> (i32, i32, i32) {
    %add3A = arith.constant 32 : i32
    %add3A_0 = arith.addi %arg1, %add3A : i32
    %c0_i32 = arith.constant 0 : i32
    %c0_i32_1 = arith.constant 0 : i32
    return %add3A_0, %arg0, %c0_i32 : i32, i32, i32
  }
  func.func @transform_3(%arg0: i32, %arg1: i32) -> (i32, i32, i32) {
    %c0_i32 = arith.constant 0 : i32
    %c0_i32_0 = arith.constant 0 : i32
    return %arg1, %arg0, %c0_i32 : i32, i32, i32
  }
}

module attributes {stable_mosaic.version = 14 : i64} {
  func.func @_oproj_body(%arg0: i32, %arg1: memref<256x1024xbf16, #tpu.memory_space<vmem>>, %arg2: memref<256x1024xf32, #tpu.memory_space<vmem>>, %arg3: memref<1024x1024xbf16, #tpu.memory_space<vmem>>, %arg4: memref<1x1024xf32, #tpu.memory_space<vmem>>, %arg5: memref<1x1024xf32, #tpu.memory_space<vmem>>, %arg6: memref<1x1024xf32, #tpu.memory_space<vmem>>, %arg7: memref<1024x8xbf16, #tpu.memory_space<vmem>>, %arg8: memref<256x1024xf32, #tpu.memory_space<vmem>>, %arg9: memref<256x1024xbf16, #tpu.memory_space<vmem>>, %arg10: memref<256xf32, #tpu.memory_space<vmem>>, %arg11: memref<256xi32, #tpu.memory_space<vmem>>, %arg12: memref<256xi32, #tpu.memory_space<vmem>>) attributes {dimension_semantics = [#tpu.dimension_semantics<arbitrary>], iteration_bounds = array<i64: 16>, scalar_prefetch = 0 : i64, scratch_operands = 0 : i64, tpu.core_type = #tpu.core_type<tc>, window_params = [{transform_indices = @transform_0, window_bounds = array<i64: 256, 1024>}, {transform_indices = @transform_1, window_bounds = array<i64: 256, 1024>}, {pipeline_mode = #tpu.pipeline_mode<synchronous>, transform_indices = @transform_2, window_bounds = array<i64: 1024, 1024>}, {pipeline_mode = #tpu.pipeline_mode<synchronous>, transform_indices = @transform_3, window_bounds = array<i64: 1, 1024>}, {pipeline_mode = #tpu.pipeline_mode<synchronous>, transform_indices = @transform_4, window_bounds = array<i64: 1, 1024>}, {pipeline_mode = #tpu.pipeline_mode<synchronous>, transform_indices = @transform_5, window_bounds = array<i64: 1, 1024>}, {pipeline_mode = #tpu.pipeline_mode<synchronous>, transform_indices = @transform_6, window_bounds = array<i64: 1024, 8>}, {transform_indices = @transform_7, window_bounds = array<i64: 256, 1024>}, {transform_indices = @transform_8, window_bounds = array<i64: 256, 1024>}, {transform_indices = @transform_9, window_bounds = array<i64: 256>}, {transform_indices = @transform_10, window_bounds = array<i64: 256>}, {transform_indices = @transform_11, window_bounds = array<i64: 256>}]} {
    %get3A = arith.constant 0 : index
    %get3A_0 = arith.constant 0 : index
    %get3A_1 = vector.load %arg1[%get3A, %get3A_0] : memref<256x1024xbf16, #tpu.memory_space<vmem>>, vector<256x1024xbf16>
    %get3A_2 = arith.constant 0 : index
    %get3A_3 = arith.constant 0 : index
    %get3A_4 = vector.load %arg3[%get3A_2, %get3A_3] : memref<1024x1024xbf16, #tpu.memory_space<vmem>>, vector<1024x1024xbf16>
    %dot_general3A = arith.constant dense<0.000000e+00> : vector<256x1024xf32>
    %dot_general3A_5 = tpu.matmul %get3A_1, %get3A_4, %dot_general3A {dimension_numbers = #tpu.dot_dimension_numbers<[1], [0], [0], [1], [0, 0, 1, 1], [], []>, transpose_lhs_hint = false} : vector<256x1024xbf16>, vector<1024x1024xbf16>, vector<256x1024xf32> -> vector<256x1024xf32>
    %get3A_6 = arith.constant 0 : index
    %get3A_7 = arith.constant 0 : index
    %get3A_8 = vector.load %arg4[%get3A_6, %get3A_7] : memref<1x1024xf32, #tpu.memory_space<vmem>>, vector<1x1024xf32>
    %add3A = vector.broadcast %get3A_8 : vector<1x1024xf32> to vector<256x1024xf32>
    %add3A_9 = arith.addf %dot_general3A_5, %add3A : vector<256x1024xf32>
    %get3A_10 = arith.constant 0 : index
    %get3A_11 = arith.constant 0 : index
    %get3A_12 = vector.load %arg2[%get3A_10, %get3A_11] : memref<256x1024xf32, #tpu.memory_space<vmem>>, vector<256x1024xf32>
    %add3A_13 = arith.addf %add3A_9, %get3A_12 : vector<256x1024xf32>
    %get3A_14 = arith.constant 0 : index
    %get3A_15 = arith.constant 0 : index
    %get3A_16 = vector.load %arg5[%get3A_14, %get3A_15] : memref<1x1024xf32, #tpu.memory_space<vmem>>, vector<1x1024xf32>
    %get3A_17 = arith.constant 0 : index
    %get3A_18 = arith.constant 0 : index
    %get3A_19 = vector.load %arg6[%get3A_17, %get3A_18] : memref<1x1024xf32, #tpu.memory_space<vmem>>, vector<1x1024xf32>
    %reduce_sum3A = arith.constant dense<0.000000e+00> : vector<256xf32>
    %reduce_sum3A_20 = vector.multi_reduction <add>, %add3A_13, %reduce_sum3A [1] : vector<256x1024xf32> to vector<256xf32>
    %broadcast_in_dim3A = vector.shape_cast %reduce_sum3A_20 : vector<256xf32> to vector<256x1xf32>
    %div3A = arith.constant 1.024000e+03 : f32
    %div3A_21 = vector.broadcast %div3A : f32 to vector<256x1xf32>
    %div3A_22 = arith.divf %broadcast_in_dim3A, %div3A_21 : vector<256x1xf32>
    %sub3A = vector.broadcast %div3A_22 : vector<256x1xf32> to vector<256x1024xf32>
    %sub3A_23 = arith.subf %add3A_13, %sub3A : vector<256x1024xf32>
    %integer_pow3A = arith.mulf %sub3A_23, %sub3A_23 : vector<256x1024xf32>
    %reduce_sum3A_24 = arith.constant dense<0.000000e+00> : vector<256xf32>
    %reduce_sum3A_25 = vector.multi_reduction <add>, %integer_pow3A, %reduce_sum3A_24 [1] : vector<256x1024xf32> to vector<256xf32>
    %broadcast_in_dim3A_26 = vector.shape_cast %reduce_sum3A_25 : vector<256xf32> to vector<256x1xf32>
    %div3A_27 = arith.constant 1.024000e+03 : f32
    %div3A_28 = vector.broadcast %div3A_27 : f32 to vector<256x1xf32>
    %div3A_29 = arith.divf %broadcast_in_dim3A_26, %div3A_28 : vector<256x1xf32>
    %sub3A_30 = vector.broadcast %div3A_22 : vector<256x1xf32> to vector<256x1024xf32>
    %sub3A_31 = arith.subf %add3A_13, %sub3A_30 : vector<256x1024xf32>
    %add3A_32 = arith.constant 9.99999996E-13 : f32
    %add3A_33 = vector.broadcast %add3A_32 : f32 to vector<256x1xf32>
    %add3A_34 = arith.addf %div3A_29, %add3A_33 : vector<256x1xf32>
    %sqrt3A = math.sqrt %add3A_34 : vector<256x1xf32>
    %div3A_35 = vector.broadcast %sqrt3A : vector<256x1xf32> to vector<256x1024xf32>
    %div3A_36 = arith.divf %sub3A_31, %div3A_35 : vector<256x1024xf32>
    %mul3A = vector.broadcast %get3A_16 : vector<1x1024xf32> to vector<256x1024xf32>
    %mul3A_37 = arith.mulf %div3A_36, %mul3A : vector<256x1024xf32>
    %add3A_38 = vector.broadcast %get3A_19 : vector<1x1024xf32> to vector<256x1024xf32>
    %add3A_39 = arith.addf %mul3A_37, %add3A_38 : vector<256x1024xf32>
    %swap3A = arith.constant 0 : index
    %swap3A_40 = arith.constant 0 : index
    %swap3A_41 = vector.load %arg8[%swap3A, %swap3A_40] : memref<256x1024xf32, #tpu.memory_space<vmem>>, vector<256x1024xf32>
    tpu.vector_store %arg8[%swap3A, %swap3A_40], %add3A_39 {strides = array<i32>} : memref<256x1024xf32, #tpu.memory_space<vmem>>, vector<256x1024xf32>,
    %convert_element_type3A = arith.truncf %add3A_39 : vector<256x1024xf32> to vector<256x1024xbf16>
    %swap3A_42 = arith.constant 0 : index
    %swap3A_43 = arith.constant 0 : index
    %swap3A_44 = vector.load %arg9[%swap3A_42, %swap3A_43] : memref<256x1024xbf16, #tpu.memory_space<vmem>>, vector<256x1024xbf16>
    tpu.vector_store %arg9[%swap3A_42, %swap3A_43], %convert_element_type3A {strides = array<i32>} : memref<256x1024xbf16, #tpu.memory_space<vmem>>, vector<256x1024xbf16>,
    %get3A_45 = arith.constant 0 : index
    %get3A_46 = arith.constant 0 : index
    %get3A_47 = vector.load %arg7[%get3A_45, %get3A_46] : memref<1024x8xbf16, #tpu.memory_space<vmem>>, vector<1024x8xbf16>
    %dot_general3A_48 = arith.constant dense<0.000000e+00> : vector<256x8xf32>
    %dot_general3A_49 = tpu.matmul %convert_element_type3A, %get3A_47, %dot_general3A_48 {dimension_numbers = #tpu.dot_dimension_numbers<[1], [0], [0], [1], [0, 0, 1, 1], [], []>, transpose_lhs_hint = false} : vector<256x1024xbf16>, vector<1024x8xbf16>, vector<256x8xf32> -> vector<256x8xf32>
    %iota3A = tpu.iota {dimensions = array<i32: 1>} : vector<256x8xi32>
    %reduce_max3A = arith.constant dense<0xFF800000> : vector<256xf32>
    %reduce_max3A_50 = vector.multi_reduction <maximumf>, %dot_general3A_49, %reduce_max3A [1] : vector<256x8xf32> to vector<256xf32>
    %broadcast_in_dim3A_51 = vector.shape_cast %reduce_max3A_50 : vector<256xf32> to vector<256x1xf32>
    %eq3A = vector.broadcast %broadcast_in_dim3A_51 : vector<256x1xf32> to vector<256x8xf32>
    %eq3A_52 = arith.cmpf oeq, %dot_general3A_49, %eq3A : vector<256x8xf32>
    %jit3A = arith.constant 8 : i32
    %broadcast_in_dim3A_53 = vector.broadcast %jit3A : i32 to vector<256x8xi32>
    %select_n3A = arith.select %eq3A_52, %iota3A, %broadcast_in_dim3A_53 : vector<256x8xi1>, vector<256x8xi32>
    %reduce_min3A = arith.constant dense<2147483647> : vector<256xi32>
    %reduce_min3A_54 = vector.multi_reduction <minsi>, %select_n3A, %reduce_min3A [1] : vector<256x8xi32> to vector<256xi32>
    %broadcast_in_dim3A_55 = vector.shape_cast %reduce_min3A_54 : vector<256xi32> to vector<256x1xi32>
    %eq3A_56 = vector.broadcast %broadcast_in_dim3A_55 : vector<256x1xi32> to vector<256x8xi32>
    %eq3A_57 = arith.cmpi eq, %iota3A, %eq3A_56 : vector<256x8xi32>
    %jit3A_58 = arith.constant -1.000000e+30 : f32
    %broadcast_in_dim3A_59 = vector.broadcast %jit3A_58 : f32 to vector<256x8xf32>
    %select_n3A_60 = arith.select %eq3A_57, %broadcast_in_dim3A_59, %dot_general3A_49 : vector<256x8xi1>, vector<256x8xf32>
    %reduce_max3A_61 = arith.constant dense<0xFF800000> : vector<256xf32>
    %reduce_max3A_62 = vector.multi_reduction <maximumf>, %select_n3A_60, %reduce_max3A_61 [1] : vector<256x8xf32> to vector<256xf32>
    %broadcast_in_dim3A_63 = vector.shape_cast %reduce_max3A_62 : vector<256xf32> to vector<256x1xf32>
    %eq3A_64 = vector.broadcast %broadcast_in_dim3A_63 : vector<256x1xf32> to vector<256x8xf32>
    %eq3A_65 = arith.cmpf oeq, %select_n3A_60, %eq3A_64 : vector<256x8xf32>
    %jit3A_66 = arith.constant 8 : i32
    %broadcast_in_dim3A_67 = vector.broadcast %jit3A_66 : i32 to vector<256x8xi32>
    %select_n3A_68 = arith.select %eq3A_65, %iota3A, %broadcast_in_dim3A_67 : vector<256x8xi1>, vector<256x8xi32>
    %reduce_min3A_69 = arith.constant dense<2147483647> : vector<256xi32>
    %reduce_min3A_70 = vector.multi_reduction <minsi>, %select_n3A_68, %reduce_min3A_69 [1] : vector<256x8xi32> to vector<256xi32>
    %sub3A_71 = arith.subf %reduce_max3A_62, %reduce_max3A_50 : vector<256xf32>
    %exp3A = math.exp %sub3A_71 : vector<256xf32>
    %add3A_72 = arith.constant 1.000000e+00 : f32
    %add3A_73 = vector.broadcast %add3A_72 : f32 to vector<256xf32>
    %add3A_74 = arith.addf %add3A_73, %exp3A : vector<256xf32>
    %div3A_75 = arith.constant 1.000000e+00 : f32
    %div3A_76 = vector.broadcast %div3A_75 : f32 to vector<256xf32>
    %div3A_77 = arith.divf %div3A_76, %add3A_74 : vector<256xf32>
    %swap3A_78 = arith.constant 0 : index
    %swap3A_79 = vector.load %arg10[%swap3A_78] : memref<256xf32, #tpu.memory_space<vmem>>, vector<256xf32>
    tpu.vector_store %arg10[%swap3A_78], %div3A_77 {strides = array<i32>} : memref<256xf32, #tpu.memory_space<vmem>>, vector<256xf32>,
    %swap3A_80 = arith.constant 0 : index
    %swap3A_81 = vector.load %arg11[%swap3A_80] : memref<256xi32, #tpu.memory_space<vmem>>, vector<256xi32>
    tpu.vector_store %arg11[%swap3A_80], %reduce_min3A_54 {strides = array<i32>} : memref<256xi32, #tpu.memory_space<vmem>>, vector<256xi32>,
    %swap3A_82 = arith.constant 0 : index
    %swap3A_83 = vector.load %arg12[%swap3A_82] : memref<256xi32, #tpu.memory_space<vmem>>, vector<256xi32>
    tpu.vector_store %arg12[%swap3A_82], %reduce_min3A_70 {strides = array<i32>} : memref<256xi32, #tpu.memory_space<vmem>>, vector<256xi32>,
    return
  }
  func.func @transform_0(%arg0: i32) -> (i32, i32) {
    %c0_i32 = arith.constant 0 : i32
    %c0_i32_0 = arith.constant 0 : i32
    return %arg0, %c0_i32 : i32, i32
  }
  func.func @transform_1(%arg0: i32) -> (i32, i32) {
    %c0_i32 = arith.constant 0 : i32
    %c0_i32_0 = arith.constant 0 : i32
    return %arg0, %c0_i32 : i32, i32
  }
  func.func @transform_2(%arg0: i32) -> (i32, i32) {
    %c0_i32 = arith.constant 0 : i32
    %c0_i32_0 = arith.constant 0 : i32
    %c0_i32_1 = arith.constant 0 : i32
    return %c0_i32, %c0_i32_0 : i32, i32
  }
  func.func @transform_3(%arg0: i32) -> (i32, i32) {
    %c0_i32 = arith.constant 0 : i32
    %c0_i32_0 = arith.constant 0 : i32
    %c0_i32_1 = arith.constant 0 : i32
    return %c0_i32, %c0_i32_0 : i32, i32
  }
  func.func @transform_4(%arg0: i32) -> (i32, i32) {
    %c0_i32 = arith.constant 0 : i32
    %c0_i32_0 = arith.constant 0 : i32
    %c0_i32_1 = arith.constant 0 : i32
    return %c0_i32, %c0_i32_0 : i32, i32
  }
  func.func @transform_5(%arg0: i32) -> (i32, i32) {
    %c0_i32 = arith.constant 0 : i32
    %c0_i32_0 = arith.constant 0 : i32
    %c0_i32_1 = arith.constant 0 : i32
    return %c0_i32, %c0_i32_0 : i32, i32
  }
  func.func @transform_6(%arg0: i32) -> (i32, i32) {
    %c0_i32 = arith.constant 0 : i32
    %c0_i32_0 = arith.constant 0 : i32
    %c0_i32_1 = arith.constant 0 : i32
    return %c0_i32, %c0_i32_0 : i32, i32
  }
  func.func @transform_7(%arg0: i32) -> (i32, i32) {
    %c0_i32 = arith.constant 0 : i32
    %c0_i32_0 = arith.constant 0 : i32
    return %arg0, %c0_i32 : i32, i32
  }
  func.func @transform_8(%arg0: i32) -> (i32, i32) {
    %c0_i32 = arith.constant 0 : i32
    %c0_i32_0 = arith.constant 0 : i32
    return %arg0, %c0_i32 : i32, i32
  }
  func.func @transform_9(%arg0: i32) -> i32 {
    %c0_i32 = arith.constant 0 : i32
    return %arg0 : i32
  }
  func.func @transform_10(%arg0: i32) -> i32 {
    %c0_i32 = arith.constant 0 : i32
    return %arg0 : i32
  }
  func.func @transform_11(%arg0: i32) -> i32 {
    %c0_i32 = arith.constant 0 : i32
    return %arg0 : i32
  }
}

module attributes {stable_mosaic.version = 14 : i64} {
  func.func @_moe_body(%arg0: i32, %arg1: i32, %arg2: memref<40xi32, #tpu.memory_space<smem>>, %arg3: memref<256x1024xbf16, #tpu.memory_space<vmem>>, %arg4: memref<1x1024x2048xbf16, #tpu.memory_space<vmem>>, %arg5: memref<1x1x2048xf32, #tpu.memory_space<vmem>>, %arg6: memref<1x2048x1024xbf16, #tpu.memory_space<vmem>>, %arg7: memref<1x1x1024xf32, #tpu.memory_space<vmem>>, %arg8: memref<256x1024xf32, #tpu.memory_space<vmem>>) attributes {dimension_semantics = [#tpu.dimension_semantics<arbitrary>, #tpu.dimension_semantics<arbitrary>], iteration_bounds = array<i64: 40, 2>, scalar_prefetch = 1 : i64, scratch_operands = 0 : i64, tpu.core_type = #tpu.core_type<tc>, window_params = [{transform_indices = @transform_0, window_bounds = array<i64: 256, 1024>}, {transform_indices = @transform_1, window_bounds = array<i64: 1, 1024, 2048>}, {transform_indices = @transform_2, window_bounds = array<i64: 1, 1, 2048>}, {transform_indices = @transform_3, window_bounds = array<i64: 1, 2048, 1024>}, {transform_indices = @transform_4, window_bounds = array<i64: 1, 1, 1024>}, {transform_indices = @transform_5, window_bounds = array<i64: 256, 1024>}]} {
    %get3A = arith.constant 0 : index
    %get3A_0 = arith.constant 0 : index
    %get3A_1 = vector.load %arg3[%get3A, %get3A_0] : memref<256x1024xbf16, #tpu.memory_space<vmem>>, vector<256x1024xbf16>
    %get3A_2 = arith.constant 0 : index
    %get3A_3 = arith.constant 0 : index
    %get3A_4 = arith.constant 0 : index
    %get3A_5 = vector.load %arg4[%get3A_2, %get3A_3, %get3A_4] : memref<1x1024x2048xbf16, #tpu.memory_space<vmem>>, vector<1x1024x2048xbf16>
    %get3A_6 = vector.shape_cast %get3A_5 : vector<1x1024x2048xbf16> to vector<1024x2048xbf16>
    %dot_general3A = arith.constant dense<0.000000e+00> : vector<256x2048xf32>
    %dot_general3A_7 = tpu.matmul %get3A_1, %get3A_6, %dot_general3A {dimension_numbers = #tpu.dot_dimension_numbers<[1], [0], [0], [1], [0, 0, 1, 1], [], []>, transpose_lhs_hint = false} : vector<256x1024xbf16>, vector<1024x2048xbf16>, vector<256x2048xf32> -> vector<256x2048xf32>
    %get3A_8 = arith.constant 0 : index
    %get3A_9 = arith.constant 0 : index
    %get3A_10 = arith.constant 0 : index
    %get3A_11 = vector.load %arg5[%get3A_8, %get3A_9, %get3A_10] : memref<1x1x2048xf32, #tpu.memory_space<vmem>>, vector<1x1x2048xf32>
    %get3A_12 = vector.shape_cast %get3A_11 : vector<1x1x2048xf32> to vector<1x2048xf32>
    %add3A = vector.broadcast %get3A_12 : vector<1x2048xf32> to vector<256x2048xf32>
    %add3A_13 = arith.addf %dot_general3A_7, %add3A : vector<256x2048xf32>
    %mul3A = arith.constant 5.000000e-01 : f32
    %mul3A_14 = vector.broadcast %mul3A : f32 to vector<256x2048xf32>
    %mul3A_15 = arith.mulf %mul3A_14, %add3A_13 : vector<256x2048xf32>
    %mul3A_16 = arith.constant 0.707106769 : f32
    %mul3A_17 = vector.broadcast %mul3A_16 : f32 to vector<256x2048xf32>
    %mul3A_18 = arith.mulf %add3A_13, %mul3A_17 : vector<256x2048xf32>
    %erf3A = math.erf %mul3A_18 : vector<256x2048xf32>
    %add3A_19 = arith.constant 1.000000e+00 : f32
    %add3A_20 = vector.broadcast %add3A_19 : f32 to vector<256x2048xf32>
    %add3A_21 = arith.addf %add3A_20, %erf3A : vector<256x2048xf32>
    %mul3A_22 = arith.mulf %mul3A_15, %add3A_21 : vector<256x2048xf32>
    %convert_element_type3A = arith.truncf %mul3A_22 : vector<256x2048xf32> to vector<256x2048xbf16>
    %get3A_23 = arith.constant 0 : index
    %get3A_24 = arith.constant 0 : index
    %get3A_25 = arith.constant 0 : index
    %get3A_26 = vector.load %arg6[%get3A_23, %get3A_24, %get3A_25] : memref<1x2048x1024xbf16, #tpu.memory_space<vmem>>, vector<1x2048x1024xbf16>
    %get3A_27 = vector.shape_cast %get3A_26 : vector<1x2048x1024xbf16> to vector<2048x1024xbf16>
    %dot_general3A_28 = arith.constant dense<0.000000e+00> : vector<256x1024xf32>
    %dot_general3A_29 = tpu.matmul %convert_element_type3A, %get3A_27, %dot_general3A_28 {dimension_numbers = #tpu.dot_dimension_numbers<[1], [0], [0], [1], [0, 0, 1, 1], [], []>, transpose_lhs_hint = false} : vector<256x2048xbf16>, vector<2048x1024xbf16>, vector<256x1024xf32> -> vector<256x1024xf32>
    %eq3A = arith.constant 0 : i32
    %eq3A_30 = arith.cmpi eq, %arg1, %eq3A : i32
    %convert_element_type3A_31 = arith.extui %eq3A_30 : i1 to i32
    %cond3A = arith.constant 0 : i32
    %cond3A_32 = arith.cmpi ne, %convert_element_type3A_31, %cond3A : i32
    scf.if %cond3A_32 {
      %get3A_37 = arith.constant 0 : index
      %get3A_38 = arith.constant 0 : index
      %get3A_39 = arith.constant 0 : index
      %get3A_40 = vector.load %arg7[%get3A_37, %get3A_38, %get3A_39] : memref<1x1x1024xf32, #tpu.memory_space<vmem>>, vector<1x1x1024xf32>
      %get3A_41 = vector.shape_cast %get3A_40 : vector<1x1x1024xf32> to vector<1x1024xf32>
      %add3A_42 = vector.broadcast %get3A_41 : vector<1x1024xf32> to vector<256x1024xf32>
      %add3A_43 = arith.addf %dot_general3A_29, %add3A_42 : vector<256x1024xf32>
      %swap3A = arith.constant 0 : index
      %swap3A_44 = arith.constant 0 : index
      %swap3A_45 = vector.load %arg8[%swap3A, %swap3A_44] : memref<256x1024xf32, #tpu.memory_space<vmem>>, vector<256x1024xf32>
      tpu.vector_store %arg8[%swap3A, %swap3A_44], %add3A_43 {strides = array<i32>} : memref<256x1024xf32, #tpu.memory_space<vmem>>, vector<256x1024xf32>,
    } else {
    }
    %ne3A = arith.constant 0 : i32
    %ne3A_33 = arith.cmpi ne, %arg1, %ne3A : i32
    %convert_element_type3A_34 = arith.extui %ne3A_33 : i1 to i32
    %cond3A_35 = arith.constant 0 : i32
    %cond3A_36 = arith.cmpi ne, %convert_element_type3A_34, %cond3A_35 : i32
    scf.if %cond3A_36 {
      %get3A_37 = arith.constant 0 : index
      %get3A_38 = arith.constant 0 : index
      %get3A_39 = vector.load %arg8[%get3A_37, %get3A_38] : memref<256x1024xf32, #tpu.memory_space<vmem>>, vector<256x1024xf32>
      %add3A_40 = arith.addf %get3A_39, %dot_general3A_29 : vector<256x1024xf32>
      %swap3A = arith.constant 0 : index
      %swap3A_41 = arith.constant 0 : index
      %swap3A_42 = vector.load %arg8[%swap3A, %swap3A_41] : memref<256x1024xf32, #tpu.memory_space<vmem>>, vector<256x1024xf32>
      tpu.vector_store %arg8[%swap3A, %swap3A_41], %add3A_40 {strides = array<i32>} : memref<256x1024xf32, #tpu.memory_space<vmem>>, vector<256x1024xf32>,
    } else {
    }
    return
  }
  func.func @transform_0(%arg0: i32, %arg1: i32, %arg2: memref<40xi32, #tpu.memory_space<smem>>) -> (i32, i32) {
    %c0_i32 = arith.constant 0 : i32
    %c0_i32_0 = arith.constant 0 : i32
    return %arg0, %c0_i32 : i32, i32
  }
  func.func @transform_1(%arg0: i32, %arg1: i32, %arg2: memref<40xi32, #tpu.memory_space<smem>>) -> (i32, i32, i32) {
    %get3A = arith.index_cast %arg0 : i32 to index
    %get3A_0 = memref.load %arg2[%get3A] : memref<40xi32, #tpu.memory_space<smem>>
    %c0_i32 = arith.constant 0 : i32
    %c0_i32_1 = arith.constant 0 : i32
    return %get3A_0, %c0_i32, %arg1 : i32, i32, i32
  }
  func.func @transform_2(%arg0: i32, %arg1: i32, %arg2: memref<40xi32, #tpu.memory_space<smem>>) -> (i32, i32, i32) {
    %get3A = arith.index_cast %arg0 : i32 to index
    %get3A_0 = memref.load %arg2[%get3A] : memref<40xi32, #tpu.memory_space<smem>>
    %c0_i32 = arith.constant 0 : i32
    %c0_i32_1 = arith.constant 0 : i32
    return %get3A_0, %c0_i32, %arg1 : i32, i32, i32
  }
  func.func @transform_3(%arg0: i32, %arg1: i32, %arg2: memref<40xi32, #tpu.memory_space<smem>>) -> (i32, i32, i32) {
    %get3A = arith.index_cast %arg0 : i32 to index
    %get3A_0 = memref.load %arg2[%get3A] : memref<40xi32, #tpu.memory_space<smem>>
    %c0_i32 = arith.constant 0 : i32
    %c0_i32_1 = arith.constant 0 : i32
    return %get3A_0, %arg1, %c0_i32 : i32, i32, i32
  }
  func.func @transform_4(%arg0: i32, %arg1: i32, %arg2: memref<40xi32, #tpu.memory_space<smem>>) -> (i32, i32, i32) {
    %get3A = arith.index_cast %arg0 : i32 to index
    %get3A_0 = memref.load %arg2[%get3A] : memref<40xi32, #tpu.memory_space<smem>>
    %c0_i32 = arith.constant 0 : i32
    %c0_i32_1 = arith.constant 0 : i32
    %c0_i32_2 = arith.constant 0 : i32
    return %get3A_0, %c0_i32, %c0_i32_1 : i32, i32, i32
  }
  func.func @transform_5(%arg0: i32, %arg1: i32, %arg2: memref<40xi32, #tpu.memory_space<smem>>) -> (i32, i32) {
    %c0_i32 = arith.constant 0 : i32
    %c0_i32_0 = arith.constant 0 : i32
    return %arg0, %c0_i32 : i32, i32
  }
}

module attributes {stable_mosaic.version = 14 : i64} {
  func.func @_combine_body(%arg0: i32, %arg1: memref<256x1024xf32, #tpu.memory_space<vmem>>, %arg2: memref<256x1024xf32, #tpu.memory_space<vmem>>, %arg3: memref<256xf32, #tpu.memory_space<vmem>>, %arg4: memref<256x1024xf32, #tpu.memory_space<vmem>>, %arg5: memref<1x1024xf32, #tpu.memory_space<vmem>>, %arg6: memref<1x1024xf32, #tpu.memory_space<vmem>>, %arg7: memref<256x1024xf32, #tpu.memory_space<vmem>>) attributes {dimension_semantics = [#tpu.dimension_semantics<arbitrary>], iteration_bounds = array<i64: 16>, scalar_prefetch = 0 : i64, scratch_operands = 0 : i64, tpu.core_type = #tpu.core_type<tc>, window_params = [{transform_indices = @transform_0, window_bounds = array<i64: 256, 1024>}, {transform_indices = @transform_1, window_bounds = array<i64: 256, 1024>}, {transform_indices = @transform_2, window_bounds = array<i64: 256>}, {transform_indices = @transform_3, window_bounds = array<i64: 256, 1024>}, {pipeline_mode = #tpu.pipeline_mode<synchronous>, transform_indices = @transform_4, window_bounds = array<i64: 1, 1024>}, {pipeline_mode = #tpu.pipeline_mode<synchronous>, transform_indices = @transform_5, window_bounds = array<i64: 1, 1024>}, {transform_indices = @transform_6, window_bounds = array<i64: 256, 1024>}]} {
    %get3A = arith.constant 0 : index
    %get3A_0 = vector.load %arg3[%get3A] : memref<256xf32, #tpu.memory_space<vmem>>, vector<256xf32>
    %broadcast_in_dim3A = vector.shape_cast %get3A_0 : vector<256xf32> to vector<256x1xf32>
    %get3A_1 = arith.constant 0 : index
    %get3A_2 = arith.constant 0 : index
    %get3A_3 = vector.load %arg1[%get3A_1, %get3A_2] : memref<256x1024xf32, #tpu.memory_space<vmem>>, vector<256x1024xf32>
    %mul3A = vector.broadcast %broadcast_in_dim3A : vector<256x1xf32> to vector<256x1024xf32>
    %mul3A_4 = arith.mulf %mul3A, %get3A_3 : vector<256x1024xf32>
    %sub3A = arith.constant 1.000000e+00 : f32
    %sub3A_5 = vector.broadcast %sub3A : f32 to vector<256x1xf32>
    %sub3A_6 = arith.subf %sub3A_5, %broadcast_in_dim3A : vector<256x1xf32>
    %get3A_7 = arith.constant 0 : index
    %get3A_8 = arith.constant 0 : index
    %get3A_9 = vector.load %arg2[%get3A_7, %get3A_8] : memref<256x1024xf32, #tpu.memory_space<vmem>>, vector<256x1024xf32>
    %mul3A_10 = vector.broadcast %sub3A_6 : vector<256x1xf32> to vector<256x1024xf32>
    %mul3A_11 = arith.mulf %mul3A_10, %get3A_9 : vector<256x1024xf32>
    %add3A = arith.addf %mul3A_4, %mul3A_11 : vector<256x1024xf32>
    %get3A_12 = arith.constant 0 : index
    %get3A_13 = arith.constant 0 : index
    %get3A_14 = vector.load %arg4[%get3A_12, %get3A_13] : memref<256x1024xf32, #tpu.memory_space<vmem>>, vector<256x1024xf32>
    %add3A_15 = arith.addf %add3A, %get3A_14 : vector<256x1024xf32>
    %get3A_16 = arith.constant 0 : index
    %get3A_17 = arith.constant 0 : index
    %get3A_18 = vector.load %arg5[%get3A_16, %get3A_17] : memref<1x1024xf32, #tpu.memory_space<vmem>>, vector<1x1024xf32>
    %get3A_19 = arith.constant 0 : index
    %get3A_20 = arith.constant 0 : index
    %get3A_21 = vector.load %arg6[%get3A_19, %get3A_20] : memref<1x1024xf32, #tpu.memory_space<vmem>>, vector<1x1024xf32>
    %reduce_sum3A = arith.constant dense<0.000000e+00> : vector<256xf32>
    %reduce_sum3A_22 = vector.multi_reduction <add>, %add3A_15, %reduce_sum3A [1] : vector<256x1024xf32> to vector<256xf32>
    %broadcast_in_dim3A_23 = vector.shape_cast %reduce_sum3A_22 : vector<256xf32> to vector<256x1xf32>
    %div3A = arith.constant 1.024000e+03 : f32
    %div3A_24 = vector.broadcast %div3A : f32 to vector<256x1xf32>
    %div3A_25 = arith.divf %broadcast_in_dim3A_23, %div3A_24 : vector<256x1xf32>
    %sub3A_26 = vector.broadcast %div3A_25 : vector<256x1xf32> to vector<256x1024xf32>
    %sub3A_27 = arith.subf %add3A_15, %sub3A_26 : vector<256x1024xf32>
    %integer_pow3A = arith.mulf %sub3A_27, %sub3A_27 : vector<256x1024xf32>
    %reduce_sum3A_28 = arith.constant dense<0.000000e+00> : vector<256xf32>
    %reduce_sum3A_29 = vector.multi_reduction <add>, %integer_pow3A, %reduce_sum3A_28 [1] : vector<256x1024xf32> to vector<256xf32>
    %broadcast_in_dim3A_30 = vector.shape_cast %reduce_sum3A_29 : vector<256xf32> to vector<256x1xf32>
    %div3A_31 = arith.constant 1.024000e+03 : f32
    %div3A_32 = vector.broadcast %div3A_31 : f32 to vector<256x1xf32>
    %div3A_33 = arith.divf %broadcast_in_dim3A_30, %div3A_32 : vector<256x1xf32>
    %sub3A_34 = vector.broadcast %div3A_25 : vector<256x1xf32> to vector<256x1024xf32>
    %sub3A_35 = arith.subf %add3A_15, %sub3A_34 : vector<256x1024xf32>
    %add3A_36 = arith.constant 9.99999996E-13 : f32
    %add3A_37 = vector.broadcast %add3A_36 : f32 to vector<256x1xf32>
    %add3A_38 = arith.addf %div3A_33, %add3A_37 : vector<256x1xf32>
    %sqrt3A = math.sqrt %add3A_38 : vector<256x1xf32>
    %div3A_39 = vector.broadcast %sqrt3A : vector<256x1xf32> to vector<256x1024xf32>
    %div3A_40 = arith.divf %sub3A_35, %div3A_39 : vector<256x1024xf32>
    %mul3A_41 = vector.broadcast %get3A_18 : vector<1x1024xf32> to vector<256x1024xf32>
    %mul3A_42 = arith.mulf %div3A_40, %mul3A_41 : vector<256x1024xf32>
    %add3A_43 = vector.broadcast %get3A_21 : vector<1x1024xf32> to vector<256x1024xf32>
    %add3A_44 = arith.addf %mul3A_42, %add3A_43 : vector<256x1024xf32>
    %swap3A = arith.constant 0 : index
    %swap3A_45 = arith.constant 0 : index
    %swap3A_46 = vector.load %arg7[%swap3A, %swap3A_45] : memref<256x1024xf32, #tpu.memory_space<vmem>>, vector<256x1024xf32>
    tpu.vector_store %arg7[%swap3A, %swap3A_45], %add3A_44 {strides = array<i32>} : memref<256x1024xf32, #tpu.memory_space<vmem>>, vector<256x1024xf32>,
    return
  }
  func.func @transform_0(%arg0: i32) -> (i32, i32) {
    %c0_i32 = arith.constant 0 : i32
    %c0_i32_0 = arith.constant 0 : i32
    return %arg0, %c0_i32 : i32, i32
  }
  func.func @transform_1(%arg0: i32) -> (i32, i32) {
    %c0_i32 = arith.constant 0 : i32
    %c0_i32_0 = arith.constant 0 : i32
    return %arg0, %c0_i32 : i32, i32
  }
  func.func @transform_2(%arg0: i32) -> i32 {
    %c0_i32 = arith.constant 0 : i32
    return %arg0 : i32
  }
  func.func @transform_3(%arg0: i32) -> (i32, i32) {
    %c0_i32 = arith.constant 0 : i32
    %c0_i32_0 = arith.constant 0 : i32
    return %arg0, %c0_i32 : i32, i32
  }
  func.func @transform_4(%arg0: i32) -> (i32, i32) {
    %c0_i32 = arith.constant 0 : i32
    %c0_i32_0 = arith.constant 0 : i32
    %c0_i32_1 = arith.constant 0 : i32
    return %c0_i32, %c0_i32_0 : i32, i32
  }
  func.func @transform_5(%arg0: i32) -> (i32, i32) {
    %c0_i32 = arith.constant 0 : i32
    %c0_i32_0 = arith.constant 0 : i32
    %c0_i32_1 = arith.constant 0 : i32
    return %c0_i32, %c0_i32_0 : i32, i32
  }
  func.func @transform_6(%arg0: i32) -> (i32, i32) {
    %c0_i32 = arith.constant 0 : i32
    %c0_i32_0 = arith.constant 0 : i32
    return %arg0, %c0_i32 : i32, i32
  }
}

</mosaic_0001>

<sc_bundles>
// kernel: gather_offload_async_start
scs
__scs_entry_jumppad:
0x0: {  	(pc) =	sbr.rel $0x88, $3  }
0x1: {  	(tag) =	ssettag $0x0;
	lr =	simm.s32 $0x1  }
0x2: {  	[smem:$0x3F8F] =	sst lr;
	_ =	strace $0xD0000000  }
0x3: {  	_ = 	snop  }
0x4: {  	_ = 	snop  }
0x5: {  	_ = 	snop  }
0x6: {  	_ = 	snop  }
0x7: {  	_ = 	snop  }
__scs_overlays_trampoline_lowered:
0x8: {  	[smem:$0x3F9E] =	sst s0  }
0x9: {  	[smem:$0x3F9F] =	sst s1  }
0xa: {  	[smem:$0x3FA0] =	sst s2  }
0xb: {  	[smem:$0x3FA1] =	sst s3  }
0xc: {  	[smem:$0x3FA2] =	sst s4  }
0xd: {  	[smem:$0x3FA3] =	sst s5  }
0xe: {  	[smem:$0x3FA4] =	sst s6  }
0xf: {  	[smem:$0x3FA5] =	sst s7  }
0x10: {  	[smem:$0x3FA6] =	sst s8  }
0x11: {  	[smem:$0x3FA7] =	sst s9;
	s0 =	simm.s32 @!p0 $0x0  }
0x12: {  	s1 =	sld [smem:$0x3F8D];
	s0 =	simm.s32 @p0 $0x1  }
0x13: {  	[smem:$0x3FA8] =	sst s0;
	s0 =	simm.s32 @!p1 $0x0  }
0x14: {  	s2 =	sld [smem:$0x3F8C];
	s0 =	simm.s32 @p1 $0x1  }
0x15: {  	[smem:$0x3FA9] =	sst s0;
	s0 =	simm.s32 @!p2 $0x0  }
0x16: {  	s3 =	sld [smem:$0x3FDB];
	s0 =	simm.s32 @p2 $0x1  }
0x17: {  	s4 =	simm.s32 $0x1BF5;
	[smem:$0x3FAB] =	sst s0  }
0x18: {  	s0 =	sld [smem:$0x3F8E];
	_ =	swait.ge [sflag:s4], $0x0  }
0x19: {  	s7 =	sld [smem:$0x3F8F]  }
0x1a: {  	s8 =	sadd.s32 $0xFFFFE003, lr  }
0x1b: {  	s9 =	sadd.s32 $0xFFFFFEF7, lr;
	s5 =	simm.s32 $0xFFFFFFFF;
	p2 =	slt.u32 s8, $0xFFFFF086  }
0x1c: {  	p1 =	slt.u32 s9, $0xF7A;
	s5 =	simm.s32 @!p2 $0x0  }
0x1d: {  	s5 =	simm.s32 @p1 $0x1;
	p0 =	seq.s32 s7, s2  }
0x1e: {  	s7 =	smul.u32 @!p0 $0xF7A, s2;
	p2 =	seq.s32 @!p0 s5, $0x0  }
0x1f: {  	s9 =	smul.u32 $0xF7A, s1;
	s8 =	simm.s32 @!p0 $0x1BF5;
	p2 =	por !p2, p0  }
0x20: {  	[sflag:s8] =	ssyncset.s32 @!p0 $0xFFFFF086;
	s6 =	sadd.s32 @!p0 s3, s7;
	s7 =	simm.s32 @!p0 $0x108  }
0x21: {  	s3 =	sadd.s32 s3, s9;
	s6 =	sadd.s32 @!p0 $0x88, s6;
	s7 =	simm.s32 @p2 $0x1082  }
0x22: {  	[simem:s7], [sflag:s8] =	dma.local @!p0 [hbm:s6], $0xF7A  }
0x23: {  	s9 =	sor.u32 $0xD0000000, s2;
	s6 =	simm.s32 $0x108;
	_ =	swait.ge @!p0 [sflag:s8], $0x0  }
0x24: {  	s3 =	sadd.s32 $0x88, s3;
	s6 =	simm.s32 @!p1 $0x1082;
	[sflag:s4] =	ssyncset.s32 $0xFFFFF086  }
0x25: {  	[simem:s6], [sflag:s4] =	dma.local [hbm:s3], $0xF7A  }
0x26: {  	[smem:$0x3F8F] =	sst s1;
	(tag) =	ssettag s2;
	_ =	strace s9  }
0x27: {  	s1 =	sld [smem:$0x3F9F]  }
0x28: {  	s2 =	sld [smem:$0x3FA0]  }
0x29: {  	s4 =	sld [smem:$0x3FA2]  }
0x2a: {  	p0 =	seq.s32 s5, $0x0;
	s5 =	sld [smem:$0x3FA3]  }
0x2b: {  	s6 =	sld [smem:$0x3FA4]  }
0x2c: {  	s7 =	sld [smem:$0x3FA5]  }
0x2d: {  	s3 =	simm.s32 $0x108;
	s8 =	sld [smem:$0x3FA6]  }
0x2e: {  	s3 =	simm.s32 @!p0 $0x1082;
	s9 =	sld [smem:$0x3FA7]  }
0x2f: {  	lr =	sadd.s32 s0, s3;
	s0 =	sld [smem:$0x3F9E]  }
0x30: {  	s3 =	sld [smem:$0x3FA1]  }
0x31: {  	[smem:$0x3FAA] =	sst s10  }
0x32: {  	s10 =	sld [smem:$0x3FA8];
	_ =	sdelay $0x3  }
0x33: {  	p0 =	seq.s32 s10, $0x1;
	s10 =	sld [smem:$0x3FAA];
	_ =	sdelay $0x3  }
0x34: {  	[smem:$0x3FAA] =	sst s10  }
0x35: {  	s10 =	sld [smem:$0x3FA9];
	_ =	sdelay $0x3  }
0x36: {  	p1 =	seq.s32 s10, $0x1;
	s10 =	sld [smem:$0x3FAA];
	_ =	sdelay $0x3  }
0x37: {  	[smem:$0x3FAA] =	sst s10  }
0x38: {  	s10 =	sld [smem:$0x3FAB]  }
0x39: {  	_ = 	snop;
	(pc) =	sbr.ind lr, $3  }
0x3a: {  	_ = 	snop  }
0x3b: {  	_ = 	snop  }
0x3c: {  	p2 =	seq.s32 s10, $0x1;
	s10 =	sld [smem:$0x3FAA]  }
0x3d: {  	_ =	shalt  }
0x3e: {  	_ =	shalt  }
0x3f: {  	_ =	shalt  }
0x40: {  	_ =	shalt  }
0x41: {  	_ =	shalt  }
0x42: {  	_ =	shalt  }
0x43: {  	_ =	shalt  }
0x44: {  	_ =	shalt  }
0x45: {  	_ =	shalt  }
0x46: {  	_ =	shalt  }
0x47: {  	_ =	shalt  }
0x48: {  	_ =	shalt  }
0x49: {  	_ =	shalt  }
0x4a: {  	_ =	shalt  }
0x4b: {  	_ =	shalt  }
0x4c: {  	_ =	shalt  }
0x4d: {  	_ =	shalt  }
0x4e: {  	_ =	shalt  }
0x4f: {  	_ =	shalt  }
0x50: {  	_ =	shalt  }
0x51: {  	_ =	shalt  }
0x52: {  	_ =	shalt  }
0x53: {  	_ =	shalt  }
0x54: {  	_ =	shalt  }
0x55: {  	_ =	shalt  }
0x56: {  	_ =	shalt  }
0x57: {  	_ =	shalt  }
0x58: {  	_ =	shalt  }
0x59: {  	_ =	shalt  }
0x5a: {  	_ =	shalt  }
0x5b: {  	_ =	shalt  }
0x5c: {  	_ =	shalt  }
0x5d: {  	_ =	shalt  }
0x5e: {  	_ =	shalt  }
0x5f: {  	_ =	shalt  }
0x60: {  	_ =	shalt  }
0x61: {  	_ =	shalt  }
0x62: {  	_ =	shalt  }
0x63: {  	_ =	shalt  }
0x64: {  	_ =	shalt  }
0x65: {  	_ =	shalt  }
0x66: {  	_ =	shalt  }
0x67: {  	_ =	shalt  }
0x68: {  	_ =	shalt  }
0x69: {  	_ =	shalt  }
0x6a: {  	_ =	shalt  }
0x6b: {  	_ =	shalt  }
0x6c: {  	_ =	shalt  }
0x6d: {  	_ =	shalt  }
0x6e: {  	_ =	shalt  }
0x6f: {  	_ =	shalt  }
0x70: {  	_ =	shalt  }
0x71: {  	_ =	shalt  }
0x72: {  	_ =	shalt  }
0x73: {  	_ =	shalt  }
0x74: {  	_ =	shalt  }
0x75: {  	_ =	shalt  }
0x76: {  	_ =	shalt  }
0x77: {  	_ =	shalt  }
0x78: {  	_ =	shalt  }
0x79: {  	_ =	shalt  }
0x7a: {  	_ =	shalt  }
0x7b: {  	_ =	shalt  }
0x7c: {  	_ =	shalt  }
0x7d: {  	_ =	shalt  }
0x7e: {  	_ =	shalt  }
0x7f: {  	_ =	shalt  }
0x80: {  	_ =	shalt  }
0x81: {  	_ =	shalt  }
0x82: {  	_ =	shalt  }
0x83: {  	_ =	shalt  }
0x84: {  	_ =	shalt  }
0x85: {  	_ =	shalt  }
0x86: {  	_ =	shalt  }
0x87: {  	_ =	shalt  }
.Lfunc_end0:
.L_simem_size_0:
called_computation.1_lowered:
.L_overlay_start_0:
0x88: {  	s2 =	sld [smem:$0x3FD9]  }
0x89: {  	s3 =	sld [smem:$0x3FFE];
	_ =	sdelay $0x1  }
0x8a: {  	s1 =	srdreg.scid  }
0x8b: {  	s0 =	sand.u32 $0x1, s1  }
0x8c: {  	s16 =	sshll.u32 s0, $0xA;
	s2 =	sadd.s32 s3, s2  }
0x8d: {  	s2 =	sadd.s32 s2, s16  }
0x8e: {  	[smem:$0x3FB6] =	sst s2  }
0x8f: {  	_ = 	snop  }
0x90: {  	(tm) =	ssettm $0x1  }
0x91: {  	s17 =	sld [smem:$0x3FFB];
	_ =	sdelay $0x3  }
0x92: {  	_ =	strace s17  }
0x93: {  	s2 =	sld [smem:$0x3FFC];
	_ =	sdelay $0x3  }
0x94: {  	_ =	strace s2  }
0x95: {  	s2 =	sld [smem:$0x3FFD];
	_ =	sdelay $0x3  }
0x96: {  	_ =	strace s2  }
0x97: {  	_ =	strace $0x8FFFFFFF  }
0x98: {  	s18 =	sld [smem:$0x3FDB];
	_ =	sdelay $0x1  }
0x99: {  	s19 =	simm.s32 $_scs_section_size  }
0x9a: {  	s4 =	simm.s32 $_size__tile_overlayer_lowered;
	s5 =	simm.s32 $_tile_overlayer_lowered  }
0x9b: {  	s22 =	simm.s32 $0x1BFF;
	s21 =	sshll.u32 s5, $0x1;
	s2 =	sadd.s32 s19, s18  }
0x9c: {  	s6 =	simm.s32 $0x0;
	s20 =	sshll.u32 s4, $0x1;
	s4 =	sadd.s32 s21, s2  }
0x9d: {  	[timem:s6], [sflag:s22] =	dma.local [hbm:s4], s20  }
0x9e: {  	_ =	swait.ge [sflag:s22], s20  }
0x9f: {  	s3 =	ssub.s32 $0x0, s20;
	[sflag:s22] =	ssyncset.done $0x0  }
0xa0: {  	[sflag:s22] =	ssyncadd.s32 s3;
	_ =	sdelay $0x1  }
0xa1: {  	s23 =	simm.s32 $0x1B8B  }
0xa2: {  	_ =	swait.ge [sflag:s23], $0x1  }
0xa3: {  	[sflag:s23] =	ssyncset.done $0x0  }
0xa4: {  	s25 =	simm.s32 $0x1B8E;
	s24 =	sld [smem:$0x3FFE];
	[sflag:s23] =	ssyncadd.s32 $0xFFFFFFFF  }
0xa5: {  	s26 =	simm.s32 $execute0_lowered;
	[smem:$0x3FD2] =	sst s25  }
0xa6: {  	s4 =	sshll.u32 s26, $0x1;
	_ =	strace $0x80000046;
	[dreg:$0x1] =	wrdreg $0xFFFFFFFF  }
0xa7: {  	s28 =	simm.s32 $_size_execute0_lowered;
	s2 =	sadd.s32 s2, s4;
	[dreg:$0x0] =	wrdreg $0x0  }
0xa8: {  	s4 =	sshll.u32 s28, $0x1;
	[dreg:$0x2] =	wrdreg s2  }
0xa9: {  	[dreg:$0x3] =	wrdreg s4  }
0xaa: {  	[dreg:$0x4] =	wrdreg $0xC0  }
0xab: {  	_ =	task [dreg:s6], $0x5FFFF  }
0xac: {  	[dreg:$0x1] =	wrdreg $0xFFFFFFFF  }
0xad: {  	[dreg:$0x0] =	wrdreg $0x60  }
0xae: {  	[dreg:$0x2] =	wrdreg s24  }
0xaf: {  	[dreg:$0x3] =	wrdreg $0x9  }
0xb0: {  	_ =	task.clear_ibuf [dreg:s6], $0x4FFFF;
	_ =	strace $0x90000046  }
0xb1: {  	s29 =	simm.s32 $0x9;
	_ =	strace $0x80000048  }
0xb2: {  	_ =	swait.ge [sflag:s29], $0x1  }
0xb3: {  	[sflag:s29] =	ssyncadd.s32 $0xFFFFFFFF  }
0xb4: {  	_ =	strace $0x90000048  }
0xb5: {  	_ =	sfence  }
0xb6: {  	s30 =	sld [smem:$0x0];
	_ =	sdelay $0x2  }
0xb7: {  	s31 =	sshll.u32 s1, $0xD;
	s1 =	sshrl.u32 s1, $0x2  }
0xb8: {  	s3 =	sand.u32 $0x4000, s31;
	s1 =	sadd.s32 s1, s30  }
0xb9: {  	s0 =	sor.u32 s3, s0;
	s1 =	sshll.u32 s1, $0x11  }
0xba: {  	s0 =	sor.u32 s1, s0  }
0xbb: {  	s0 =	sadd.s32 $0x8F2B, s0  }
0xbc: {  	[sflag:s0] =	ssyncadd.remote.s32 $0x1  }
0xbd: {  	_ =	sfence.sel $0xFFFF  }
0xbe: {  	[dreg:$0x0] =	wrdreg $0xFFFFFFFF;
	(pc) =	sbr.abs _section_cstart, $3  }
0xbf: {  	[dreg:$0x1] =	wrdreg $0xFFFFFFFF  }
0xc0: {  	_ =	task.clear_ibuf [dreg:s6], $0x2FFFF;
	_ =	strace $0x9FFFFFFF  }
0xc1: {  	(tm) =	ssettm $0x7FFFFFFF  }
tec
execute0_lowered:
.L_overlay_start_1:
0x0: {  	(tag) =	ssettag $0x1  }
0x1: {  	s0 =	srdreg.scid;
	s5 =	rddreg [dreg:$0x0]  }
0x2: {  	s1 =	stileid.u32;
	s6 =	simm.s32 $0x1;
	s9 =	simm.s32 $0x1  }
0x3: {  	s10 =	simm.s32 $0x3;
	s13 =	simm.s32 $0x0;
	s2 =	sshll.u32 s0, $0x7  }
0x4: {  	s12 =	simm.s32 $0x0;
	s3 =	sshll.u32 s1, $0x8;
	s2 =	sand.u32 $0x80, s2  }
0x5: {  	s0 =	rddreg [dreg:$0x1];
	_ =	strace $0x80000047;
	s2 =	sor.u32 s3, s2  }
0x6: {  	s4 =	sadd.s32 $0xA2600, s5;
	[sflag:s6] =	ssyncpa.u1 $0x0;
	s8 =	ssub.s32 $0x2000, s2  }
.Ltmp0:
0x7: {  	s3 =	sadd.s32 $0x82600, s5;
	s7 =	sand.u32 $0xF80, s8;
	(pc) =	sbr.rel .LBB2_1-.Ltmp0, $4  }
0x8: {  	s5 =	sadd.s32 $0xA2A00, s5;
	s11 =	smov.u32 s2;
	p0 =	sne.s32 s7, $0x0  }
0x9: {  	s8 =	sshrl.u32 s8, $0xC;
	s7 =	simm.s32 $0x2;
	s9 =	simm.s32 @!p0 $0x0  }
0xa: {  	[sflag:s7] =	ssyncpa.u1 $0x0;
	p0 =	por $0x0, $0x0;
	s8 =	sadd.s32 s9, s8  }
0xb: {  	vm0 =	vmmov $0xffff;
	[sflag:s10] =	ssyncpa.u1 $0x0;
	s10 =	simm.s32 $0x0;
	s9 =	sadd.s32 $0x1, s8  }
.LBB2_4:
0xc: {  	v5 =	vshrl.u32 v1, $0xD;
	v6 =	vshll.u32 v1, $0x7  }
0xd: {  	vm1 =	veq.s32 v1, $0x80000000;
	v58 =	vand.u32 $0x7, v5;
	v59 =	vand.u32 $0xFFF80, v6  }
0xe: {  	v1 =	vsel vm1, $0xFFFFFFFF, v58;
	v5 =	vsel vm1, $0xFFFFFF80, v59  }
0xf: {  	v3 =	vor.u32 v4, v3;
	v60 =	vand.u32 $0xFFFFFC00, v5;
	v61 =	vand.u32 $0xFFFFFC00, v1  }
0x10: {  	v2 =	vor.u32 v2, v3;
	v63 =	vand.u32 $0x380, v5;
	v62 =	vadd.s32 v61, v60  }
0x11: {  	v1 =	vand.u32 $0x7F, v1;
	v3 =	vor.u32 v63, v62  }
0x12: {  	v1 =	vor.u32 v1, v3  }
0x13: {  	[tilespmem:s15], [sflag:$0x1] =	stream.indirect_vreg.gather [hbm4b:s3+s10], $0x1, v0, vm0, $0x4038;
	[tilespmem:$0x200] =	vst v63  }
0x14: {  	(ifvalue) =	ssetifvalue $0x7FFFFFFF  }
0x15: {  	[tilespmem:s16], [sflag:$0x1] =	stream.indirect_vreg.gather [hbm4b:s3+s10], $0x1, v2, vm0, $0x4038;
	[tilespmem:$0x200] =	vst v63  }
0x16: {  	s29 =	sadd.s32 $0x10, s16;
	(ifvalue) =	ssetifvalue $0x7FFFFFFF  }
0x17: {  	[tilespmem:s29], [sflag:$0x1] =	stream.indirect_vreg.gather [hbm4b:s3+s10], $0x1, v1, vm0, $0x4038;
	[tilespmem:$0x200] =	vst v63  }
0x18: {  	_ =	swait.ge [sflag:s6], $0x80  }
0x19: {  	s30 =	sshrl.u32 s13, $0x3;
	[sflag:s6] =	ssyncset.done $0x0  }
0x1a: {  	s31 =	sand.u32 $0x7, s13;
	s15 =	sadd.s32 s5, s30;
	[sflag:s6] =	ssyncadd.s32 $0xFFFFFF80  }
0x1b: {  	[hbm4b:s15+s31] =	stream.linear.scatter [tilespmem:s14], [sflag:$0x3], $0x80, $0x38;
	[tilespmem:$0x200] =	vst v63  }
.LBB2_5:
0x1c: {  	s15 =	sadd.s32 $0x1000, s11  }
0x1d: {  	p2 =	sgt.s32 s15, $0x1FFF  }
0x1e: {  	s15 =	smov.u32 @p2 s2;
	p2 =	sne.s32 s12, s9  }
.Ltmp1:
0x1f: {  	p1 =	slt.u32 s12, $0x2;
	(pc) =	sbr.rel @!p2 .LBB2_6-.Ltmp1, $4  }
0x20: {  	s14 =	simm.s32 @!p1 $0x3  }
0x21: {  	s16 =	sadd.s32 $0x1, s12;
	_ =	swait.ge @!p1 [sflag:s14], $0x80  }
0x22: {  	s13 =	smov.u32 s11;
	p0 =	por !p0, !p0;
	[sflag:s14] =	ssyncset.done @!p1 $0x0  }
0x23: {  	s12 =	smov.u32 s16;
	s11 =	smov.u32 s15;
	[sflag:s14] =	ssyncadd.s32 @!p1 $0xFFFFFF80  }
.LBB2_1:
0x24: {  	p1 =	sge.u32 s12, s8  }
0x25: {  	s14 =	sxor.u32 @!p1 $0xFFFFFFFF, s12  }
0x26: {  	s31 =	sadd.s32 $0xFFFFFFFF, s12;
	s15 =	sshrl.u32 @!p1 s11, $0x3;
	s14 =	sshll.u32 @!p1 s14, $0x7  }
0x27: {  	s16 =	sand.u32 @!p1 $0x7, s11;
	s15 =	sadd.s32 @!p1 s4, s15;
	s14 =	sand.u32 @!p1 $0x80, s14  }
0x28: {  	[tilespmem:s14], [sflag:$0x2] =	stream.linear.gather @!p1 [hbm4b:s15+s16], $0x80, $0x38;
	[tilespmem:$0x200] =	vst v63  }
0x29: {  	p1 =	sge.u32 s31, s8  }
.Ltmp2:
0x2a: {  	_ = 	snop;
	(pc) =	sbr.rel @p1 .LBB2_5-.Ltmp2, $1  }
0x2b: {  	_ =	sdelay $0x3  }
0x2c: {  	s14 =	simm.s32 $0x1  }
0x2d: {  	_ =	swait.ge [sflag:s7], $0x80;
	s14 =	simm.s32 @!p0 $0x0  }
0x2e: {  	[sflag:s7] =	ssyncset.done $0x0;
	s14 =	sshll.u32 s14, $0x7  }
0x2f: {  	[sflag:s7] =	ssyncadd.s32 $0xFFFFFF80;
	(ifvalue) =	ssetifvalue $0x7FFFFFFF;
	v0 =	vld.msk [tilespmem:s14+$0x0 ss:$0x1], $0xffff;
	_ =	sdelay $0x4  }
0x30: {  	s15 =	sadd.s32 $0x10, s14;
	v2 =	vshrl.u32 v0, $0xD;
	v3 =	vshll.u32 v0, $0x7  }
0x31: {  	v1 =	vld.msk [tilespmem:s15+$0x0 ss:$0x1], $0xffff;
	vm1 =	veq.s32 v0, $0x80000000;
	v0 =	vand.u32 $0x7, v2;
	v2 =	vand.u32 $0xFFF80, v3  }
0x32: {  	v0 =	vsel vm1, $0xFFFFFFFF, v0;
	v2 =	vsel vm1, $0xFFFFFF80, v2  }
0x33: {  	v3 =	vand.u32 $0xFFFFFC00, v2;
	v4 =	vand.u32 $0xFFFFFC00, v0  }
0x34: {  	v2 =	vand.u32 $0x380, v2;
	v3 =	vadd.s32 v4, v3  }
0x35: {  	v0 =	vand.u32 $0x7F, v0;
	v2 =	vor.u32 v2, v3  }
0x36: {  	v5 =	vshll.u32 v1, $0x7;
	v4 =	vshrl.u32 v1, $0xD;
	v0 =	vor.u32 v0, v2  }
0x37: {  	s16 =	sshll.u32 s12, $0x7;
	vm1 =	veq.s32 v1, $0x80000000;
	v1 =	vand.u32 $0x7, v4;
	v4 =	vand.u32 $0xFFF80, v5  }
0x38: {  	s16 =	sand.u32 $0x80, s16;
	s18 =	sadd.s32 $0x10, s15;
	v3 =	vsel vm1, $0xFFFFFFFF, v1;
	v4 =	vsel vm1, $0xFFFFFF80, v4  }
0x39: {  	s17 =	simm.s32 $0x20;
	s15 =	sor.u32 $0x100, s14;
	s14 =	sor.u32 $0x100, s16;
	v1 =	vld.msk [tilespmem:s18+$0x0 ss:$0x1], $0xffff;
	v5 =	vand.u32 $0xFFFFFC00, v4;
	v6 =	vand.u32 $0xFFFFFC00, v3  }
0x3a: {  	s16 =	sadd.s32 $0x10, s15;
	s18 =	sadd.s32 $0x10, s18;
	(ifvalue) =	ssetifvalue $0x7FFFFFFF;
	v2 =	vand.u32 $0x7F, v3;
	v4 =	vand.u32 $0x380, v4;
	v3 =	vadd.s32 v6, v5  }
.LBB2_3:
0x3b: {  	[tilespmem:s15], [sflag:$0x1] =	stream.indirect_vreg.gather [hbm4b:s3+s10], $0x1, v0, vm0, $0x4038;
	[tilespmem:$0x200] =	vst v63  }
0x3c: {  	s17 =	sadd.s32 $0x10, s17  }
0x3d: {  	v3 =	vor.u32 v4, v3;
	p1 =	slt.u32 s17, $0x70  }
.Ltmp3:
0x3e: {  	v4 =	vshrl.u32 v1, $0xD;
	v5 =	vshll.u32 v1, $0x7;
	s15 =	smov.u32 s16;
	v0 =	vor.u32 v2, v3;
	v2 =	vmovc v1;
	v1 =	vld.msk [tilespmem:s18+$0x0 ss:$0x1], $0xffff;
	(pc) =	sbr.rel @p1 .LBB2_3-.Ltmp3, $4  }
0x3f: {  	v3 =	vand.u32 $0xFFF80, v5;
	vm1 =	veq.s32 v2, $0x80000000;
	v2 =	vand.u32 $0x7, v4  }
0x40: {  	v4 =	vsel vm1, $0xFFFFFFFF, v2;
	v5 =	vsel vm1, $0xFFFFFF80, v3  }
0x41: {  	v2 =	vand.u32 $0x7F, v4;
	v3 =	vand.u32 $0xFFFFFC00, v5;
	v4 =	vand.u32 $0xFFFFFC00, v4  }
0x42: {  	s16 =	sadd.s32 $0x10, s16;
	s18 =	sadd.s32 $0x10, s18;
	v3 =	vadd.s32 v4, v3;
	v4 =	vand.u32 $0x380, v5;
	(ifvalue) =	ssetifvalue $0x7FFFFFFF  }
.Ltmp4:
0x43: {  	_ = 	snop;
	(pc) =	sbr.rel .LBB2_4-.Ltmp4, $1  }
0x44: {  	_ =	sdelay $0x3  }
.LBB2_6:
0x45: {  	_ =	sfence.sel $0x180000  }
0x46: {  	s2 =	simm.s32 $0x2;
	[bflag:$0x0] =	sbarrier.arrive $0xFFFF  }
0x47: {  	s30 =	simm.s32 $0x3;
	[sflag:s2] =	ssyncpa.u1 $0x1  }
0x48: {  	s31 =	simm.s32 $0x1;
	[sflag:s30] =	ssyncpa.u1 $0x1  }
0x49: {  	[sflag:s31] =	ssyncpa.u1 $0x1  }
0x4a: {  	p0 =	sne.s32 s1, $0x0;
	_ =	strace $0x90000047  }
0x4b: {  	s0 =	sadd.s32 @!p0 $0x100000, s0;
	[bflag:$0x2] =	sbarrier.arrive $0xFFFF  }
0x4c: {  	[sflag:s0] =	ssyncadd.tile.s32 @!p0 $0x1;
	_ =	shalt  }
.Lfunc_end2:
_tile_overlayer_lowered:
.L_overlay_start_2:
0x4d: {  	(tag) =	ssettag $0x2  }
0x4e: {  	s0 =	rddreg [dreg:$0x0];
	s2 =	stileid.u32  }
0x4f: {  	s1 =	rddreg [dreg:$0x1];
	p0 =	sne.s32 s2, $0x0  }
0x50: {  	s3 =	rddreg [dreg:$0x2];
	[bflag:$0x3] =	sbarrier.arrive $0xFFFF;
	s2 =	simm.s32 @!p0 $0x1C01  }
0x51: {  	[timem:s3], [sflag:s2] =	dma.local @!p0 [hbm:s0], s1  }
0x52: {  	s0 =	simm.s32 @!p0 $0x1  }
0x53: {  	_ =	swait.ge @!p0 [sflag:s0], s1  }
0x54: {  	s1 =	ssub.s32 @!p0 $0x0, s1;
	[sflag:s0] =	ssyncset.done @!p0 $0x0  }
0x55: {  	[sflag:s0] =	ssyncadd.s32 @!p0 s1  }
0x56: {  	[bflag:$0x3] =	sbarrier.arrive $0xFFFF  }
0x57: {  	_ =	shalt  }

// kernel: kernel.12.cloned.1.call-start
scs
__scs_entry_jumppad:
0x0: {  	(pc) =	sbr.rel $0x88, $3  }
0x1: {  	(tag) =	ssettag $0x0;
	lr =	simm.s32 $0x1  }
0x2: {  	[smem:$0x3F8F] =	sst lr;
	_ =	strace $0xD0000000  }
0x3: {  	_ = 	snop  }
0x4: {  	_ = 	snop  }
0x5: {  	_ = 	snop  }
0x6: {  	_ = 	snop  }
0x7: {  	_ = 	snop  }
__scs_overlays_trampoline_lowered:
0x8: {  	[smem:$0x3F9E] =	sst s0  }
0x9: {  	[smem:$0x3F9F] =	sst s1  }
0xa: {  	[smem:$0x3FA0] =	sst s2  }
0xb: {  	[smem:$0x3FA1] =	sst s3  }
0xc: {  	[smem:$0x3FA2] =	sst s4  }
0xd: {  	[smem:$0x3FA3] =	sst s5  }
0xe: {  	[smem:$0x3FA4] =	sst s6  }
0xf: {  	[smem:$0x3FA5] =	sst s7  }
0x10: {  	[smem:$0x3FA6] =	sst s8  }
0x11: {  	[smem:$0x3FA7] =	sst s9;
	s0 =	simm.s32 @!p0 $0x0  }
0x12: {  	s1 =	sld [smem:$0x3F8D];
	s0 =	simm.s32 @p0 $0x1  }
0x13: {  	[smem:$0x3FA8] =	sst s0;
	s0 =	simm.s32 @!p1 $0x0  }
0x14: {  	s2 =	sld [smem:$0x3F8C];
	s0 =	simm.s32 @p1 $0x1  }
0x15: {  	[smem:$0x3FA9] =	sst s0;
	s0 =	simm.s32 @!p2 $0x0  }
0x16: {  	s3 =	sld [smem:$0x3FDB];
	s0 =	simm.s32 @p2 $0x1  }
0x17: {  	s4 =	simm.s32 $0x1BF5;
	[smem:$0x3FAB] =	sst s0  }
0x18: {  	s0 =	sld [smem:$0x3F8E];
	_ =	swait.ge [sflag:s4], $0x0  }
0x19: {  	s7 =	sld [smem:$0x3F8F]  }
0x1a: {  	s8 =	sadd.s32 $0xFFFFE003, lr  }
0x1b: {  	s9 =	sadd.s32 $0xFFFFFEF7, lr;
	s5 =	simm.s32 $0xFFFFFFFF;
	p2 =	slt.u32 s8, $0xFFFFF086  }
0x1c: {  	p1 =	slt.u32 s9, $0xF7A;
	s5 =	simm.s32 @!p2 $0x0  }
0x1d: {  	s5 =	simm.s32 @p1 $0x1;
	p0 =	seq.s32 s7, s2  }
0x1e: {  	s7 =	smul.u32 @!p0 $0xF7A, s2;
	p2 =	seq.s32 @!p0 s5, $0x0  }
0x1f: {  	s9 =	smul.u32 $0xF7A, s1;
	s8 =	simm.s32 @!p0 $0x1BF5;
	p2 =	por !p2, p0  }
0x20: {  	[sflag:s8] =	ssyncset.s32 @!p0 $0xFFFFF086;
	s6 =	sadd.s32 @!p0 s3, s7;
	s7 =	simm.s32 @!p0 $0x108  }
0x21: {  	s3 =	sadd.s32 s3, s9;
	s6 =	sadd.s32 @!p0 $0x88, s6;
	s7 =	simm.s32 @p2 $0x1082  }
0x22: {  	[simem:s7], [sflag:s8] =	dma.local @!p0 [hbm:s6], $0xF7A  }
0x23: {  	s9 =	sor.u32 $0xD0000000, s2;
	s6 =	simm.s32 $0x108;
	_ =	swait.ge @!p0 [sflag:s8], $0x0  }
0x24: {  	s3 =	sadd.s32 $0x88, s3;
	s6 =	simm.s32 @!p1 $0x1082;
	[sflag:s4] =	ssyncset.s32 $0xFFFFF086  }
0x25: {  	[simem:s6], [sflag:s4] =	dma.local [hbm:s3], $0xF7A  }
0x26: {  	[smem:$0x3F8F] =	sst s1;
	(tag) =	ssettag s2;
	_ =	strace s9  }
0x27: {  	s1 =	sld [smem:$0x3F9F]  }
0x28: {  	s2 =	sld [smem:$0x3FA0]  }
0x29: {  	s4 =	sld [smem:$0x3FA2]  }
0x2a: {  	p0 =	seq.s32 s5, $0x0;
	s5 =	sld [smem:$0x3FA3]  }
0x2b: {  	s6 =	sld [smem:$0x3FA4]  }
0x2c: {  	s7 =	sld [smem:$0x3FA5]  }
0x2d: {  	s3 =	simm.s32 $0x108;
	s8 =	sld [smem:$0x3FA6]  }
0x2e: {  	s3 =	simm.s32 @!p0 $0x1082;
	s9 =	sld [smem:$0x3FA7]  }
0x2f: {  	lr =	sadd.s32 s0, s3;
	s0 =	sld [smem:$0x3F9E]  }
0x30: {  	s3 =	sld [smem:$0x3FA1]  }
0x31: {  	[smem:$0x3FAA] =	sst s10  }
0x32: {  	s10 =	sld [smem:$0x3FA8];
	_ =	sdelay $0x3  }
0x33: {  	p0 =	seq.s32 s10, $0x1;
	s10 =	sld [smem:$0x3FAA];
	_ =	sdelay $0x3  }
0x34: {  	[smem:$0x3FAA] =	sst s10  }
0x35: {  	s10 =	sld [smem:$0x3FA9];
	_ =	sdelay $0x3  }
0x36: {  	p1 =	seq.s32 s10, $0x1;
	s10 =	sld [smem:$0x3FAA];
	_ =	sdelay $0x3  }
0x37: {  	[smem:$0x3FAA] =	sst s10  }
0x38: {  	s10 =	sld [smem:$0x3FAB]  }
0x39: {  	_ = 	snop;
	(pc) =	sbr.ind lr, $3  }
0x3a: {  	_ = 	snop  }
0x3b: {  	_ = 	snop  }
0x3c: {  	p2 =	seq.s32 s10, $0x1;
	s10 =	sld [smem:$0x3FAA]  }
0x3d: {  	_ =	shalt  }
0x3e: {  	_ =	shalt  }
0x3f: {  	_ =	shalt  }
0x40: {  	_ =	shalt  }
0x41: {  	_ =	shalt  }
0x42: {  	_ =	shalt  }
0x43: {  	_ =	shalt  }
0x44: {  	_ =	shalt  }
0x45: {  	_ =	shalt  }
0x46: {  	_ =	shalt  }
0x47: {  	_ =	shalt  }
0x48: {  	_ =	shalt  }
0x49: {  	_ =	shalt  }
0x4a: {  	_ =	shalt  }
0x4b: {  	_ =	shalt  }
0x4c: {  	_ =	shalt  }
0x4d: {  	_ =	shalt  }
0x4e: {  	_ =	shalt  }
0x4f: {  	_ =	shalt  }
0x50: {  	_ =	shalt  }
0x51: {  	_ =	shalt  }
0x52: {  	_ =	shalt  }
0x53: {  	_ =	shalt  }
0x54: {  	_ =	shalt  }
0x55: {  	_ =	shalt  }
0x56: {  	_ =	shalt  }
0x57: {  	_ =	shalt  }
0x58: {  	_ =	shalt  }
0x59: {  	_ =	shalt  }
0x5a: {  	_ =	shalt  }
0x5b: {  	_ =	shalt  }
0x5c: {  	_ =	shalt  }
0x5d: {  	_ =	shalt  }
0x5e: {  	_ =	shalt  }
0x5f: {  	_ =	shalt  }
0x60: {  	_ =	shalt  }
0x61: {  	_ =	shalt  }
0x62: {  	_ =	shalt  }
0x63: {  	_ =	shalt  }
0x64: {  	_ =	shalt  }
0x65: {  	_ =	shalt  }
0x66: {  	_ =	shalt  }
0x67: {  	_ =	shalt  }
0x68: {  	_ =	shalt  }
0x69: {  	_ =	shalt  }
0x6a: {  	_ =	shalt  }
0x6b: {  	_ =	shalt  }
0x6c: {  	_ =	shalt  }
0x6d: {  	_ =	shalt  }
0x6e: {  	_ =	shalt  }
0x6f: {  	_ =	shalt  }
0x70: {  	_ =	shalt  }
0x71: {  	_ =	shalt  }
0x72: {  	_ =	shalt  }
0x73: {  	_ =	shalt  }
0x74: {  	_ =	shalt  }
0x75: {  	_ =	shalt  }
0x76: {  	_ =	shalt  }
0x77: {  	_ =	shalt  }
0x78: {  	_ =	shalt  }
0x79: {  	_ =	shalt  }
0x7a: {  	_ =	shalt  }
0x7b: {  	_ =	shalt  }
0x7c: {  	_ =	shalt  }
0x7d: {  	_ =	shalt  }
0x7e: {  	_ =	shalt  }
0x7f: {  	_ =	shalt  }
0x80: {  	_ =	shalt  }
0x81: {  	_ =	shalt  }
0x82: {  	_ =	shalt  }
0x83: {  	_ =	shalt  }
0x84: {  	_ =	shalt  }
0x85: {  	_ =	shalt  }
0x86: {  	_ =	shalt  }
0x87: {  	_ =	shalt  }
.Lfunc_end0:
.L_simem_size_0:
called_computation.3_lowered:
.L_overlay_start_0:
0x88: {  	s2 =	sld [smem:$0x3FD9]  }
0x89: {  	s3 =	sld [smem:$0x3FFE];
	_ =	sdelay $0x1  }
0x8a: {  	s1 =	srdreg.scid  }
0x8b: {  	s0 =	sand.u32 $0x1, s1  }
0x8c: {  	s17 =	sshll.u32 s0, $0xA;
	s2 =	sadd.s32 s3, s2  }
0x8d: {  	s2 =	sadd.s32 s2, s17  }
0x8e: {  	[smem:$0x3FB6] =	sst s2  }
0x8f: {  	_ = 	snop  }
0x90: {  	s2 =	sld [smem:$0x3FD0];
	(tm) =	ssettm $0x1  }
0x91: {  	s18 =	sld [smem:$0x3FFB];
	_ =	sdelay $0x3  }
0x92: {  	_ =	strace s18  }
0x93: {  	s3 =	sld [smem:$0x3FFC];
	_ =	sdelay $0x3  }
0x94: {  	_ =	strace s3  }
0x95: {  	s3 =	sld [smem:$0x3FFD];
	_ =	sdelay $0x3  }
0x96: {  	_ =	strace s3  }
0x97: {  	_ =	strace $0x8FFFFFFF  }
0x98: {  	s19 =	sld [smem:$0x3FDB];
	_ =	sdelay $0x1  }
0x99: {  	s4 =	simm.s32 $_scs_section_size  }
0x9a: {  	s5 =	simm.s32 $_size__tile_overlayer_lowered;
	s6 =	simm.s32 $_tile_overlayer_lowered  }
0x9b: {  	s22 =	simm.s32 $0x1BFF;
	s21 =	sshll.u32 s6, $0x1;
	s3 =	sadd.s32 s4, s19  }
0x9c: {  	s7 =	simm.s32 $0x0;
	s20 =	sshll.u32 s5, $0x1;
	s5 =	sadd.s32 s21, s3  }
0x9d: {  	[timem:s7], [sflag:s22] =	dma.local [hbm:s5], s20  }
0x9e: {  	_ =	swait.ge [sflag:s22], s20  }
0x9f: {  	s4 =	ssub.s32 $0x0, s20;
	[sflag:s22] =	ssyncset.done $0x0  }
0xa0: {  	[sflag:s22] =	ssyncadd.s32 s4;
	_ =	sdelay $0x1  }
0xa1: {  	s23 =	simm.s32 $0x1B8B  }
0xa2: {  	_ =	swait.ge [sflag:s23], $0x1  }
0xa3: {  	[sflag:s23] =	ssyncset.done $0x0  }
0xa4: {  	s25 =	simm.s32 $0x1B8E;
	s24 =	sld [smem:$0x3FFE];
	[sflag:s23] =	ssyncadd.s32 $0xFFFFFFFF  }
0xa5: {  	s26 =	simm.s32 $execute0_lowered;
	[smem:$0x3FD2] =	sst s25  }
0xa6: {  	s5 =	sshll.u32 s26, $0x1;
	_ =	strace $0x8000004F;
	[dreg:$0x1] =	wrdreg $0xFFFFFFFF  }
0xa7: {  	s28 =	simm.s32 $_size_execute0_lowered;
	s3 =	sadd.s32 s3, s5;
	[dreg:$0x0] =	wrdreg $0x0  }
0xa8: {  	s5 =	sshll.u32 s28, $0x1;
	[dreg:$0x2] =	wrdreg s3  }
0xa9: {  	[dreg:$0x3] =	wrdreg s5  }
0xaa: {  	[dreg:$0x4] =	wrdreg $0xC0  }
0xab: {  	_ =	task [dreg:s7], $0x5FFFF  }
0xac: {  	[dreg:$0x1] =	wrdreg $0xFFFFFFFF  }
0xad: {  	[dreg:$0x0] =	wrdreg $0x60  }
0xae: {  	[dreg:$0x2] =	wrdreg s24  }
0xaf: {  	[dreg:$0x3] =	wrdreg s2  }
0xb0: {  	[dreg:$0x4] =	wrdreg $0x9  }
0xb1: {  	_ =	task.clear_ibuf [dreg:s7], $0x5FFFF;
	_ =	strace $0x9000004F  }
0xb2: {  	s29 =	simm.s32 $0x9;
	_ =	strace $0x80000051  }
0xb3: {  	_ =	swait.ge [sflag:s29], $0x1  }
0xb4: {  	[sflag:s29] =	ssyncadd.s32 $0xFFFFFFFF  }
0xb5: {  	_ =	strace $0x90000051  }
0xb6: {  	_ =	sfence  }
0xb7: {  	s30 =	sld [smem:$0x0];
	_ =	sdelay $0x2  }
0xb8: {  	s31 =	sshll.u32 s1, $0xD;
	s1 =	sshrl.u32 s1, $0x2  }
0xb9: {  	s3 =	sand.u32 $0x4000, s31;
	s1 =	sadd.s32 s1, s30  }
0xba: {  	s0 =	sor.u32 s3, s0;
	s1 =	sshll.u32 s1, $0x11  }
0xbb: {  	s0 =	sor.u32 s1, s0  }
0xbc: {  	s0 =	sadd.s32 $0x8F2B, s0  }
0xbd: {  	[sflag:s0] =	ssyncadd.remote.s32 $0x1  }
0xbe: {  	_ =	sfence.sel $0xFFFF  }
0xbf: {  	[dreg:$0x0] =	wrdreg $0xFFFFFFFF;
	(pc) =	sbr.abs _section_cstart, $3  }
0xc0: {  	[dreg:$0x1] =	wrdreg $0xFFFFFFFF  }
0xc1: {  	_ =	task.clear_ibuf [dreg:s7], $0x2FFFF;
	_ =	strace $0x9FFFFFFF  }
0xc2: {  	(tm) =	ssettm $0x7FFFFFFF  }
0xc3: {  	_ =	shalt  }
tec
execute0_lowered:
.L_overlay_start_1:
0x0: {  	(tag) =	ssettag $0x1  }
0x1: {  	s0 =	rddreg [dreg:$0x0];
	s1 =	srdreg.scid  }
0x2: {  	s2 =	stileid.u32;
	s3 =	rddreg [dreg:$0x1]  }
0x3: {  	s8 =	simm.s32 $0x3;
	s9 =	simm.s32 $0x400;
	s18 =	simm.s32 $0x1  }
0x4: {  	s19 =	simm.s32 $0x2;
	s28 =	simm.s32 $0x3400;
	s29 =	simm.s32 $0x3C00  }
0x5: {  	s30 =	simm.s32 $0x4400;
	s31 =	simm.s32 $0x4C00;
	s16 =	simm.s32 $0x5400  }
0x6: {  	s15 =	simm.s32 $0x5C00;
	s1 =	sand.u32 $0x1, s1;
	s4 =	sshll.u32 s2, $0x1  }
0x7: {  	s11 =	simm.s32 $0x6C00;
	s12 =	simm.s32 $0x7400;
	s4 =	sor.u32 s1, s4  }
0x8: {  	s2 =	simm.s32 $0x0;
	s5 =	sshll.u32 s4, $0xF;
	s4 =	sshll.u32 s4, $0x7  }
0x9: {  	[smem:$0x7FF] =	sst s2;
	s5 =	sadd.s32 s5, s0;
	s3 =	sadd.s32 s3, s4  }
0xa: {  	_ =	strace $0x80000050;
	[dreg:$0x3] =	wrdreg s3;
	s20 =	sadd.s32 $0x1C2600, s5  }
0xb: {  	s13 =	simm.s32 $0x7C00;
	s21 =	sadd.s32 $0x1C3600, s5;
	[dreg:$0x4] =	wrdreg s20  }
0xc: {  	s1 =	ssub.s32 $0x2, s1;
	s22 =	sadd.s32 $0x1C4600, s5;
	[dreg:$0x5] =	wrdreg s21  }
0xd: {  	s6 =	sshrl.u32 s1, $0x1;
	s23 =	sadd.s32 $0x1C5600, s5;
	[dreg:$0x6] =	wrdreg s22  }
0xe: {  	s1 =	ssub.s32 s1, s6;
	s24 =	sadd.s32 $0x1C6600, s5;
	[dreg:$0x7] =	wrdreg s23  }
0xf: {  	s4 =	sadd.s32 $0x82700, s0;
	s25 =	sadd.s32 $0x1C7600, s5;
	[dreg:$0x8] =	wrdreg s24  }
0x10: {  	s6 =	sadd.s32 $0x82900, s0;
	s26 =	sadd.s32 $0x1C8600, s5;
	[dreg:$0x9] =	wrdreg s25  }
0x11: {  	s3 =	sadd.s32 $0x82600, s0;
	s7 =	sadd.s32 $0x1C9600, s5;
	[dreg:$0xa] =	wrdreg s26  }
0x12: {  	v2 =	vlaneseq.u32;
	s5 =	sadd.s32 $0x82800, s0;
	[dreg:$0xb] =	wrdreg s7;
	s7 =	smax.u32 s1, $0x1  }
0x13: {  	vm0 =	vmmov $0xffff;
	v1 =	vshrl.u32 v2, $0x3;
	s25 =	simm.s32 $0x8400;
	s21 =	simm.s32 $0xC00;
	s22 =	simm.s32 $0x1400  }
0x14: {  	v0 =	vand.u32 $0x7, v2;
	v2 =	vor.u32 $0x8, v2;
	v1 =	vmul.u32 $0x8, v1;
	s23 =	simm.s32 $0x1C00;
	s24 =	simm.s32 $0x2400;
	s26 =	simm.s32 $0x2C00  }
.LBB2_1:
0x15: {  	s20 =	rddreg [dreg:$0x3]  }
0x16: {  	[tilespmem:s2], [sflag:$0x3] =	stream.linear.gather [hbm4b:s20+s2], $0x400, $0x38;
	[tilespmem:$0x10400] =	vst v63  }
0x17: {  	_ =	swait.ge [sflag:s8], $0x400  }
0x18: {  	[sflag:s8] =	ssyncset.done $0x0  }
0x19: {  	[sflag:s8] =	ssyncadd.s32 $0xFFFFFC00  }
0x1a: {  	v3 =	vld [tilespmem:$0x0];
	_ =	sdelay $0x4  }
0x1b: {  	v4 =	vshll.u32 v3, $0x3  }
0x1c: {  	v3 =	vand.u32 $0x7, v3;
	v4 =	vand.u32 $0xFFFFFFC0, v4  }
0x1d: {  	v3 =	vor.u32 v3, v4  }
0x1e: {  	v4 =	vperm.xlane v3, v0;
	_ =	sdelay $0x1  }
0x1f: {  	v4 =	vadd.s32 v1, v4;
	_ =	sdelay $0x4  }
0x20: {  	[tilespmem:s9], [sflag:$0x1] =	stream.indirect_vreg.gather [hbm4b:s3+s2], $0x80, v4, vm0, $0xb8;
	[tilespmem:$0x10400] =	vst v63  }
0x21: {  	v3 =	vperm.xlane v3, v2  }
0x22: {  	[tilespmem:s21], [sflag:$0x1] =	stream.indirect_vreg.gather [hbm4b:s4+s2], $0x80, v4, vm0, $0xb8;
	[tilespmem:$0x10400] =	vst v63  }
0x23: {  	v3 =	vadd.s32 v1, v3  }
0x24: {  	[tilespmem:s22], [sflag:$0x1] =	stream.indirect_vreg.gather [hbm4b:s5+s2], $0x80, v4, vm0, $0xb8;
	[tilespmem:$0x10400] =	vst v63  }
0x25: {  	_ = 	snop  }
0x26: {  	[tilespmem:s23], [sflag:$0x1] =	stream.indirect_vreg.gather [hbm4b:s6+s2], $0x80, v4, vm0, $0xb8;
	[tilespmem:$0x10400] =	vst v63  }
0x27: {  	_ = 	snop  }
0x28: {  	[tilespmem:s24], [sflag:$0x1] =	stream.indirect_vreg.gather [hbm4b:s3+s2], $0x80, v3, vm0, $0xb8;
	[tilespmem:$0x10400] =	vst v63  }
0x29: {  	_ = 	snop  }
0x2a: {  	[tilespmem:s26], [sflag:$0x1] =	stream.indirect_vreg.gather [hbm4b:s4+s2], $0x80, v3, vm0, $0xb8;
	[tilespmem:$0x10400] =	vst v63  }
0x2b: {  	_ = 	snop  }
0x2c: {  	[tilespmem:s28], [sflag:$0x1] =	stream.indirect_vreg.gather [hbm4b:s5+s2], $0x80, v3, vm0, $0xb8;
	[tilespmem:$0x10400] =	vst v63  }
0x2d: {  	_ = 	snop  }
0x2e: {  	[tilespmem:s29], [sflag:$0x1] =	stream.indirect_vreg.gather [hbm4b:s6+s2], $0x80, v3, vm0, $0xb8;
	[tilespmem:$0x10400] =	vst v63  }
0x2f: {  	v3 =	vld [tilespmem:$0x10];
	_ =	sdelay $0x4  }
0x30: {  	v49 =	vshll.u32 v3, $0x3  }
0x31: {  	v3 =	vand.u32 $0x7, v3;
	v4 =	vand.u32 $0xFFFFFFC0, v49  }
0x32: {  	v3 =	vor.u32 v3, v4  }
0x33: {  	v4 =	vperm.xlane v3, v0;
	_ =	sdelay $0x1  }
0x34: {  	v4 =	vadd.s32 v1, v4;
	_ =	sdelay $0x4  }
0x35: {  	[tilespmem:s30], [sflag:$0x1] =	stream.indirect_vreg.gather [hbm4b:s3+s2], $0x80, v4, vm0, $0xb8;
	[tilespmem:$0x10400] =	vst v63  }
0x36: {  	v3 =	vperm.xlane v3, v2  }
0x37: {  	[tilespmem:s31], [sflag:$0x1] =	stream.indirect_vreg.gather [hbm4b:s4+s2], $0x80, v4, vm0, $0xb8;
	[tilespmem:$0x10400] =	vst v63  }
0x38: {  	v3 =	vadd.s32 v1, v3  }
0x39: {  	[tilespmem:s16], [sflag:$0x1] =	stream.indirect_vreg.gather [hbm4b:s5+s2], $0x80, v4, vm0, $0xb8;
	[tilespmem:$0x10400] =	vst v63  }
0x3a: {  	_ = 	snop  }
0x3b: {  	[tilespmem:s15], [sflag:$0x1] =	stream.indirect_vreg.gather [hbm4b:s6+s2], $0x80, v4, vm0, $0xb8;
	[tilespmem:$0x10400] =	vst v63  }
0x3c: {  	s10 =	simm.s32 $0x6400  }
0x3d: {  	[tilespmem:s10], [sflag:$0x1] =	stream.indirect_vreg.gather [hbm4b:s3+s2], $0x80, v3, vm0, $0xb8;
	[tilespmem:$0x10400] =	vst v63  }
0x3e: {  	_ = 	snop  }
0x3f: {  	[tilespmem:s11], [sflag:$0x1] =	stream.indirect_vreg.gather [hbm4b:s4+s2], $0x80, v3, vm0, $0xb8;
	[tilespmem:$0x10400] =	vst v63  }
0x40: {  	_ = 	snop  }
0x41: {  	[tilespmem:s12], [sflag:$0x1] =	stream.indirect_vreg.gather [hbm4b:s5+s2], $0x80, v3, vm0, $0xb8;
	[tilespmem:$0x10400] =	vst v63  }
0x42: {  	_ = 	snop  }
0x43: {  	[tilespmem:s13], [sflag:$0x1] =	stream.indirect_vreg.gather [hbm4b:s6+s2], $0x80, v3, vm0, $0xb8;
	[tilespmem:$0x10400] =	vst v63  }
0x44: {  	v3 =	vld [tilespmem:$0x80];
	_ =	sdelay $0x4  }
0x45: {  	v50 =	vshll.u32 v3, $0x3  }
0x46: {  	v3 =	vand.u32 $0x7, v3;
	v4 =	vand.u32 $0xFFFFFFC0, v50  }
0x47: {  	v3 =	vor.u32 v3, v4  }
0x48: {  	v4 =	vperm.xlane v3, v0;
	_ =	sdelay $0x1  }
0x49: {  	v4 =	vadd.s32 v1, v4;
	_ =	sdelay $0x4  }
0x4a: {  	[tilespmem:s25], [sflag:$0x2] =	stream.indirect_vreg.gather [hbm4b:s3+s2], $0x80, v4, vm0, $0xb8;
	[tilespmem:$0x10400] =	vst v63  }
0x4b: {  	s14 =	simm.s32 $0x8C00;
	v3 =	vperm.xlane v3, v2  }
0x4c: {  	[tilespmem:s14], [sflag:$0x2] =	stream.indirect_vreg.gather [hbm4b:s4+s2], $0x80, v4, vm0, $0xb8;
	[tilespmem:$0x10400] =	vst v63  }
0x4d: {  	s17 =	simm.s32 $0x9400;
	v3 =	vadd.s32 v1, v3  }
0x4e: {  	[tilespmem:s17], [sflag:$0x2] =	stream.indirect_vreg.gather [hbm4b:s5+s2], $0x80, v4, vm0, $0xb8;
	[tilespmem:$0x10400] =	vst v63  }
0x4f: {  	s20 =	simm.s32 $0x9C00  }
0x50: {  	[tilespmem:s20], [sflag:$0x2] =	stream.indirect_vreg.gather [hbm4b:s6+s2], $0x80, v4, vm0, $0xb8;
	[tilespmem:$0x10400] =	vst v63  }
0x51: {  	s1 =	simm.s32 $0xA400  }
0x52: {  	[tilespmem:s1], [sflag:$0x2] =	stream.indirect_vreg.gather [hbm4b:s3+s2], $0x80, v3, vm0, $0xb8;
	[tilespmem:$0x10400] =	vst v63  }
0x53: {  	s17 =	simm.s32 $0xAC00  }
0x54: {  	[tilespmem:s17], [sflag:$0x2] =	stream.indirect_vreg.gather [hbm4b:s4+s2], $0x80, v3, vm0, $0xb8;
	[tilespmem:$0x10400] =	vst v63  }
0x55: {  	s1 =	simm.s32 $0xB400  }
0x56: {  	[tilespmem:s1], [sflag:$0x2] =	stream.indirect_vreg.gather [hbm4b:s5+s2], $0x80, v3, vm0, $0xb8;
	[tilespmem:$0x10400] =	vst v63  }
0x57: {  	s14 =	simm.s32 $0xBC00  }
0x58: {  	[tilespmem:s14], [sflag:$0x2] =	stream.indirect_vreg.gather [hbm4b:s6+s2], $0x80, v3, vm0, $0xb8;
	[tilespmem:$0x10400] =	vst v63  }
0x59: {  	v3 =	vld [tilespmem:$0x90];
	_ =	sdelay $0x4  }
0x5a: {  	v51 =	vshll.u32 v3, $0x3  }
0x5b: {  	v3 =	vand.u32 $0x7, v3;
	v4 =	vand.u32 $0xFFFFFFC0, v51  }
0x5c: {  	v3 =	vor.u32 v3, v4  }
0x5d: {  	v4 =	vperm.xlane v3, v0;
	_ =	sdelay $0x1  }
0x5e: {  	v4 =	vadd.s32 v1, v4;
	_ =	sdelay $0x3  }
0x5f: {  	s17 =	simm.s32 $0xC400  }
0x60: {  	[tilespmem:s17], [sflag:$0x2] =	stream.indirect_vreg.gather [hbm4b:s3+s2], $0x80, v4, vm0, $0xb8;
	[tilespmem:$0x10400] =	vst v63  }
0x61: {  	s1 =	simm.s32 $0xCC00;
	v3 =	vperm.xlane v3, v2  }
0x62: {  	[tilespmem:s1], [sflag:$0x2] =	stream.indirect_vreg.gather [hbm4b:s4+s2], $0x80, v4, vm0, $0xb8;
	[tilespmem:$0x10400] =	vst v63  }
0x63: {  	v3 =	vadd.s32 v1, v3;
	s1 =	simm.s32 $0xD400  }
0x64: {  	[tilespmem:s1], [sflag:$0x2] =	stream.indirect_vreg.gather [hbm4b:s5+s2], $0x80, v4, vm0, $0xb8;
	[tilespmem:$0x10400] =	vst v63  }
0x65: {  	s1 =	simm.s32 $0xDC00  }
0x66: {  	[tilespmem:s1], [sflag:$0x2] =	stream.indirect_vreg.gather [hbm4b:s6+s2], $0x80, v4, vm0, $0xb8;
	[tilespmem:$0x10400] =	vst v63  }
0x67: {  	s1 =	simm.s32 $0xE400  }
0x68: {  	[tilespmem:s1], [sflag:$0x2] =	stream.indirect_vreg.gather [hbm4b:s3+s2], $0x80, v3, vm0, $0xb8;
	[tilespmem:$0x10400] =	vst v63  }
0x69: {  	s1 =	simm.s32 $0xEC00  }
0x6a: {  	[tilespmem:s1], [sflag:$0x2] =	stream.indirect_vreg.gather [hbm4b:s4+s2], $0x80, v3, vm0, $0xb8;
	[tilespmem:$0x10400] =	vst v63  }
0x6b: {  	s1 =	simm.s32 $0xF400  }
0x6c: {  	[tilespmem:s1], [sflag:$0x2] =	stream.indirect_vreg.gather [hbm4b:s5+s2], $0x80, v3, vm0, $0xb8;
	[tilespmem:$0x10400] =	vst v63  }
0x6d: {  	s1 =	simm.s32 $0xFC00  }
0x6e: {  	[tilespmem:s1], [sflag:$0x2] =	stream.indirect_vreg.gather [hbm4b:s6+s2], $0x80, v3, vm0, $0xb8;
	[tilespmem:$0x10400] =	vst v63  }
0x6f: {  	_ =	swait.ge [sflag:s18], $0x8000  }
0x70: {  	[sflag:s18] =	ssyncset.done $0x0  }
0x71: {  	s1 =	rddreg [dreg:$0x4];
	[sflag:s18] =	ssyncadd.s32 $0xFFFF8000  }
0x72: {  	[hbm4b:s1+s2] =	stream.linear.scatter [tilespmem:s9], [sflag:$0x3], $0x8000, $0x38;
	[tilespmem:$0x10400] =	vst v63  }
0x73: {  	_ =	swait.ge [sflag:s8], $0x8000  }
0x74: {  	[sflag:s8] =	ssyncset.done $0x0  }
0x75: {  	[sflag:s8] =	ssyncadd.s32 $0xFFFF8000  }
0x76: {  	v3 =	vld [tilespmem:$0x100];
	_ =	sdelay $0x4  }
0x77: {  	v52 =	vshll.u32 v3, $0x3  }
0x78: {  	v3 =	vand.u32 $0x7, v3;
	v4 =	vand.u32 $0xFFFFFFC0, v52  }
0x79: {  	v3 =	vor.u32 v3, v4  }
0x7a: {  	v4 =	vperm.xlane v3, v0;
	_ =	sdelay $0x1  }
0x7b: {  	v4 =	vadd.s32 v1, v4;
	_ =	sdelay $0x4  }
0x7c: {  	[tilespmem:s9], [sflag:$0x1] =	stream.indirect_vreg.gather [hbm4b:s3+s2], $0x80, v4, vm0, $0xb8;
	[tilespmem:$0x10400] =	vst v63  }
0x7d: {  	v3 =	vperm.xlane v3, v2  }
0x7e: {  	[tilespmem:s21], [sflag:$0x1] =	stream.indirect_vreg.gather [hbm4b:s4+s2], $0x80, v4, vm0, $0xb8;
	[tilespmem:$0x10400] =	vst v63  }
0x7f: {  	v3 =	vadd.s32 v1, v3  }
0x80: {  	[tilespmem:s22], [sflag:$0x1] =	stream.indirect_vreg.gather [hbm4b:s5+s2], $0x80, v4, vm0, $0xb8;
	[tilespmem:$0x10400] =	vst v63  }
0x81: {  	_ = 	snop  }
0x82: {  	[tilespmem:s23], [sflag:$0x1] =	stream.indirect_vreg.gather [hbm4b:s6+s2], $0x80, v4, vm0, $0xb8;
	[tilespmem:$0x10400] =	vst v63  }
0x83: {  	_ = 	snop  }
0x84: {  	[tilespmem:s24], [sflag:$0x1] =	stream.indirect_vreg.gather [hbm4b:s3+s2], $0x80, v3, vm0, $0xb8;
	[tilespmem:$0x10400] =	vst v63  }
0x85: {  	_ = 	snop  }
0x86: {  	[tilespmem:s26], [sflag:$0x1] =	stream.indirect_vreg.gather [hbm4b:s4+s2], $0x80, v3, vm0, $0xb8;
	[tilespmem:$0x10400] =	vst v63  }
0x87: {  	_ = 	snop  }
0x88: {  	[tilespmem:s28], [sflag:$0x1] =	stream.indirect_vreg.gather [hbm4b:s5+s2], $0x80, v3, vm0, $0xb8;
	[tilespmem:$0x10400] =	vst v63  }
0x89: {  	_ = 	snop  }
0x8a: {  	[tilespmem:s29], [sflag:$0x1] =	stream.indirect_vreg.gather [hbm4b:s6+s2], $0x80, v3, vm0, $0xb8;
	[tilespmem:$0x10400] =	vst v63  }
0x8b: {  	v3 =	vld [tilespmem:$0x110];
	_ =	sdelay $0x4  }
0x8c: {  	v53 =	vshll.u32 v3, $0x3  }
0x8d: {  	v3 =	vand.u32 $0x7, v3;
	v4 =	vand.u32 $0xFFFFFFC0, v53  }
0x8e: {  	v3 =	vor.u32 v3, v4  }
0x8f: {  	v4 =	vperm.xlane v3, v0;
	_ =	sdelay $0x1  }
0x90: {  	v4 =	vadd.s32 v1, v4;
	_ =	sdelay $0x4  }
0x91: {  	[tilespmem:s30], [sflag:$0x1] =	stream.indirect_vreg.gather [hbm4b:s3+s2], $0x80, v4, vm0, $0xb8;
	[tilespmem:$0x10400] =	vst v63  }
0x92: {  	v3 =	vperm.xlane v3, v2  }
0x93: {  	[tilespmem:s31], [sflag:$0x1] =	stream.indirect_vreg.gather [hbm4b:s4+s2], $0x80, v4, vm0, $0xb8;
	[tilespmem:$0x10400] =	vst v63  }
0x94: {  	v3 =	vadd.s32 v1, v3  }
0x95: {  	[tilespmem:s16], [sflag:$0x1] =	stream.indirect_vreg.gather [hbm4b:s5+s2], $0x80, v4, vm0, $0xb8;
	[tilespmem:$0x10400] =	vst v63  }
0x96: {  	_ = 	snop  }
0x97: {  	[tilespmem:s15], [sflag:$0x1] =	stream.indirect_vreg.gather [hbm4b:s6+s2], $0x80, v4, vm0, $0xb8;
	[tilespmem:$0x10400] =	vst v63  }
0x98: {  	_ = 	snop  }
0x99: {  	[tilespmem:s10], [sflag:$0x1] =	stream.indirect_vreg.gather [hbm4b:s3+s2], $0x80, v3, vm0, $0xb8;
	[tilespmem:$0x10400] =	vst v63  }
0x9a: {  	_ = 	snop  }
0x9b: {  	[tilespmem:s11], [sflag:$0x1] =	stream.indirect_vreg.gather [hbm4b:s4+s2], $0x80, v3, vm0, $0xb8;
	[tilespmem:$0x10400] =	vst v63  }
0x9c: {  	_ = 	snop  }
0x9d: {  	[tilespmem:s12], [sflag:$0x1] =	stream.indirect_vreg.gather [hbm4b:s5+s2], $0x80, v3, vm0, $0xb8;
	[tilespmem:$0x10400] =	vst v63  }
0x9e: {  	_ = 	snop  }
0x9f: {  	[tilespmem:s13], [sflag:$0x1] =	stream.indirect_vreg.gather [hbm4b:s6+s2], $0x80, v3, vm0, $0xb8;
	[tilespmem:$0x10400] =	vst v63  }
0xa0: {  	_ =	swait.ge [sflag:s19], $0x8000  }
0xa1: {  	[sflag:s19] =	ssyncset.done $0x0  }
0xa2: {  	s1 =	rddreg [dreg:$0x5];
	[sflag:s19] =	ssyncadd.s32 $0xFFFF8000  }
0xa3: {  	[hbm4b:s1+s2] =	stream.linear.scatter [tilespmem:s25], [sflag:$0x3], $0x8000, $0x38;
	[tilespmem:$0x10400] =	vst v63  }
0xa4: {  	_ =	swait.ge [sflag:s8], $0x8000  }
0xa5: {  	[sflag:s8] =	ssyncset.done $0x0  }
0xa6: {  	[sflag:s8] =	ssyncadd.s32 $0xFFFF8000  }
0xa7: {  	v3 =	vld [tilespmem:$0x180];
	_ =	sdelay $0x4  }
0xa8: {  	v54 =	vshll.u32 v3, $0x3  }
0xa9: {  	v3 =	vand.u32 $0x7, v3;
	v4 =	vand.u32 $0xFFFFFFC0, v54  }
0xaa: {  	v3 =	vor.u32 v3, v4  }
0xab: {  	v4 =	vperm.xlane v3, v0;
	_ =	sdelay $0x1  }
0xac: {  	v4 =	vadd.s32 v1, v4;
	_ =	sdelay $0x4  }
0xad: {  	[tilespmem:s25], [sflag:$0x2] =	stream.indirect_vreg.gather [hbm4b:s3+s2], $0x80, v4, vm0, $0xb8;
	[tilespmem:$0x10400] =	vst v63  }
0xae: {  	s0 =	simm.s32 $0x8C00;
	v3 =	vperm.xlane v3, v2  }
0xaf: {  	[tilespmem:s0], [sflag:$0x2] =	stream.indirect_vreg.gather [hbm4b:s4+s2], $0x80, v4, vm0, $0xb8;
	[tilespmem:$0x10400] =	vst v63  }
0xb0: {  	v3 =	vadd.s32 v1, v3;
	s0 =	simm.s32 $0x9400  }
0xb1: {  	[tilespmem:s0], [sflag:$0x2] =	stream.indirect_vreg.gather [hbm4b:s5+s2], $0x80, v4, vm0, $0xb8;
	[tilespmem:$0x10400] =	vst v63  }
0xb2: {  	s1 =	simm.s32 $0x9C00  }
0xb3: {  	[tilespmem:s1], [sflag:$0x2] =	stream.indirect_vreg.gather [hbm4b:s6+s2], $0x80, v4, vm0, $0xb8;
	[tilespmem:$0x10400] =	vst v63  }
0xb4: {  	s20 =	simm.s32 $0xA400  }
0xb5: {  	[tilespmem:s20], [sflag:$0x2] =	stream.indirect_vreg.gather [hbm4b:s3+s2], $0x80, v3, vm0, $0xb8;
	[tilespmem:$0x10400] =	vst v63  }
0xb6: {  	s20 =	simm.s32 $0xAC00  }
0xb7: {  	[tilespmem:s20], [sflag:$0x2] =	stream.indirect_vreg.gather [hbm4b:s4+s2], $0x80, v3, vm0, $0xb8;
	[tilespmem:$0x10400] =	vst v63  }
0xb8: {  	s20 =	simm.s32 $0xB400  }
0xb9: {  	[tilespmem:s20], [sflag:$0x2] =	stream.indirect_vreg.gather [hbm4b:s5+s2], $0x80, v3, vm0, $0xb8;
	[tilespmem:$0x10400] =	vst v63  }
0xba: {  	s14 =	simm.s32 $0xBC00  }
0xbb: {  	[tilespmem:s14], [sflag:$0x2] =	stream.indirect_vreg.gather [hbm4b:s6+s2], $0x80, v3, vm0, $0xb8;
	[tilespmem:$0x10400] =	vst v63  }
0xbc: {  	v3 =	vld [tilespmem:$0x190];
	_ =	sdelay $0x4  }
0xbd: {  	v55 =	vshll.u32 v3, $0x3  }
0xbe: {  	v3 =	vand.u32 $0x7, v3;
	v4 =	vand.u32 $0xFFFFFFC0, v55  }
0xbf: {  	v3 =	vor.u32 v3, v4  }
0xc0: {  	v4 =	vperm.xlane v3, v0;
	_ =	sdelay $0x1  }
0xc1: {  	v4 =	vadd.s32 v1, v4;
	_ =	sdelay $0x3  }
0xc2: {  	s17 =	simm.s32 $0xC400  }
0xc3: {  	[tilespmem:s17], [sflag:$0x2] =	stream.indirect_vreg.gather [hbm4b:s3+s2], $0x80, v4, vm0, $0xb8;
	[tilespmem:$0x10400] =	vst v63  }
0xc4: {  	s20 =	simm.s32 $0xCC00;
	v3 =	vperm.xlane v3, v2  }
0xc5: {  	[tilespmem:s20], [sflag:$0x2] =	stream.indirect_vreg.gather [hbm4b:s4+s2], $0x80, v4, vm0, $0xb8;
	[tilespmem:$0x10400] =	vst v63  }
0xc6: {  	v3 =	vadd.s32 v1, v3;
	s17 =	simm.s32 $0xD400  }
0xc7: {  	[tilespmem:s17], [sflag:$0x2] =	stream.indirect_vreg.gather [hbm4b:s5+s2], $0x80, v4, vm0, $0xb8;
	[tilespmem:$0x10400] =	vst v63  }
0xc8: {  	s20 =	simm.s32 $0xDC00  }
0xc9: {  	[tilespmem:s20], [sflag:$0x2] =	stream.indirect_vreg.gather [hbm4b:s6+s2], $0x80, v4, vm0, $0xb8;
	[tilespmem:$0x10400] =	vst v63  }
0xca: {  	s17 =	simm.s32 $0xE400  }
0xcb: {  	[tilespmem:s17], [sflag:$0x2] =	stream.indirect_vreg.gather [hbm4b:s3+s2], $0x80, v3, vm0, $0xb8;
	[tilespmem:$0x10400] =	vst v63  }
0xcc: {  	s20 =	simm.s32 $0xEC00  }
0xcd: {  	[tilespmem:s20], [sflag:$0x2] =	stream.indirect_vreg.gather [hbm4b:s4+s2], $0x80, v3, vm0, $0xb8;
	[tilespmem:$0x10400] =	vst v63  }
0xce: {  	s17 =	simm.s32 $0xF400  }
0xcf: {  	[tilespmem:s17], [sflag:$0x2] =	stream.indirect_vreg.gather [hbm4b:s5+s2], $0x80, v3, vm0, $0xb8;
	[tilespmem:$0x10400] =	vst v63  }
0xd0: {  	s20 =	simm.s32 $0xFC00  }
0xd1: {  	[tilespmem:s20], [sflag:$0x2] =	stream.indirect_vreg.gather [hbm4b:s6+s2], $0x80, v3, vm0, $0xb8;
	[tilespmem:$0x10400] =	vst v63  }
0xd2: {  	_ =	swait.ge [sflag:s18], $0x8000  }
0xd3: {  	[sflag:s18] =	ssyncset.done $0x0  }
0xd4: {  	s17 =	rddreg [dreg:$0x6];
	[sflag:s18] =	ssyncadd.s32 $0xFFFF8000  }
0xd5: {  	[hbm4b:s17+s2] =	stream.linear.scatter [tilespmem:s9], [sflag:$0x3], $0x8000, $0x38;
	[tilespmem:$0x10400] =	vst v63  }
0xd6: {  	_ =	swait.ge [sflag:s8], $0x8000  }
0xd7: {  	[sflag:s8] =	ssyncset.done $0x0  }
0xd8: {  	[sflag:s8] =	ssyncadd.s32 $0xFFFF8000  }
0xd9: {  	v3 =	vld [tilespmem:$0x200];
	_ =	sdelay $0x4  }
0xda: {  	v56 =	vshll.u32 v3, $0x3  }
0xdb: {  	v3 =	vand.u32 $0x7, v3;
	v4 =	vand.u32 $0xFFFFFFC0, v56  }
0xdc: {  	v3 =	vor.u32 v3, v4  }
0xdd: {  	v4 =	vperm.xlane v3, v0;
	_ =	sdelay $0x1  }
0xde: {  	v4 =	vadd.s32 v1, v4;
	_ =	sdelay $0x4  }
0xdf: {  	[tilespmem:s9], [sflag:$0x1] =	stream.indirect_vreg.gather [hbm4b:s3+s2], $0x80, v4, vm0, $0xb8;
	[tilespmem:$0x10400] =	vst v63  }
0xe0: {  	v3 =	vperm.xlane v3, v2  }
0xe1: {  	[tilespmem:s21], [sflag:$0x1] =	stream.indirect_vreg.gather [hbm4b:s4+s2], $0x80, v4, vm0, $0xb8;
	[tilespmem:$0x10400] =	vst v63  }
0xe2: {  	v3 =	vadd.s32 v1, v3  }
0xe3: {  	[tilespmem:s22], [sflag:$0x1] =	stream.indirect_vreg.gather [hbm4b:s5+s2], $0x80, v4, vm0, $0xb8;
	[tilespmem:$0x10400] =	vst v63  }
0xe4: {  	_ = 	snop  }
0xe5: {  	[tilespmem:s23], [sflag:$0x1] =	stream.indirect_vreg.gather [hbm4b:s6+s2], $0x80, v4, vm0, $0xb8;
	[tilespmem:$0x10400] =	vst v63  }
0xe6: {  	_ = 	snop  }
0xe7: {  	[tilespmem:s24], [sflag:$0x1] =	stream.indirect_vreg.gather [hbm4b:s3+s2], $0x80, v3, vm0, $0xb8;
	[tilespmem:$0x10400] =	vst v63  }
0xe8: {  	_ = 	snop  }
0xe9: {  	[tilespmem:s26], [sflag:$0x1] =	stream.indirect_vreg.gather [hbm4b:s4+s2], $0x80, v3, vm0, $0xb8;
	[tilespmem:$0x10400] =	vst v63  }
0xea: {  	_ = 	snop  }
0xeb: {  	[tilespmem:s28], [sflag:$0x1] =	stream.indirect_vreg.gather [hbm4b:s5+s2], $0x80, v3, vm0, $0xb8;
	[tilespmem:$0x10400] =	vst v63  }
0xec: {  	_ = 	snop  }
0xed: {  	[tilespmem:s29], [sflag:$0x1] =	stream.indirect_vreg.gather [hbm4b:s6+s2], $0x80, v3, vm0, $0xb8;
	[tilespmem:$0x10400] =	vst v63  }
0xee: {  	v3 =	vld [tilespmem:$0x210];
	_ =	sdelay $0x4  }
0xef: {  	v57 =	vshll.u32 v3, $0x3  }
0xf0: {  	v3 =	vand.u32 $0x7, v3;
	v4 =	vand.u32 $0xFFFFFFC0, v57  }
0xf1: {  	v3 =	vor.u32 v3, v4  }
0xf2: {  	v4 =	vperm.xlane v3, v0;
	_ =	sdelay $0x1  }
0xf3: {  	v4 =	vadd.s32 v1, v4;
	_ =	sdelay $0x4  }
0xf4: {  	[tilespmem:s30], [sflag:$0x1] =	stream.indirect_vreg.gather [hbm4b:s3+s2], $0x80, v4, vm0, $0xb8;
	[tilespmem:$0x10400] =	vst v63  }
0xf5: {  	v3 =	vperm.xlane v3, v2  }
0xf6: {  	[tilespmem:s31], [sflag:$0x1] =	stream.indirect_vreg.gather [hbm4b:s4+s2], $0x80, v4, vm0, $0xb8;
	[tilespmem:$0x10400] =	vst v63  }
0xf7: {  	v3 =	vadd.s32 v1, v3  }
0xf8: {  	[tilespmem:s16], [sflag:$0x1] =	stream.indirect_vreg.gather [hbm4b:s5+s2], $0x80, v4, vm0, $0xb8;
	[tilespmem:$0x10400] =	vst v63  }
0xf9: {  	_ = 	snop  }
0xfa: {  	[tilespmem:s15], [sflag:$0x1] =	stream.indirect_vreg.gather [hbm4b:s6+s2], $0x80, v4, vm0, $0xb8;
	[tilespmem:$0x10400] =	vst v63  }
0xfb: {  	_ = 	snop  }
0xfc: {  	[tilespmem:s10], [sflag:$0x1] =	stream.indirect_vreg.gather [hbm4b:s3+s2], $0x80, v3, vm0, $0xb8;
	[tilespmem:$0x10400] =	vst v63  }
0xfd: {  	_ = 	snop  }
0xfe: {  	[tilespmem:s11], [sflag:$0x1] =	stream.indirect_vreg.gather [hbm4b:s4+s2], $0x80, v3, vm0, $0xb8;
	[tilespmem:$0x10400] =	vst v63  }
0xff: {  	_ = 	snop  }
0x100: {  	[tilespmem:s12], [sflag:$0x1] =	stream.indirect_vreg.gather [hbm4b:s5+s2], $0x80, v3, vm0, $0xb8;
	[tilespmem:$0x10400] =	vst v63  }
0x101: {  	_ = 	snop  }
0x102: {  	[tilespmem:s13], [sflag:$0x1] =	stream.indirect_vreg.gather [hbm4b:s6+s2], $0x80, v3, vm0, $0xb8;
	[tilespmem:$0x10400] =	vst v63  }
0x103: {  	_ =	swait.ge [sflag:s19], $0x8000  }
0x104: {  	[sflag:s19] =	ssyncset.done $0x0  }
0x105: {  	s14 =	rddreg [dreg:$0x7];
	[sflag:s19] =	ssyncadd.s32 $0xFFFF8000  }
0x106: {  	[hbm4b:s14+s2] =	stream.linear.scatter [tilespmem:s25], [sflag:$0x3], $0x8000, $0x38;
	[tilespmem:$0x10400] =	vst v63  }
0x107: {  	_ =	swait.ge [sflag:s8], $0x8000  }
0x108: {  	[sflag:s8] =	ssyncset.done $0x0  }
0x109: {  	[sflag:s8] =	ssyncadd.s32 $0xFFFF8000  }
0x10a: {  	v3 =	vld [tilespmem:$0x280];
	_ =	sdelay $0x4  }
0x10b: {  	v58 =	vshll.u32 v3, $0x3  }
0x10c: {  	v3 =	vand.u32 $0x7, v3;
	v4 =	vand.u32 $0xFFFFFFC0, v58  }
0x10d: {  	v3 =	vor.u32 v3, v4  }
0x10e: {  	v4 =	vperm.xlane v3, v0;
	_ =	sdelay $0x1  }
0x10f: {  	v4 =	vadd.s32 v1, v4;
	_ =	sdelay $0x4  }
0x110: {  	[tilespmem:s25], [sflag:$0x2] =	stream.indirect_vreg.gather [hbm4b:s3+s2], $0x80, v4, vm0, $0xb8;
	[tilespmem:$0x10400] =	vst v63  }
0x111: {  	s17 =	simm.s32 $0x8C00;
	v3 =	vperm.xlane v3, v2  }
0x112: {  	[tilespmem:s17], [sflag:$0x2] =	stream.indirect_vreg.gather [hbm4b:s4+s2], $0x80, v4, vm0, $0xb8;
	[tilespmem:$0x10400] =	vst v63  }
0x113: {  	v3 =	vadd.s32 v1, v3  }
0x114: {  	[tilespmem:s0], [sflag:$0x2] =	stream.indirect_vreg.gather [hbm4b:s5+s2], $0x80, v4, vm0, $0xb8;
	[tilespmem:$0x10400] =	vst v63  }
0x115: {  	_ = 	snop  }
0x116: {  	[tilespmem:s1], [sflag:$0x2] =	stream.indirect_vreg.gather [hbm4b:s6+s2], $0x80, v4, vm0, $0xb8;
	[tilespmem:$0x10400] =	vst v63  }
0x117: {  	s20 =	simm.s32 $0xA400  }
0x118: {  	[tilespmem:s20], [sflag:$0x2] =	stream.indirect_vreg.gather [hbm4b:s3+s2], $0x80, v3, vm0, $0xb8;
	[tilespmem:$0x10400] =	vst v63  }
0x119: {  	s17 =	simm.s32 $0xAC00  }
0x11a: {  	[tilespmem:s17], [sflag:$0x2] =	stream.indirect_vreg.gather [hbm4b:s4+s2], $0x80, v3, vm0, $0xb8;
	[tilespmem:$0x10400] =	vst v63  }
0x11b: {  	s20 =	simm.s32 $0xB400  }
0x11c: {  	[tilespmem:s20], [sflag:$0x2] =	stream.indirect_vreg.gather [hbm4b:s5+s2], $0x80, v3, vm0, $0xb8;
	[tilespmem:$0x10400] =	vst v63  }
0x11d: {  	s20 =	simm.s32 $0xBC00  }
0x11e: {  	[tilespmem:s20], [sflag:$0x2] =	stream.indirect_vreg.gather [hbm4b:s6+s2], $0x80, v3, vm0, $0xb8;
	[tilespmem:$0x10400] =	vst v63  }
0x11f: {  	v3 =	vld [tilespmem:$0x290];
	_ =	sdelay $0x4  }
0x120: {  	v59 =	vshll.u32 v3, $0x3  }
0x121: {  	v3 =	vand.u32 $0x7, v3;
	v4 =	vand.u32 $0xFFFFFFC0, v59  }
0x122: {  	v3 =	vor.u32 v3, v4  }
0x123: {  	v4 =	vperm.xlane v3, v0;
	_ =	sdelay $0x1  }
0x124: {  	v4 =	vadd.s32 v1, v4;
	_ =	sdelay $0x3  }
0x125: {  	s20 =	simm.s32 $0xC400  }
0x126: {  	[tilespmem:s20], [sflag:$0x2] =	stream.indirect_vreg.gather [hbm4b:s3+s2], $0x80, v4, vm0, $0xb8;
	[tilespmem:$0x10400] =	vst v63  }
0x127: {  	v3 =	vperm.xlane v3, v2;
	s20 =	simm.s32 $0xCC00  }
0x128: {  	[tilespmem:s20], [sflag:$0x2] =	stream.indirect_vreg.gather [hbm4b:s4+s2], $0x80, v4, vm0, $0xb8;
	[tilespmem:$0x10400] =	vst v63  }
0x129: {  	v3 =	vadd.s32 v1, v3;
	s20 =	simm.s32 $0xD400  }
0x12a: {  	[tilespmem:s20], [sflag:$0x2] =	stream.indirect_vreg.gather [hbm4b:s5+s2], $0x80, v4, vm0, $0xb8;
	[tilespmem:$0x10400] =	vst v63  }
0x12b: {  	s20 =	simm.s32 $0xDC00  }
0x12c: {  	[tilespmem:s20], [sflag:$0x2] =	stream.indirect_vreg.gather [hbm4b:s6+s2], $0x80, v4, vm0, $0xb8;
	[tilespmem:$0x10400] =	vst v63  }
0x12d: {  	s20 =	simm.s32 $0xE400  }
0x12e: {  	[tilespmem:s20], [sflag:$0x2] =	stream.indirect_vreg.gather [hbm4b:s3+s2], $0x80, v3, vm0, $0xb8;
	[tilespmem:$0x10400] =	vst v63  }
0x12f: {  	s20 =	simm.s32 $0xEC00  }
0x130: {  	[tilespmem:s20], [sflag:$0x2] =	stream.indirect_vreg.gather [hbm4b:s4+s2], $0x80, v3, vm0, $0xb8;
	[tilespmem:$0x10400] =	vst v63  }
0x131: {  	s20 =	simm.s32 $0xF400  }
0x132: {  	[tilespmem:s20], [sflag:$0x2] =	stream.indirect_vreg.gather [hbm4b:s5+s2], $0x80, v3, vm0, $0xb8;
	[tilespmem:$0x10400] =	vst v63  }
0x133: {  	s20 =	simm.s32 $0xFC00  }
0x134: {  	[tilespmem:s20], [sflag:$0x2] =	stream.indirect_vreg.gather [hbm4b:s6+s2], $0x80, v3, vm0, $0xb8;
	[tilespmem:$0x10400] =	vst v63  }
0x135: {  	_ =	swait.ge [sflag:s18], $0x8000  }
0x136: {  	[sflag:s18] =	ssyncset.done $0x0  }
0x137: {  	s20 =	rddreg [dreg:$0x8];
	[sflag:s18] =	ssyncadd.s32 $0xFFFF8000  }
0x138: {  	[hbm4b:s20+s2] =	stream.linear.scatter [tilespmem:s9], [sflag:$0x3], $0x8000, $0x38;
	[tilespmem:$0x10400] =	vst v63  }
0x139: {  	_ =	swait.ge [sflag:s8], $0x8000  }
0x13a: {  	[sflag:s8] =	ssyncset.done $0x0  }
0x13b: {  	[sflag:s8] =	ssyncadd.s32 $0xFFFF8000  }
0x13c: {  	v3 =	vld [tilespmem:$0x300];
	_ =	sdelay $0x4  }
0x13d: {  	v60 =	vshll.u32 v3, $0x3  }
0x13e: {  	v3 =	vand.u32 $0x7, v3;
	v4 =	vand.u32 $0xFFFFFFC0, v60  }
0x13f: {  	v3 =	vor.u32 v3, v4  }
0x140: {  	v4 =	vperm.xlane v3, v0;
	_ =	sdelay $0x1  }
0x141: {  	v4 =	vadd.s32 v1, v4;
	_ =	sdelay $0x4  }
0x142: {  	[tilespmem:s9], [sflag:$0x1] =	stream.indirect_vreg.gather [hbm4b:s3+s2], $0x80, v4, vm0, $0xb8;
	[tilespmem:$0x10400] =	vst v63  }
0x143: {  	v3 =	vperm.xlane v3, v2  }
0x144: {  	[tilespmem:s21], [sflag:$0x1] =	stream.indirect_vreg.gather [hbm4b:s4+s2], $0x80, v4, vm0, $0xb8;
	[tilespmem:$0x10400] =	vst v63  }
0x145: {  	v3 =	vadd.s32 v1, v3  }
0x146: {  	[tilespmem:s22], [sflag:$0x1] =	stream.indirect_vreg.gather [hbm4b:s5+s2], $0x80, v4, vm0, $0xb8;
	[tilespmem:$0x10400] =	vst v63  }
0x147: {  	_ = 	snop  }
0x148: {  	[tilespmem:s23], [sflag:$0x1] =	stream.indirect_vreg.gather [hbm4b:s6+s2], $0x80, v4, vm0, $0xb8;
	[tilespmem:$0x10400] =	vst v63  }
0x149: {  	_ = 	snop  }
0x14a: {  	[tilespmem:s24], [sflag:$0x1] =	stream.indirect_vreg.gather [hbm4b:s3+s2], $0x80, v3, vm0, $0xb8;
	[tilespmem:$0x10400] =	vst v63  }
0x14b: {  	_ = 	snop  }
0x14c: {  	[tilespmem:s26], [sflag:$0x1] =	stream.indirect_vreg.gather [hbm4b:s4+s2], $0x80, v3, vm0, $0xb8;
	[tilespmem:$0x10400] =	vst v63  }
0x14d: {  	_ = 	snop  }
0x14e: {  	[tilespmem:s28], [sflag:$0x1] =	stream.indirect_vreg.gather [hbm4b:s5+s2], $0x80, v3, vm0, $0xb8;
	[tilespmem:$0x10400] =	vst v63  }
0x14f: {  	_ = 	snop  }
0x150: {  	[tilespmem:s29], [sflag:$0x1] =	stream.indirect_vreg.gather [hbm4b:s6+s2], $0x80, v3, vm0, $0xb8;
	[tilespmem:$0x10400] =	vst v63  }
0x151: {  	v3 =	vld [tilespmem:$0x310];
	_ =	sdelay $0x4  }
0x152: {  	v61 =	vshll.u32 v3, $0x3  }
0x153: {  	v3 =	vand.u32 $0x7, v3;
	v4 =	vand.u32 $0xFFFFFFC0, v61  }
0x154: {  	v3 =	vor.u32 v3, v4  }
0x155: {  	v4 =	vperm.xlane v3, v0;
	_ =	sdelay $0x1  }
0x156: {  	v4 =	vadd.s32 v1, v4;
	_ =	sdelay $0x4  }
0x157: {  	[tilespmem:s30], [sflag:$0x1] =	stream.indirect_vreg.gather [hbm4b:s3+s2], $0x80, v4, vm0, $0xb8;
	[tilespmem:$0x10400] =	vst v63  }
0x158: {  	v3 =	vperm.xlane v3, v2  }
0x159: {  	[tilespmem:s31], [sflag:$0x1] =	stream.indirect_vreg.gather [hbm4b:s4+s2], $0x80, v4, vm0, $0xb8;
	[tilespmem:$0x10400] =	vst v63  }
0x15a: {  	v3 =	vadd.s32 v1, v3  }
0x15b: {  	[tilespmem:s16], [sflag:$0x1] =	stream.indirect_vreg.gather [hbm4b:s5+s2], $0x80, v4, vm0, $0xb8;
	[tilespmem:$0x10400] =	vst v63  }
0x15c: {  	_ = 	snop  }
0x15d: {  	[tilespmem:s15], [sflag:$0x1] =	stream.indirect_vreg.gather [hbm4b:s6+s2], $0x80, v4, vm0, $0xb8;
	[tilespmem:$0x10400] =	vst v63  }
0x15e: {  	_ = 	snop  }
0x15f: {  	[tilespmem:s10], [sflag:$0x1] =	stream.indirect_vreg.gather [hbm4b:s3+s2], $0x80, v3, vm0, $0xb8;
	[tilespmem:$0x10400] =	vst v63  }
0x160: {  	_ = 	snop  }
0x161: {  	[tilespmem:s11], [sflag:$0x1] =	stream.indirect_vreg.gather [hbm4b:s4+s2], $0x80, v3, vm0, $0xb8;
	[tilespmem:$0x10400] =	vst v63  }
0x162: {  	_ = 	snop  }
0x163: {  	[tilespmem:s12], [sflag:$0x1] =	stream.indirect_vreg.gather [hbm4b:s5+s2], $0x80, v3, vm0, $0xb8;
	[tilespmem:$0x10400] =	vst v63  }
0x164: {  	_ = 	snop  }
0x165: {  	[tilespmem:s13], [sflag:$0x1] =	stream.indirect_vreg.gather [hbm4b:s6+s2], $0x80, v3, vm0, $0xb8;
	[tilespmem:$0x10400] =	vst v63  }
0x166: {  	_ =	swait.ge [sflag:s19], $0x8000  }
0x167: {  	[sflag:s19] =	ssyncset.done $0x0  }
0x168: {  	s10 =	rddreg [dreg:$0x9];
	[sflag:s19] =	ssyncadd.s32 $0xFFFF8000  }
0x169: {  	[hbm4b:s10+s2] =	stream.linear.scatter [tilespmem:s25], [sflag:$0x3], $0x8000, $0x38;
	[tilespmem:$0x10400] =	vst v63  }
0x16a: {  	_ =	swait.ge [sflag:s8], $0x8000  }
0x16b: {  	[sflag:s8] =	ssyncset.done $0x0  }
0x16c: {  	[sflag:s8] =	ssyncadd.s32 $0xFFFF8000  }
0x16d: {  	v3 =	vld [tilespmem:$0x380];
	_ =	sdelay $0x4  }
0x16e: {  	v62 =	vshll.u32 v3, $0x3  }
0x16f: {  	v3 =	vand.u32 $0x7, v3;
	v4 =	vand.u32 $0xFFFFFFC0, v62  }
0x170: {  	v3 =	vor.u32 v3, v4  }
0x171: {  	v4 =	vperm.xlane v3, v0;
	_ =	sdelay $0x1  }
0x172: {  	v4 =	vadd.s32 v1, v4;
	_ =	sdelay $0x4  }
0x173: {  	[tilespmem:s25], [sflag:$0x2] =	stream.indirect_vreg.gather [hbm4b:s3+s2], $0x80, v4, vm0, $0xb8;
	[tilespmem:$0x10400] =	vst v63  }
0x174: {  	s20 =	simm.s32 $0x8C00;
	v3 =	vperm.xlane v3, v2  }
0x175: {  	[tilespmem:s20], [sflag:$0x2] =	stream.indirect_vreg.gather [hbm4b:s4+s2], $0x80, v4, vm0, $0xb8;
	[tilespmem:$0x10400] =	vst v63  }
0x176: {  	s0 =	simm.s32 $0x9400;
	v3 =	vadd.s32 v1, v3  }
0x177: {  	[tilespmem:s0], [sflag:$0x2] =	stream.indirect_vreg.gather [hbm4b:s5+s2], $0x80, v4, vm0, $0xb8;
	[tilespmem:$0x10400] =	vst v63  }
0x178: {  	s1 =	simm.s32 $0x9C00  }
0x179: {  	[tilespmem:s1], [sflag:$0x2] =	stream.indirect_vreg.gather [hbm4b:s6+s2], $0x80, v4, vm0, $0xb8;
	[tilespmem:$0x10400] =	vst v63  }
0x17a: {  	s10 =	simm.s32 $0xA400  }
0x17b: {  	[tilespmem:s10], [sflag:$0x2] =	stream.indirect_vreg.gather [hbm4b:s3+s2], $0x80, v3, vm0, $0xb8;
	[tilespmem:$0x10400] =	vst v63  }
0x17c: {  	s14 =	simm.s32 $0xAC00  }
0x17d: {  	[tilespmem:s14], [sflag:$0x2] =	stream.indirect_vreg.gather [hbm4b:s4+s2], $0x80, v3, vm0, $0xb8;
	[tilespmem:$0x10400] =	vst v63  }
0x17e: {  	s17 =	simm.s32 $0xB400  }
0x17f: {  	[tilespmem:s17], [sflag:$0x2] =	stream.indirect_vreg.gather [hbm4b:s5+s2], $0x80, v3, vm0, $0xb8;
	[tilespmem:$0x10400] =	vst v63  }
0x180: {  	s17 =	simm.s32 $0xBC00  }
0x181: {  	[tilespmem:s17], [sflag:$0x2] =	stream.indirect_vreg.gather [hbm4b:s6+s2], $0x80, v3, vm0, $0xb8;
	[tilespmem:$0x10400] =	vst v63  }
0x182: {  	v3 =	vld [tilespmem:$0x390];
	_ =	sdelay $0x4  }
0x183: {  	v63 =	vshll.u32 v3, $0x3  }
0x184: {  	v3 =	vand.u32 $0x7, v3;
	v4 =	vand.u32 $0xFFFFFFC0, v63  }
0x185: {  	v3 =	vor.u32 v3, v4  }
0x186: {  	v4 =	vperm.xlane v3, v0;
	_ =	sdelay $0x1  }
0x187: {  	v4 =	vadd.s32 v1, v4;
	_ =	sdelay $0x3  }
0x188: {  	s20 =	simm.s32 $0xC400  }
0x189: {  	[tilespmem:s20], [sflag:$0x2] =	stream.indirect_vreg.gather [hbm4b:s3+s2], $0x80, v4, vm0, $0xb8;
	[tilespmem:$0x10400] =	vst v63  }
0x18a: {  	s1 =	simm.s32 $0xCC00;
	v3 =	vperm.xlane v3, v2  }
0x18b: {  	[tilespmem:s1], [sflag:$0x2] =	stream.indirect_vreg.gather [hbm4b:s4+s2], $0x80, v4, vm0, $0xb8;
	[tilespmem:$0x10400] =	vst v63  }
0x18c: {  	s10 =	simm.s32 $0xD400;
	v3 =	vadd.s32 v1, v3  }
0x18d: {  	[tilespmem:s10], [sflag:$0x2] =	stream.indirect_vreg.gather [hbm4b:s5+s2], $0x80, v4, vm0, $0xb8;
	[tilespmem:$0x10400] =	vst v63  }
0x18e: {  	s14 =	simm.s32 $0xDC00  }
0x18f: {  	[tilespmem:s14], [sflag:$0x2] =	stream.indirect_vreg.gather [hbm4b:s6+s2], $0x80, v4, vm0, $0xb8;
	[tilespmem:$0x10400] =	vst v63  }
0x190: {  	s17 =	simm.s32 $0xE400  }
0x191: {  	[tilespmem:s17], [sflag:$0x2] =	stream.indirect_vreg.gather [hbm4b:s3+s2], $0x80, v3, vm0, $0xb8;
	[tilespmem:$0x10400] =	vst v63  }
0x192: {  	s20 =	simm.s32 $0xEC00  }
0x193: {  	[tilespmem:s20], [sflag:$0x2] =	stream.indirect_vreg.gather [hbm4b:s4+s2], $0x80, v3, vm0, $0xb8;
	[tilespmem:$0x10400] =	vst v63  }
0x194: {  	s1 =	simm.s32 $0xF400  }
0x195: {  	[tilespmem:s1], [sflag:$0x2] =	stream.indirect_vreg.gather [hbm4b:s5+s2], $0x80, v3, vm0, $0xb8;
	[tilespmem:$0x10400] =	vst v63  }
0x196: {  	s10 =	simm.s32 $0xFC00  }
0x197: {  	[tilespmem:s10], [sflag:$0x2] =	stream.indirect_vreg.gather [hbm4b:s6+s2], $0x80, v3, vm0, $0xb8;
	[tilespmem:$0x10400] =	vst v63  }
0x198: {  	_ =	swait.ge [sflag:s18], $0x8000  }
0x199: {  	[sflag:s18] =	ssyncset.done $0x0  }
0x19a: {  	s14 =	rddreg [dreg:$0xa];
	[sflag:s18] =	ssyncadd.s32 $0xFFFF8000  }
0x19b: {  	[hbm4b:s14+s2] =	stream.linear.scatter [tilespmem:s9], [sflag:$0x3], $0x8000, $0x38;
	[tilespmem:$0x10400] =	vst v63  }
0x19c: {  	_ =	swait.ge [sflag:s8], $0x8000  }
0x19d: {  	[sflag:s8] =	ssyncset.done $0x0  }
0x19e: {  	[sflag:s8] =	ssyncadd.s32 $0xFFFF8000  }
0x19f: {  	_ =	swait.ge [sflag:s19], $0x8000  }
0x1a0: {  	p0 =	sne.s32 s7, $0x1;
	[sflag:s19] =	ssyncset.done $0x0  }
.Ltmp0:
0x1a1: {  	s17 =	rddreg [dreg:$0xb];
	[sflag:s19] =	ssyncadd.s32 $0xFFFF8000;
	(pc) =	sbr.rel @p0 .LBB2_1-.Ltmp0, $4  }
0x1a2: {  	[hbm4b:s17+s2] =	stream.linear.scatter [tilespmem:s25], [sflag:$0x3], $0x8000, $0x38;
	[tilespmem:$0x10400] =	vst v63  }
0x1a3: {  	_ =	swait.ge [sflag:s8], $0x8000  }
0x1a4: {  	[sflag:s8] =	ssyncset.done $0x0  }
0x1a5: {  	s7 =	sadd.s32 $0xFFFFFFFF, s7;
	[sflag:s8] =	ssyncadd.s32 $0xFFFF8000  }
0x1a6: {  	_ =	sfence.sel $0x180000  }
0x1a7: {  	[bflag:$0x0] =	sbarrier.arrive $0xFFFF  }
0x1a8: {  	_ =	strace $0x90000050  }
0x1a9: {  	s0 =	stileid.u32;
	[bflag:$0x2] =	sbarrier.arrive $0xFFFF  }
0x1aa: {  	p0 =	sne.s32 s0, $0x0;
	s0 =	rddreg [dreg:$0x2]  }
0x1ab: {  	s0 =	sadd.s32 @!p0 $0x100000, s0  }
0x1ac: {  	[sflag:s0] =	ssyncadd.tile.s32 @!p0 $0x1;
	_ =	shalt  }
.Lfunc_end2:
_tile_overlayer_lowered:
.L_overlay_start_2:
0x1ad: {  	(tag) =	ssettag $0x2  }
0x1ae: {  	s0 =	rddreg [dreg:$0x0];
	s2 =	stileid.u32  }
0x1af: {  	s1 =	rddreg [dreg:$0x1];
	p0 =	sne.s32 s2, $0x0  }
0x1b0: {  	s3 =	rddreg [dreg:$0x2];
	[bflag:$0x3] =	sbarrier.arrive $0xFFFF;
	s2 =	simm.s32 @!p0 $0x1C03  }
0x1b1: {  	[timem:s3], [sflag:s2] =	dma.local @!p0 [hbm:s0], s1  }
0x1b2: {  	s0 =	simm.s32 @!p0 $0x3  }
0x1b3: {  	_ =	swait.ge @!p0 [sflag:s0], s1  }
0x1b4: {  	s1 =	ssub.s32 @!p0 $0x0, s1;
	[sflag:s0] =	ssyncset.done @!p0 $0x0  }
0x1b5: {  	[sflag:s0] =	ssyncadd.s32 @!p0 s1  }
0x1b6: {  	[bflag:$0x3] =	sbarrier.arrive $0xFFFF  }
0x1b7: {  	_ =	shalt  }

// kernel: kernel.9.cloned.1.call-start
scs
__scs_entry_jumppad:
0x0: {  	(pc) =	sbr.rel $0x88, $3  }
0x1: {  	(tag) =	ssettag $0x0;
	lr =	simm.s32 $0x1  }
0x2: {  	[smem:$0x3F8F] =	sst lr;
	_ =	strace $0xD0000000  }
0x3: {  	_ = 	snop  }
0x4: {  	_ = 	snop  }
0x5: {  	_ = 	snop  }
0x6: {  	_ = 	snop  }
0x7: {  	_ = 	snop  }
__scs_overlays_trampoline_lowered:
0x8: {  	[smem:$0x3F9E] =	sst s0  }
0x9: {  	[smem:$0x3F9F] =	sst s1  }
0xa: {  	[smem:$0x3FA0] =	sst s2  }
0xb: {  	[smem:$0x3FA1] =	sst s3  }
0xc: {  	[smem:$0x3FA2] =	sst s4  }
0xd: {  	[smem:$0x3FA3] =	sst s5  }
0xe: {  	[smem:$0x3FA4] =	sst s6  }
0xf: {  	[smem:$0x3FA5] =	sst s7  }
0x10: {  	[smem:$0x3FA6] =	sst s8  }
0x11: {  	[smem:$0x3FA7] =	sst s9;
	s0 =	simm.s32 @!p0 $0x0  }
0x12: {  	s1 =	sld [smem:$0x3F8D];
	s0 =	simm.s32 @p0 $0x1  }
0x13: {  	[smem:$0x3FA8] =	sst s0;
	s0 =	simm.s32 @!p1 $0x0  }
0x14: {  	s2 =	sld [smem:$0x3F8C];
	s0 =	simm.s32 @p1 $0x1  }
0x15: {  	[smem:$0x3FA9] =	sst s0;
	s0 =	simm.s32 @!p2 $0x0  }
0x16: {  	s3 =	sld [smem:$0x3FDB];
	s0 =	simm.s32 @p2 $0x1  }
0x17: {  	s4 =	simm.s32 $0x1BF5;
	[smem:$0x3FAB] =	sst s0  }
0x18: {  	s0 =	sld [smem:$0x3F8E];
	_ =	swait.ge [sflag:s4], $0x0  }
0x19: {  	s7 =	sld [smem:$0x3F8F]  }
0x1a: {  	s8 =	sadd.s32 $0xFFFFE003, lr  }
0x1b: {  	s9 =	sadd.s32 $0xFFFFFEF7, lr;
	s5 =	simm.s32 $0xFFFFFFFF;
	p2 =	slt.u32 s8, $0xFFFFF086  }
0x1c: {  	p1 =	slt.u32 s9, $0xF7A;
	s5 =	simm.s32 @!p2 $0x0  }
0x1d: {  	s5 =	simm.s32 @p1 $0x1;
	p0 =	seq.s32 s7, s2  }
0x1e: {  	s7 =	smul.u32 @!p0 $0xF7A, s2;
	p2 =	seq.s32 @!p0 s5, $0x0  }
0x1f: {  	s9 =	smul.u32 $0xF7A, s1;
	s8 =	simm.s32 @!p0 $0x1BF5;
	p2 =	por !p2, p0  }
0x20: {  	[sflag:s8] =	ssyncset.s32 @!p0 $0xFFFFF086;
	s6 =	sadd.s32 @!p0 s3, s7;
	s7 =	simm.s32 @!p0 $0x108  }
0x21: {  	s3 =	sadd.s32 s3, s9;
	s6 =	sadd.s32 @!p0 $0x88, s6;
	s7 =	simm.s32 @p2 $0x1082  }
0x22: {  	[simem:s7], [sflag:s8] =	dma.local @!p0 [hbm:s6], $0xF7A  }
0x23: {  	s9 =	sor.u32 $0xD0000000, s2;
	s6 =	simm.s32 $0x108;
	_ =	swait.ge @!p0 [sflag:s8], $0x0  }
0x24: {  	s3 =	sadd.s32 $0x88, s3;
	s6 =	simm.s32 @!p1 $0x1082;
	[sflag:s4] =	ssyncset.s32 $0xFFFFF086  }
0x25: {  	[simem:s6], [sflag:s4] =	dma.local [hbm:s3], $0xF7A  }
0x26: {  	[smem:$0x3F8F] =	sst s1;
	(tag) =	ssettag s2;
	_ =	strace s9  }
0x27: {  	s1 =	sld [smem:$0x3F9F]  }
0x28: {  	s2 =	sld [smem:$0x3FA0]  }
0x29: {  	s4 =	sld [smem:$0x3FA2]  }
0x2a: {  	p0 =	seq.s32 s5, $0x0;
	s5 =	sld [smem:$0x3FA3]  }
0x2b: {  	s6 =	sld [smem:$0x3FA4]  }
0x2c: {  	s7 =	sld [smem:$0x3FA5]  }
0x2d: {  	s3 =	simm.s32 $0x108;
	s8 =	sld [smem:$0x3FA6]  }
0x2e: {  	s3 =	simm.s32 @!p0 $0x1082;
	s9 =	sld [smem:$0x3FA7]  }
0x2f: {  	lr =	sadd.s32 s0, s3;
	s0 =	sld [smem:$0x3F9E]  }
0x30: {  	s3 =	sld [smem:$0x3FA1]  }
0x31: {  	[smem:$0x3FAA] =	sst s10  }
0x32: {  	s10 =	sld [smem:$0x3FA8];
	_ =	sdelay $0x3  }
0x33: {  	p0 =	seq.s32 s10, $0x1;
	s10 =	sld [smem:$0x3FAA];
	_ =	sdelay $0x3  }
0x34: {  	[smem:$0x3FAA] =	sst s10  }
0x35: {  	s10 =	sld [smem:$0x3FA9];
	_ =	sdelay $0x3  }
0x36: {  	p1 =	seq.s32 s10, $0x1;
	s10 =	sld [smem:$0x3FAA];
	_ =	sdelay $0x3  }
0x37: {  	[smem:$0x3FAA] =	sst s10  }
0x38: {  	s10 =	sld [smem:$0x3FAB]  }
0x39: {  	_ = 	snop;
	(pc) =	sbr.ind lr, $3  }
0x3a: {  	_ = 	snop  }
0x3b: {  	_ = 	snop  }
0x3c: {  	p2 =	seq.s32 s10, $0x1;
	s10 =	sld [smem:$0x3FAA]  }
0x3d: {  	_ =	shalt  }
0x3e: {  	_ =	shalt  }
0x3f: {  	_ =	shalt  }
0x40: {  	_ =	shalt  }
0x41: {  	_ =	shalt  }
0x42: {  	_ =	shalt  }
0x43: {  	_ =	shalt  }
0x44: {  	_ =	shalt  }
0x45: {  	_ =	shalt  }
0x46: {  	_ =	shalt  }
0x47: {  	_ =	shalt  }
0x48: {  	_ =	shalt  }
0x49: {  	_ =	shalt  }
0x4a: {  	_ =	shalt  }
0x4b: {  	_ =	shalt  }
0x4c: {  	_ =	shalt  }
0x4d: {  	_ =	shalt  }
0x4e: {  	_ =	shalt  }
0x4f: {  	_ =	shalt  }
0x50: {  	_ =	shalt  }
0x51: {  	_ =	shalt  }
0x52: {  	_ =	shalt  }
0x53: {  	_ =	shalt  }
0x54: {  	_ =	shalt  }
0x55: {  	_ =	shalt  }
0x56: {  	_ =	shalt  }
0x57: {  	_ =	shalt  }
0x58: {  	_ =	shalt  }
0x59: {  	_ =	shalt  }
0x5a: {  	_ =	shalt  }
0x5b: {  	_ =	shalt  }
0x5c: {  	_ =	shalt  }
0x5d: {  	_ =	shalt  }
0x5e: {  	_ =	shalt  }
0x5f: {  	_ =	shalt  }
0x60: {  	_ =	shalt  }
0x61: {  	_ =	shalt  }
0x62: {  	_ =	shalt  }
0x63: {  	_ =	shalt  }
0x64: {  	_ =	shalt  }
0x65: {  	_ =	shalt  }
0x66: {  	_ =	shalt  }
0x67: {  	_ =	shalt  }
0x68: {  	_ =	shalt  }
0x69: {  	_ =	shalt  }
0x6a: {  	_ =	shalt  }
0x6b: {  	_ =	shalt  }
0x6c: {  	_ =	shalt  }
0x6d: {  	_ =	shalt  }
0x6e: {  	_ =	shalt  }
0x6f: {  	_ =	shalt  }
0x70: {  	_ =	shalt  }
0x71: {  	_ =	shalt  }
0x72: {  	_ =	shalt  }
0x73: {  	_ =	shalt  }
0x74: {  	_ =	shalt  }
0x75: {  	_ =	shalt  }
0x76: {  	_ =	shalt  }
0x77: {  	_ =	shalt  }
0x78: {  	_ =	shalt  }
0x79: {  	_ =	shalt  }
0x7a: {  	_ =	shalt  }
0x7b: {  	_ =	shalt  }
0x7c: {  	_ =	shalt  }
0x7d: {  	_ =	shalt  }
0x7e: {  	_ =	shalt  }
0x7f: {  	_ =	shalt  }
0x80: {  	_ =	shalt  }
0x81: {  	_ =	shalt  }
0x82: {  	_ =	shalt  }
0x83: {  	_ =	shalt  }
0x84: {  	_ =	shalt  }
0x85: {  	_ =	shalt  }
0x86: {  	_ =	shalt  }
0x87: {  	_ =	shalt  }
.Lfunc_end0:
.L_simem_size_0:
called_computation.2_lowered:
.L_overlay_start_0:
0x88: {  	s2 =	sld [smem:$0x3FD9]  }
0x89: {  	s3 =	sld [smem:$0x3FFE];
	_ =	sdelay $0x1  }
0x8a: {  	s1 =	srdreg.scid  }
0x8b: {  	s0 =	sand.u32 $0x1, s1  }
0x8c: {  	s17 =	sshll.u32 s0, $0xA;
	s2 =	sadd.s32 s3, s2  }
0x8d: {  	s2 =	sadd.s32 s2, s17  }
0x8e: {  	[smem:$0x3FB6] =	sst s2  }
0x8f: {  	_ = 	snop  }
0x90: {  	s2 =	sld [smem:$0x3FD0];
	(tm) =	ssettm $0x1  }
0x91: {  	s18 =	sld [smem:$0x3FFB];
	_ =	sdelay $0x3  }
0x92: {  	_ =	strace s18  }
0x93: {  	s3 =	sld [smem:$0x3FFC];
	_ =	sdelay $0x3  }
0x94: {  	_ =	strace s3  }
0x95: {  	s3 =	sld [smem:$0x3FFD];
	_ =	sdelay $0x3  }
0x96: {  	_ =	strace s3  }
0x97: {  	_ =	strace $0x8FFFFFFF  }
0x98: {  	s19 =	sld [smem:$0x3FDB];
	_ =	sdelay $0x1  }
0x99: {  	s4 =	simm.s32 $_scs_section_size  }
0x9a: {  	s5 =	simm.s32 $_size__tile_overlayer_lowered;
	s6 =	simm.s32 $_tile_overlayer_lowered  }
0x9b: {  	s22 =	simm.s32 $0x1BFF;
	s21 =	sshll.u32 s6, $0x1;
	s3 =	sadd.s32 s4, s19  }
0x9c: {  	s7 =	simm.s32 $0x0;
	s20 =	sshll.u32 s5, $0x1;
	s5 =	sadd.s32 s21, s3  }
0x9d: {  	[timem:s7], [sflag:s22] =	dma.local [hbm:s5], s20  }
0x9e: {  	_ =	swait.ge [sflag:s22], s20  }
0x9f: {  	s4 =	ssub.s32 $0x0, s20;
	[sflag:s22] =	ssyncset.done $0x0  }
0xa0: {  	[sflag:s22] =	ssyncadd.s32 s4;
	_ =	sdelay $0x1  }
0xa1: {  	s23 =	simm.s32 $0x1B8B  }
0xa2: {  	_ =	swait.ge [sflag:s23], $0x1  }
0xa3: {  	[sflag:s23] =	ssyncset.done $0x0  }
0xa4: {  	s25 =	simm.s32 $0x1B8E;
	s24 =	sld [smem:$0x3FFE];
	[sflag:s23] =	ssyncadd.s32 $0xFFFFFFFF  }
0xa5: {  	s26 =	simm.s32 $execute0_lowered;
	[smem:$0x3FD2] =	sst s25  }
0xa6: {  	s5 =	sshll.u32 s26, $0x1;
	_ =	strace $0x80000049;
	[dreg:$0x1] =	wrdreg $0xFFFFFFFF  }
0xa7: {  	s28 =	simm.s32 $_size_execute0_lowered;
	s3 =	sadd.s32 s3, s5;
	[dreg:$0x0] =	wrdreg $0x0  }
0xa8: {  	s5 =	sshll.u32 s28, $0x1;
	[dreg:$0x2] =	wrdreg s3  }
0xa9: {  	[dreg:$0x3] =	wrdreg s5  }
0xaa: {  	[dreg:$0x4] =	wrdreg $0xC0  }
0xab: {  	_ =	task [dreg:s7], $0x5FFFF  }
0xac: {  	[dreg:$0x1] =	wrdreg $0xFFFFFFFF  }
0xad: {  	[dreg:$0x0] =	wrdreg $0x60  }
0xae: {  	[dreg:$0x2] =	wrdreg s2  }
0xaf: {  	[dreg:$0x3] =	wrdreg s24  }
0xb0: {  	[dreg:$0x4] =	wrdreg $0x9  }
0xb1: {  	_ =	task.clear_ibuf [dreg:s7], $0x5FFFF;
	_ =	strace $0x90000049  }
0xb2: {  	s29 =	simm.s32 $0x9;
	_ =	strace $0x8000004B  }
0xb3: {  	_ =	swait.ge [sflag:s29], $0x1  }
0xb4: {  	[sflag:s29] =	ssyncadd.s32 $0xFFFFFFFF  }
0xb5: {  	_ =	strace $0x9000004B  }
0xb6: {  	_ =	sfence  }
0xb7: {  	s30 =	sld [smem:$0x0];
	_ =	sdelay $0x2  }
0xb8: {  	s31 =	sshll.u32 s1, $0xD;
	s1 =	sshrl.u32 s1, $0x2  }
0xb9: {  	s3 =	sand.u32 $0x4000, s31;
	s1 =	sadd.s32 s1, s30  }
0xba: {  	s0 =	sor.u32 s3, s0;
	s1 =	sshll.u32 s1, $0x11  }
0xbb: {  	s0 =	sor.u32 s1, s0  }
0xbc: {  	s0 =	sadd.s32 $0x8F2B, s0  }
0xbd: {  	[sflag:s0] =	ssyncadd.remote.s32 $0x1  }
0xbe: {  	_ =	sfence.sel $0xFFFF  }
0xbf: {  	[dreg:$0x0] =	wrdreg $0xFFFFFFFF;
	(pc) =	sbr.abs _section_cstart, $3  }
0xc0: {  	[dreg:$0x1] =	wrdreg $0xFFFFFFFF  }
0xc1: {  	_ =	task.clear_ibuf [dreg:s7], $0x2FFFF;
	_ =	strace $0x9FFFFFFF  }
0xc2: {  	(tm) =	ssettm $0x7FFFFFFF  }
0xc3: {  	_ =	shalt  }
tec
execute0_lowered:
.L_overlay_start_1:
0x0: {  	(tag) =	ssettag $0x1  }
0x1: {  	s2 =	rddreg [dreg:$0x0]  }
0x2: {  	s0 =	rddreg [dreg:$0x1]  }
0x3: {  	s4 =	srdreg.scid;
	s1 =	stileid.u32;
	s3 =	simm.s32 $0x0  }
0x4: {  	s13 =	simm.s32 $0x3;
	s14 =	simm.s32 $0x800;
	s15 =	simm.s32 $0x1000  }
0x5: {  	s16 =	simm.s32 $0x1800;
	s17 =	simm.s32 $0x2000;
	s18 =	simm.s32 $0x2800  }
0x6: {  	s19 =	simm.s32 $0x3000;
	s20 =	simm.s32 $0x3800;
	s21 =	simm.s32 $0x4000  }
0x7: {  	s22 =	simm.s32 $0x4800;
	s28 =	simm.s32 $0x7000;
	s29 =	simm.s32 $0x7800  }
0x8: {  	s30 =	simm.s32 $0x8000;
	s4 =	sand.u32 $0x1, s4;
	s5 =	sshll.u32 s1, $0x1  }
0x9: {  	s31 =	simm.s32 $0x1;
	[smem:$0x7FF] =	sst s3;
	s5 =	sor.u32 s4, s5  }
0xa: {  	_ =	strace $0x8000004A;
	s8 =	ssub.s32 $0x2, s4;
	s6 =	smul.u32 $0x5000, s5  }
0xb: {  	s7 =	sshll.u32 s5, $0x8;
	s5 =	smul.u32 $0x28000, s5;
	s24 =	sshrl.u32 s8, $0x1  }
0xc: {  	s23 =	sadd.s32 s7, s0;
	s0 =	sadd.s32 $0xA3200, s0;
	s12 =	ssub.s32 s8, s24  }
0xd: {  	s24 =	simm.s32 $0x5800;
	s9 =	sadd.s32 $0x82600, s23;
	s4 =	sadd.s32 s0, s6  }
0xe: {  	s5 =	sshrl.u32 s5, $0x3;
	s12 =	smax.u32 s12, $0x1;
	s23 =	simm.s32 $0x5000  }
0xf: {  	[dreg:$0x3] =	wrdreg s9;
	s6 =	sadd.s32 $0x800, s4;
	s0 =	sadd.s32 s0, s5  }
0x10: {  	s5 =	sadd.s32 $0x100, s2;
	[dreg:$0x4] =	wrdreg s6;
	s25 =	sadd.s32 $0x1000, s0  }
0x11: {  	s26 =	sadd.s32 $0x1800, s0;
	s6 =	sadd.s32 $0x2000, s0;
	s7 =	sadd.s32 $0x2800, s0  }
0x12: {  	v2 =	vlaneseq.u32;
	s8 =	sadd.s32 $0x3000, s0;
	s9 =	sadd.s32 $0x3800, s0;
	s10 =	sadd.s32 $0x4000, s0  }
0x13: {  	vm0 =	vmmov $0xffff;
	v1 =	vshrl.u32 v2, $0x3;
	s11 =	sadd.s32 $0x4800, s0;
	s0 =	simm.s32 $0x2;
	[dreg:$0x5] =	wrdreg s25  }
0x14: {  	v0 =	vand.u32 $0x7, v2;
	v2 =	vor.u32 $0x8, v2;
	v1 =	vmul.u32 $0x8, v1;
	[dreg:$0x6] =	wrdreg s26;
	s25 =	simm.s32 $0x6000;
	s26 =	simm.s32 $0x6800  }
.LBB2_1:
0x15: {  	s1 =	rddreg [dreg:$0x3]  }
0x16: {  	[tilespmem:s3], [sflag:$0x3] =	stream.linear.gather [hbm4b:s1+s3], $0x500, $0x38;
	[tilespmem:$0x8800] =	vst v63  }
0x17: {  	_ =	swait.ge [sflag:s13], $0x500  }
0x18: {  	[sflag:s13] =	ssyncset.done $0x0  }
0x19: {  	[sflag:s13] =	ssyncadd.s32 $0xFFFFFB00  }
0x1a: {  	v3 =	vld [tilespmem:$0x0];
	_ =	sdelay $0x4  }
0x1b: {  	v4 =	vshll.u32 v3, $0x2  }
0x1c: {  	v3 =	vand.u32 $0x7, v3;
	v4 =	vand.u32 $0xFFFFFFE0, v4  }
0x1d: {  	v3 =	vor.u32 v3, v4  }
0x1e: {  	v4 =	vperm.xlane v3, v0;
	_ =	sdelay $0x1  }
0x1f: {  	v4 =	vadd.s32 v1, v4;
	_ =	sdelay $0x1  }
0x20: {  	v3 =	vperm.xlane v3, v2;
	_ =	sdelay $0x1  }
0x21: {  	v3 =	vadd.s32 v1, v3  }
0x22: {  	[tilespmem:s14], [sflag:$0x1] =	stream.indirect_vreg.gather [hbm4b:s2+s3], $0x80, v4, vm0, $0xb8;
	[tilespmem:$0x8800] =	vst v63  }
0x23: {  	_ = 	snop  }
0x24: {  	[tilespmem:s15], [sflag:$0x1] =	stream.indirect_vreg.gather [hbm4b:s5+s3], $0x80, v4, vm0, $0xb8;
	[tilespmem:$0x8800] =	vst v63  }
0x25: {  	_ = 	snop  }
0x26: {  	[tilespmem:s16], [sflag:$0x1] =	stream.indirect_vreg.gather [hbm4b:s2+s3], $0x80, v3, vm0, $0xb8;
	[tilespmem:$0x8800] =	vst v63  }
0x27: {  	_ = 	snop  }
0x28: {  	[tilespmem:s17], [sflag:$0x1] =	stream.indirect_vreg.gather [hbm4b:s5+s3], $0x80, v3, vm0, $0xb8;
	[tilespmem:$0x8800] =	vst v63  }
0x29: {  	v3 =	vld [tilespmem:$0x10];
	_ =	sdelay $0x4  }
0x2a: {  	v45 =	vshll.u32 v3, $0x2  }
0x2b: {  	v3 =	vand.u32 $0x7, v3;
	v4 =	vand.u32 $0xFFFFFFE0, v45  }
0x2c: {  	v3 =	vor.u32 v3, v4  }
0x2d: {  	v4 =	vperm.xlane v3, v0;
	_ =	sdelay $0x1  }
0x2e: {  	v4 =	vadd.s32 v1, v4;
	_ =	sdelay $0x1  }
0x2f: {  	v3 =	vperm.xlane v3, v2;
	_ =	sdelay $0x1  }
0x30: {  	v3 =	vadd.s32 v1, v3  }
0x31: {  	[tilespmem:s18], [sflag:$0x1] =	stream.indirect_vreg.gather [hbm4b:s2+s3], $0x80, v4, vm0, $0xb8;
	[tilespmem:$0x8800] =	vst v63  }
0x32: {  	_ = 	snop  }
0x33: {  	[tilespmem:s19], [sflag:$0x1] =	stream.indirect_vreg.gather [hbm4b:s5+s3], $0x80, v4, vm0, $0xb8;
	[tilespmem:$0x8800] =	vst v63  }
0x34: {  	_ = 	snop  }
0x35: {  	[tilespmem:s20], [sflag:$0x1] =	stream.indirect_vreg.gather [hbm4b:s2+s3], $0x80, v3, vm0, $0xb8;
	[tilespmem:$0x8800] =	vst v63  }
0x36: {  	_ = 	snop  }
0x37: {  	[tilespmem:s21], [sflag:$0x1] =	stream.indirect_vreg.gather [hbm4b:s5+s3], $0x80, v3, vm0, $0xb8;
	[tilespmem:$0x8800] =	vst v63  }
0x38: {  	v3 =	vld [tilespmem:$0x80];
	_ =	sdelay $0x4  }
0x39: {  	v46 =	vshll.u32 v3, $0x2  }
0x3a: {  	v3 =	vand.u32 $0x7, v3;
	v4 =	vand.u32 $0xFFFFFFE0, v46  }
0x3b: {  	v3 =	vor.u32 v3, v4  }
0x3c: {  	v4 =	vperm.xlane v3, v0;
	_ =	sdelay $0x1  }
0x3d: {  	v4 =	vadd.s32 v1, v4;
	_ =	sdelay $0x1  }
0x3e: {  	v3 =	vperm.xlane v3, v2;
	_ =	sdelay $0x1  }
0x3f: {  	v3 =	vadd.s32 v1, v3  }
0x40: {  	[tilespmem:s22], [sflag:$0x2] =	stream.indirect_vreg.gather [hbm4b:s2+s3], $0x80, v4, vm0, $0xb8;
	[tilespmem:$0x8800] =	vst v63  }
0x41: {  	_ = 	snop  }
0x42: {  	[tilespmem:s23], [sflag:$0x2] =	stream.indirect_vreg.gather [hbm4b:s5+s3], $0x80, v4, vm0, $0xb8;
	[tilespmem:$0x8800] =	vst v63  }
0x43: {  	_ = 	snop  }
0x44: {  	[tilespmem:s24], [sflag:$0x2] =	stream.indirect_vreg.gather [hbm4b:s2+s3], $0x80, v3, vm0, $0xb8;
	[tilespmem:$0x8800] =	vst v63  }
0x45: {  	_ = 	snop  }
0x46: {  	[tilespmem:s25], [sflag:$0x2] =	stream.indirect_vreg.gather [hbm4b:s5+s3], $0x80, v3, vm0, $0xb8;
	[tilespmem:$0x8800] =	vst v63  }
0x47: {  	v3 =	vld [tilespmem:$0x90];
	_ =	sdelay $0x4  }
0x48: {  	v47 =	vshll.u32 v3, $0x2  }
0x49: {  	v3 =	vand.u32 $0x7, v3;
	v4 =	vand.u32 $0xFFFFFFE0, v47  }
0x4a: {  	v3 =	vor.u32 v3, v4  }
0x4b: {  	v4 =	vperm.xlane v3, v0;
	_ =	sdelay $0x1  }
0x4c: {  	v4 =	vadd.s32 v1, v4;
	_ =	sdelay $0x1  }
0x4d: {  	v3 =	vperm.xlane v3, v2;
	_ =	sdelay $0x1  }
0x4e: {  	v3 =	vadd.s32 v1, v3  }
0x4f: {  	[tilespmem:s26], [sflag:$0x2] =	stream.indirect_vreg.gather [hbm4b:s2+s3], $0x80, v4, vm0, $0xb8;
	[tilespmem:$0x8800] =	vst v63  }
0x50: {  	_ = 	snop  }
0x51: {  	[tilespmem:s28], [sflag:$0x2] =	stream.indirect_vreg.gather [hbm4b:s5+s3], $0x80, v4, vm0, $0xb8;
	[tilespmem:$0x8800] =	vst v63  }
0x52: {  	_ = 	snop  }
0x53: {  	[tilespmem:s29], [sflag:$0x2] =	stream.indirect_vreg.gather [hbm4b:s2+s3], $0x80, v3, vm0, $0xb8;
	[tilespmem:$0x8800] =	vst v63  }
0x54: {  	_ = 	snop  }
0x55: {  	[tilespmem:s30], [sflag:$0x2] =	stream.indirect_vreg.gather [hbm4b:s5+s3], $0x80, v3, vm0, $0xb8;
	[tilespmem:$0x8800] =	vst v63  }
0x56: {  	_ =	swait.ge [sflag:s31], $0x4000  }
0x57: {  	[sflag:s31] =	ssyncset.done $0x0  }
0x58: {  	[sflag:s31] =	ssyncadd.s32 $0xFFFFC000  }
0x59: {  	[hbm4b:s4+s3] =	stream.linear.scatter [tilespmem:s14], [sflag:$0x3], $0x4000, $0x38;
	[tilespmem:$0x8800] =	vst v63  }
0x5a: {  	_ =	swait.ge [sflag:s13], $0x4000  }
0x5b: {  	[sflag:s13] =	ssyncset.done $0x0  }
0x5c: {  	[sflag:s13] =	ssyncadd.s32 $0xFFFFC000  }
0x5d: {  	v3 =	vld [tilespmem:$0x100];
	_ =	sdelay $0x4  }
0x5e: {  	v48 =	vshll.u32 v3, $0x2  }
0x5f: {  	v3 =	vand.u32 $0x7, v3;
	v4 =	vand.u32 $0xFFFFFFE0, v48  }
0x60: {  	v3 =	vor.u32 v3, v4  }
0x61: {  	v4 =	vperm.xlane v3, v0;
	_ =	sdelay $0x1  }
0x62: {  	v4 =	vadd.s32 v1, v4;
	_ =	sdelay $0x1  }
0x63: {  	v3 =	vperm.xlane v3, v2;
	_ =	sdelay $0x1  }
0x64: {  	v3 =	vadd.s32 v1, v3  }
0x65: {  	[tilespmem:s14], [sflag:$0x1] =	stream.indirect_vreg.gather [hbm4b:s2+s3], $0x80, v4, vm0, $0xb8;
	[tilespmem:$0x8800] =	vst v63  }
0x66: {  	_ = 	snop  }
0x67: {  	[tilespmem:s15], [sflag:$0x1] =	stream.indirect_vreg.gather [hbm4b:s5+s3], $0x80, v4, vm0, $0xb8;
	[tilespmem:$0x8800] =	vst v63  }
0x68: {  	_ = 	snop  }
0x69: {  	[tilespmem:s16], [sflag:$0x1] =	stream.indirect_vreg.gather [hbm4b:s2+s3], $0x80, v3, vm0, $0xb8;
	[tilespmem:$0x8800] =	vst v63  }
0x6a: {  	_ = 	snop  }
0x6b: {  	[tilespmem:s17], [sflag:$0x1] =	stream.indirect_vreg.gather [hbm4b:s5+s3], $0x80, v3, vm0, $0xb8;
	[tilespmem:$0x8800] =	vst v63  }
0x6c: {  	v3 =	vld [tilespmem:$0x110];
	_ =	sdelay $0x4  }
0x6d: {  	v49 =	vshll.u32 v3, $0x2  }
0x6e: {  	v3 =	vand.u32 $0x7, v3;
	v4 =	vand.u32 $0xFFFFFFE0, v49  }
0x6f: {  	v3 =	vor.u32 v3, v4  }
0x70: {  	v4 =	vperm.xlane v3, v0;
	_ =	sdelay $0x1  }
0x71: {  	v4 =	vadd.s32 v1, v4;
	_ =	sdelay $0x1  }
0x72: {  	v3 =	vperm.xlane v3, v2;
	_ =	sdelay $0x1  }
0x73: {  	v3 =	vadd.s32 v1, v3  }
0x74: {  	[tilespmem:s18], [sflag:$0x1] =	stream.indirect_vreg.gather [hbm4b:s2+s3], $0x80, v4, vm0, $0xb8;
	[tilespmem:$0x8800] =	vst v63  }
0x75: {  	_ = 	snop  }
0x76: {  	[tilespmem:s19], [sflag:$0x1] =	stream.indirect_vreg.gather [hbm4b:s5+s3], $0x80, v4, vm0, $0xb8;
	[tilespmem:$0x8800] =	vst v63  }
0x77: {  	_ = 	snop  }
0x78: {  	[tilespmem:s20], [sflag:$0x1] =	stream.indirect_vreg.gather [hbm4b:s2+s3], $0x80, v3, vm0, $0xb8;
	[tilespmem:$0x8800] =	vst v63  }
0x79: {  	_ = 	snop  }
0x7a: {  	[tilespmem:s21], [sflag:$0x1] =	stream.indirect_vreg.gather [hbm4b:s5+s3], $0x80, v3, vm0, $0xb8;
	[tilespmem:$0x8800] =	vst v63  }
0x7b: {  	_ =	swait.ge [sflag:s0], $0x4000  }
0x7c: {  	[sflag:s0] =	ssyncset.done $0x0  }
0x7d: {  	s1 =	rddreg [dreg:$0x4];
	[sflag:s0] =	ssyncadd.s32 $0xFFFFC000  }
0x7e: {  	[hbm4b:s1+s3] =	stream.linear.scatter [tilespmem:s22], [sflag:$0x3], $0x4000, $0x38;
	[tilespmem:$0x8800] =	vst v63  }
0x7f: {  	_ =	swait.ge [sflag:s13], $0x4000  }
0x80: {  	[sflag:s13] =	ssyncset.done $0x0  }
0x81: {  	[sflag:s13] =	ssyncadd.s32 $0xFFFFC000  }
0x82: {  	v3 =	vld [tilespmem:$0x180];
	_ =	sdelay $0x4  }
0x83: {  	v50 =	vshll.u32 v3, $0x2  }
0x84: {  	v3 =	vand.u32 $0x7, v3;
	v4 =	vand.u32 $0xFFFFFFE0, v50  }
0x85: {  	v3 =	vor.u32 v3, v4  }
0x86: {  	v4 =	vperm.xlane v3, v0;
	_ =	sdelay $0x1  }
0x87: {  	v4 =	vadd.s32 v1, v4;
	_ =	sdelay $0x1  }
0x88: {  	v3 =	vperm.xlane v3, v2;
	_ =	sdelay $0x1  }
0x89: {  	v3 =	vadd.s32 v1, v3  }
0x8a: {  	[tilespmem:s22], [sflag:$0x2] =	stream.indirect_vreg.gather [hbm4b:s2+s3], $0x80, v4, vm0, $0xb8;
	[tilespmem:$0x8800] =	vst v63  }
0x8b: {  	_ = 	snop  }
0x8c: {  	[tilespmem:s23], [sflag:$0x2] =	stream.indirect_vreg.gather [hbm4b:s5+s3], $0x80, v4, vm0, $0xb8;
	[tilespmem:$0x8800] =	vst v63  }
0x8d: {  	_ = 	snop  }
0x8e: {  	[tilespmem:s24], [sflag:$0x2] =	stream.indirect_vreg.gather [hbm4b:s2+s3], $0x80, v3, vm0, $0xb8;
	[tilespmem:$0x8800] =	vst v63  }
0x8f: {  	_ = 	snop  }
0x90: {  	[tilespmem:s25], [sflag:$0x2] =	stream.indirect_vreg.gather [hbm4b:s5+s3], $0x80, v3, vm0, $0xb8;
	[tilespmem:$0x8800] =	vst v63  }
0x91: {  	v3 =	vld [tilespmem:$0x190];
	_ =	sdelay $0x4  }
0x92: {  	v51 =	vshll.u32 v3, $0x2  }
0x93: {  	v3 =	vand.u32 $0x7, v3;
	v4 =	vand.u32 $0xFFFFFFE0, v51  }
0x94: {  	v3 =	vor.u32 v3, v4  }
0x95: {  	v4 =	vperm.xlane v3, v0;
	_ =	sdelay $0x1  }
0x96: {  	v4 =	vadd.s32 v1, v4;
	_ =	sdelay $0x1  }
0x97: {  	v3 =	vperm.xlane v3, v2;
	_ =	sdelay $0x1  }
0x98: {  	v3 =	vadd.s32 v1, v3  }
0x99: {  	[tilespmem:s26], [sflag:$0x2] =	stream.indirect_vreg.gather [hbm4b:s2+s3], $0x80, v4, vm0, $0xb8;
	[tilespmem:$0x8800] =	vst v63  }
0x9a: {  	_ = 	snop  }
0x9b: {  	[tilespmem:s28], [sflag:$0x2] =	stream.indirect_vreg.gather [hbm4b:s5+s3], $0x80, v4, vm0, $0xb8;
	[tilespmem:$0x8800] =	vst v63  }
0x9c: {  	_ = 	snop  }
0x9d: {  	[tilespmem:s29], [sflag:$0x2] =	stream.indirect_vreg.gather [hbm4b:s2+s3], $0x80, v3, vm0, $0xb8;
	[tilespmem:$0x8800] =	vst v63  }
0x9e: {  	_ = 	snop  }
0x9f: {  	[tilespmem:s30], [sflag:$0x2] =	stream.indirect_vreg.gather [hbm4b:s5+s3], $0x80, v3, vm0, $0xb8;
	[tilespmem:$0x8800] =	vst v63  }
0xa0: {  	_ =	swait.ge [sflag:s31], $0x4000  }
0xa1: {  	[sflag:s31] =	ssyncset.done $0x0  }
0xa2: {  	s1 =	rddreg [dreg:$0x5];
	[sflag:s31] =	ssyncadd.s32 $0xFFFFC000  }
0xa3: {  	[hbm4b:s1+s3] =	stream.linear.scatter [tilespmem:s14], [sflag:$0x3], $0x4000, $0x38;
	[tilespmem:$0x8800] =	vst v63  }
0xa4: {  	_ =	swait.ge [sflag:s13], $0x4000  }
0xa5: {  	[sflag:s13] =	ssyncset.done $0x0  }
0xa6: {  	[sflag:s13] =	ssyncadd.s32 $0xFFFFC000  }
0xa7: {  	v3 =	vld [tilespmem:$0x200];
	_ =	sdelay $0x4  }
0xa8: {  	v52 =	vshll.u32 v3, $0x2  }
0xa9: {  	v3 =	vand.u32 $0x7, v3;
	v4 =	vand.u32 $0xFFFFFFE0, v52  }
0xaa: {  	v3 =	vor.u32 v3, v4  }
0xab: {  	v4 =	vperm.xlane v3, v0;
	_ =	sdelay $0x1  }
0xac: {  	v4 =	vadd.s32 v1, v4;
	_ =	sdelay $0x1  }
0xad: {  	v3 =	vperm.xlane v3, v2;
	_ =	sdelay $0x1  }
0xae: {  	v3 =	vadd.s32 v1, v3  }
0xaf: {  	[tilespmem:s14], [sflag:$0x1] =	stream.indirect_vreg.gather [hbm4b:s2+s3], $0x80, v4, vm0, $0xb8;
	[tilespmem:$0x8800] =	vst v63  }
0xb0: {  	_ = 	snop  }
0xb1: {  	[tilespmem:s15], [sflag:$0x1] =	stream.indirect_vreg.gather [hbm4b:s5+s3], $0x80, v4, vm0, $0xb8;
	[tilespmem:$0x8800] =	vst v63  }
0xb2: {  	_ = 	snop  }
0xb3: {  	[tilespmem:s16], [sflag:$0x1] =	stream.indirect_vreg.gather [hbm4b:s2+s3], $0x80, v3, vm0, $0xb8;
	[tilespmem:$0x8800] =	vst v63  }
0xb4: {  	_ = 	snop  }
0xb5: {  	[tilespmem:s17], [sflag:$0x1] =	stream.indirect_vreg.gather [hbm4b:s5+s3], $0x80, v3, vm0, $0xb8;
	[tilespmem:$0x8800] =	vst v63  }
0xb6: {  	v3 =	vld [tilespmem:$0x210];
	_ =	sdelay $0x4  }
0xb7: {  	v53 =	vshll.u32 v3, $0x2  }
0xb8: {  	v3 =	vand.u32 $0x7, v3;
	v4 =	vand.u32 $0xFFFFFFE0, v53  }
0xb9: {  	v3 =	vor.u32 v3, v4  }
0xba: {  	v4 =	vperm.xlane v3, v0;
	_ =	sdelay $0x1  }
0xbb: {  	v4 =	vadd.s32 v1, v4;
	_ =	sdelay $0x1  }
0xbc: {  	v3 =	vperm.xlane v3, v2;
	_ =	sdelay $0x1  }
0xbd: {  	v3 =	vadd.s32 v1, v3  }
0xbe: {  	[tilespmem:s18], [sflag:$0x1] =	stream.indirect_vreg.gather [hbm4b:s2+s3], $0x80, v4, vm0, $0xb8;
	[tilespmem:$0x8800] =	vst v63  }
0xbf: {  	_ = 	snop  }
0xc0: {  	[tilespmem:s19], [sflag:$0x1] =	stream.indirect_vreg.gather [hbm4b:s5+s3], $0x80, v4, vm0, $0xb8;
	[tilespmem:$0x8800] =	vst v63  }
0xc1: {  	_ = 	snop  }
0xc2: {  	[tilespmem:s20], [sflag:$0x1] =	stream.indirect_vreg.gather [hbm4b:s2+s3], $0x80, v3, vm0, $0xb8;
	[tilespmem:$0x8800] =	vst v63  }
0xc3: {  	_ = 	snop  }
0xc4: {  	[tilespmem:s21], [sflag:$0x1] =	stream.indirect_vreg.gather [hbm4b:s5+s3], $0x80, v3, vm0, $0xb8;
	[tilespmem:$0x8800] =	vst v63  }
0xc5: {  	_ =	swait.ge [sflag:s0], $0x4000  }
0xc6: {  	[sflag:s0] =	ssyncset.done $0x0  }
0xc7: {  	s1 =	rddreg [dreg:$0x6];
	[sflag:s0] =	ssyncadd.s32 $0xFFFFC000  }
0xc8: {  	[hbm4b:s1+s3] =	stream.linear.scatter [tilespmem:s22], [sflag:$0x3], $0x4000, $0x38;
	[tilespmem:$0x8800] =	vst v63  }
0xc9: {  	_ =	swait.ge [sflag:s13], $0x4000  }
0xca: {  	[sflag:s13] =	ssyncset.done $0x0  }
0xcb: {  	[sflag:s13] =	ssyncadd.s32 $0xFFFFC000  }
0xcc: {  	v3 =	vld [tilespmem:$0x280];
	_ =	sdelay $0x4  }
0xcd: {  	v54 =	vshll.u32 v3, $0x2  }
0xce: {  	v3 =	vand.u32 $0x7, v3;
	v4 =	vand.u32 $0xFFFFFFE0, v54  }
0xcf: {  	v3 =	vor.u32 v3, v4  }
0xd0: {  	v4 =	vperm.xlane v3, v0;
	_ =	sdelay $0x1  }
0xd1: {  	v4 =	vadd.s32 v1, v4;
	_ =	sdelay $0x1  }
0xd2: {  	v3 =	vperm.xlane v3, v2;
	_ =	sdelay $0x1  }
0xd3: {  	v3 =	vadd.s32 v1, v3  }
0xd4: {  	[tilespmem:s22], [sflag:$0x2] =	stream.indirect_vreg.gather [hbm4b:s2+s3], $0x80, v4, vm0, $0xb8;
	[tilespmem:$0x8800] =	vst v63  }
0xd5: {  	_ = 	snop  }
0xd6: {  	[tilespmem:s23], [sflag:$0x2] =	stream.indirect_vreg.gather [hbm4b:s5+s3], $0x80, v4, vm0, $0xb8;
	[tilespmem:$0x8800] =	vst v63  }
0xd7: {  	_ = 	snop  }
0xd8: {  	[tilespmem:s24], [sflag:$0x2] =	stream.indirect_vreg.gather [hbm4b:s2+s3], $0x80, v3, vm0, $0xb8;
	[tilespmem:$0x8800] =	vst v63  }
0xd9: {  	_ = 	snop  }
0xda: {  	[tilespmem:s25], [sflag:$0x2] =	stream.indirect_vreg.gather [hbm4b:s5+s3], $0x80, v3, vm0, $0xb8;
	[tilespmem:$0x8800] =	vst v63  }
0xdb: {  	v3 =	vld [tilespmem:$0x290];
	_ =	sdelay $0x4  }
0xdc: {  	v55 =	vshll.u32 v3, $0x2  }
0xdd: {  	v3 =	vand.u32 $0x7, v3;
	v4 =	vand.u32 $0xFFFFFFE0, v55  }
0xde: {  	v3 =	vor.u32 v3, v4  }
0xdf: {  	v4 =	vperm.xlane v3, v0;
	_ =	sdelay $0x1  }
0xe0: {  	v4 =	vadd.s32 v1, v4;
	_ =	sdelay $0x1  }
0xe1: {  	v3 =	vperm.xlane v3, v2;
	_ =	sdelay $0x1  }
0xe2: {  	v3 =	vadd.s32 v1, v3  }
0xe3: {  	[tilespmem:s26], [sflag:$0x2] =	stream.indirect_vreg.gather [hbm4b:s2+s3], $0x80, v4, vm0, $0xb8;
	[tilespmem:$0x8800] =	vst v63  }
0xe4: {  	_ = 	snop  }
0xe5: {  	[tilespmem:s28], [sflag:$0x2] =	stream.indirect_vreg.gather [hbm4b:s5+s3], $0x80, v4, vm0, $0xb8;
	[tilespmem:$0x8800] =	vst v63  }
0xe6: {  	_ = 	snop  }
0xe7: {  	[tilespmem:s29], [sflag:$0x2] =	stream.indirect_vreg.gather [hbm4b:s2+s3], $0x80, v3, vm0, $0xb8;
	[tilespmem:$0x8800] =	vst v63  }
0xe8: {  	_ = 	snop  }
0xe9: {  	[tilespmem:s30], [sflag:$0x2] =	stream.indirect_vreg.gather [hbm4b:s5+s3], $0x80, v3, vm0, $0xb8;
	[tilespmem:$0x8800] =	vst v63  }
0xea: {  	_ =	swait.ge [sflag:s31], $0x4000  }
0xeb: {  	[sflag:s31] =	ssyncset.done $0x0  }
0xec: {  	[sflag:s31] =	ssyncadd.s32 $0xFFFFC000  }
0xed: {  	[hbm4b:s6+s3] =	stream.linear.scatter [tilespmem:s14], [sflag:$0x3], $0x4000, $0x38;
	[tilespmem:$0x8800] =	vst v63  }
0xee: {  	_ =	swait.ge [sflag:s13], $0x4000  }
0xef: {  	[sflag:s13] =	ssyncset.done $0x0  }
0xf0: {  	[sflag:s13] =	ssyncadd.s32 $0xFFFFC000  }
0xf1: {  	v3 =	vld [tilespmem:$0x300];
	_ =	sdelay $0x4  }
0xf2: {  	v56 =	vshll.u32 v3, $0x2  }
0xf3: {  	v3 =	vand.u32 $0x7, v3;
	v4 =	vand.u32 $0xFFFFFFE0, v56  }
0xf4: {  	v3 =	vor.u32 v3, v4  }
0xf5: {  	v4 =	vperm.xlane v3, v0;
	_ =	sdelay $0x1  }
0xf6: {  	v4 =	vadd.s32 v1, v4;
	_ =	sdelay $0x1  }
0xf7: {  	v3 =	vperm.xlane v3, v2;
	_ =	sdelay $0x1  }
0xf8: {  	v3 =	vadd.s32 v1, v3  }
0xf9: {  	[tilespmem:s14], [sflag:$0x1] =	stream.indirect_vreg.gather [hbm4b:s2+s3], $0x80, v4, vm0, $0xb8;
	[tilespmem:$0x8800] =	vst v63  }
0xfa: {  	_ = 	snop  }
0xfb: {  	[tilespmem:s15], [sflag:$0x1] =	stream.indirect_vreg.gather [hbm4b:s5+s3], $0x80, v4, vm0, $0xb8;
	[tilespmem:$0x8800] =	vst v63  }
0xfc: {  	_ = 	snop  }
0xfd: {  	[tilespmem:s16], [sflag:$0x1] =	stream.indirect_vreg.gather [hbm4b:s2+s3], $0x80, v3, vm0, $0xb8;
	[tilespmem:$0x8800] =	vst v63  }
0xfe: {  	_ = 	snop  }
0xff: {  	[tilespmem:s17], [sflag:$0x1] =	stream.indirect_vreg.gather [hbm4b:s5+s3], $0x80, v3, vm0, $0xb8;
	[tilespmem:$0x8800] =	vst v63  }
0x100: {  	v3 =	vld [tilespmem:$0x310];
	_ =	sdelay $0x4  }
0x101: {  	v57 =	vshll.u32 v3, $0x2  }
0x102: {  	v3 =	vand.u32 $0x7, v3;
	v4 =	vand.u32 $0xFFFFFFE0, v57  }
0x103: {  	v3 =	vor.u32 v3, v4  }
0x104: {  	v4 =	vperm.xlane v3, v0;
	_ =	sdelay $0x1  }
0x105: {  	v4 =	vadd.s32 v1, v4;
	_ =	sdelay $0x1  }
0x106: {  	v3 =	vperm.xlane v3, v2;
	_ =	sdelay $0x1  }
0x107: {  	v3 =	vadd.s32 v1, v3  }
0x108: {  	[tilespmem:s18], [sflag:$0x1] =	stream.indirect_vreg.gather [hbm4b:s2+s3], $0x80, v4, vm0, $0xb8;
	[tilespmem:$0x8800] =	vst v63  }
0x109: {  	_ = 	snop  }
0x10a: {  	[tilespmem:s19], [sflag:$0x1] =	stream.indirect_vreg.gather [hbm4b:s5+s3], $0x80, v4, vm0, $0xb8;
	[tilespmem:$0x8800] =	vst v63  }
0x10b: {  	_ = 	snop  }
0x10c: {  	[tilespmem:s20], [sflag:$0x1] =	stream.indirect_vreg.gather [hbm4b:s2+s3], $0x80, v3, vm0, $0xb8;
	[tilespmem:$0x8800] =	vst v63  }
0x10d: {  	_ = 	snop  }
0x10e: {  	[tilespmem:s21], [sflag:$0x1] =	stream.indirect_vreg.gather [hbm4b:s5+s3], $0x80, v3, vm0, $0xb8;
	[tilespmem:$0x8800] =	vst v63  }
0x10f: {  	_ =	swait.ge [sflag:s0], $0x4000  }
0x110: {  	[sflag:s0] =	ssyncset.done $0x0  }
0x111: {  	[sflag:s0] =	ssyncadd.s32 $0xFFFFC000  }
0x112: {  	[hbm4b:s7+s3] =	stream.linear.scatter [tilespmem:s22], [sflag:$0x3], $0x4000, $0x38;
	[tilespmem:$0x8800] =	vst v63  }
0x113: {  	_ =	swait.ge [sflag:s13], $0x4000  }
0x114: {  	[sflag:s13] =	ssyncset.done $0x0  }
0x115: {  	[sflag:s13] =	ssyncadd.s32 $0xFFFFC000  }
0x116: {  	v3 =	vld [tilespmem:$0x380];
	_ =	sdelay $0x4  }
0x117: {  	v58 =	vshll.u32 v3, $0x2  }
0x118: {  	v3 =	vand.u32 $0x7, v3;
	v4 =	vand.u32 $0xFFFFFFE0, v58  }
0x119: {  	v3 =	vor.u32 v3, v4  }
0x11a: {  	v4 =	vperm.xlane v3, v0;
	_ =	sdelay $0x1  }
0x11b: {  	v4 =	vadd.s32 v1, v4;
	_ =	sdelay $0x1  }
0x11c: {  	v3 =	vperm.xlane v3, v2;
	_ =	sdelay $0x1  }
0x11d: {  	v3 =	vadd.s32 v1, v3  }
0x11e: {  	[tilespmem:s22], [sflag:$0x2] =	stream.indirect_vreg.gather [hbm4b:s2+s3], $0x80, v4, vm0, $0xb8;
	[tilespmem:$0x8800] =	vst v63  }
0x11f: {  	_ = 	snop  }
0x120: {  	[tilespmem:s23], [sflag:$0x2] =	stream.indirect_vreg.gather [hbm4b:s5+s3], $0x80, v4, vm0, $0xb8;
	[tilespmem:$0x8800] =	vst v63  }
0x121: {  	_ = 	snop  }
0x122: {  	[tilespmem:s24], [sflag:$0x2] =	stream.indirect_vreg.gather [hbm4b:s2+s3], $0x80, v3, vm0, $0xb8;
	[tilespmem:$0x8800] =	vst v63  }
0x123: {  	_ = 	snop  }
0x124: {  	[tilespmem:s25], [sflag:$0x2] =	stream.indirect_vreg.gather [hbm4b:s5+s3], $0x80, v3, vm0, $0xb8;
	[tilespmem:$0x8800] =	vst v63  }
0x125: {  	v3 =	vld [tilespmem:$0x390];
	_ =	sdelay $0x4  }
0x126: {  	v59 =	vshll.u32 v3, $0x2  }
0x127: {  	v3 =	vand.u32 $0x7, v3;
	v4 =	vand.u32 $0xFFFFFFE0, v59  }
0x128: {  	v3 =	vor.u32 v3, v4  }
0x129: {  	v4 =	vperm.xlane v3, v0;
	_ =	sdelay $0x1  }
0x12a: {  	v4 =	vadd.s32 v1, v4;
	_ =	sdelay $0x1  }
0x12b: {  	v3 =	vperm.xlane v3, v2;
	_ =	sdelay $0x1  }
0x12c: {  	v3 =	vadd.s32 v1, v3  }
0x12d: {  	[tilespmem:s26], [sflag:$0x2] =	stream.indirect_vreg.gather [hbm4b:s2+s3], $0x80, v4, vm0, $0xb8;
	[tilespmem:$0x8800] =	vst v63  }
0x12e: {  	_ = 	snop  }
0x12f: {  	[tilespmem:s28], [sflag:$0x2] =	stream.indirect_vreg.gather [hbm4b:s5+s3], $0x80, v4, vm0, $0xb8;
	[tilespmem:$0x8800] =	vst v63  }
0x130: {  	_ = 	snop  }
0x131: {  	[tilespmem:s29], [sflag:$0x2] =	stream.indirect_vreg.gather [hbm4b:s2+s3], $0x80, v3, vm0, $0xb8;
	[tilespmem:$0x8800] =	vst v63  }
0x132: {  	_ = 	snop  }
0x133: {  	[tilespmem:s30], [sflag:$0x2] =	stream.indirect_vreg.gather [hbm4b:s5+s3], $0x80, v3, vm0, $0xb8;
	[tilespmem:$0x8800] =	vst v63  }
0x134: {  	_ =	swait.ge [sflag:s31], $0x4000  }
0x135: {  	[sflag:s31] =	ssyncset.done $0x0  }
0x136: {  	[sflag:s31] =	ssyncadd.s32 $0xFFFFC000  }
0x137: {  	[hbm4b:s8+s3] =	stream.linear.scatter [tilespmem:s14], [sflag:$0x3], $0x4000, $0x38;
	[tilespmem:$0x8800] =	vst v63  }
0x138: {  	_ =	swait.ge [sflag:s13], $0x4000  }
0x139: {  	[sflag:s13] =	ssyncset.done $0x0  }
0x13a: {  	[sflag:s13] =	ssyncadd.s32 $0xFFFFC000  }
0x13b: {  	v3 =	vld [tilespmem:$0x400];
	_ =	sdelay $0x4  }
0x13c: {  	v60 =	vshll.u32 v3, $0x2  }
0x13d: {  	v3 =	vand.u32 $0x7, v3;
	v4 =	vand.u32 $0xFFFFFFE0, v60  }
0x13e: {  	v3 =	vor.u32 v3, v4  }
0x13f: {  	v4 =	vperm.xlane v3, v0;
	_ =	sdelay $0x1  }
0x140: {  	v4 =	vadd.s32 v1, v4;
	_ =	sdelay $0x1  }
0x141: {  	v3 =	vperm.xlane v3, v2;
	_ =	sdelay $0x1  }
0x142: {  	v3 =	vadd.s32 v1, v3  }
0x143: {  	[tilespmem:s14], [sflag:$0x1] =	stream.indirect_vreg.gather [hbm4b:s2+s3], $0x80, v4, vm0, $0xb8;
	[tilespmem:$0x8800] =	vst v63  }
0x144: {  	_ = 	snop  }
0x145: {  	[tilespmem:s15], [sflag:$0x1] =	stream.indirect_vreg.gather [hbm4b:s5+s3], $0x80, v4, vm0, $0xb8;
	[tilespmem:$0x8800] =	vst v63  }
0x146: {  	_ = 	snop  }
0x147: {  	[tilespmem:s16], [sflag:$0x1] =	stream.indirect_vreg.gather [hbm4b:s2+s3], $0x80, v3, vm0, $0xb8;
	[tilespmem:$0x8800] =	vst v63  }
0x148: {  	_ = 	snop  }
0x149: {  	[tilespmem:s17], [sflag:$0x1] =	stream.indirect_vreg.gather [hbm4b:s5+s3], $0x80, v3, vm0, $0xb8;
	[tilespmem:$0x8800] =	vst v63  }
0x14a: {  	v3 =	vld [tilespmem:$0x410];
	_ =	sdelay $0x4  }
0x14b: {  	v61 =	vshll.u32 v3, $0x2  }
0x14c: {  	v3 =	vand.u32 $0x7, v3;
	v4 =	vand.u32 $0xFFFFFFE0, v61  }
0x14d: {  	v3 =	vor.u32 v3, v4  }
0x14e: {  	v4 =	vperm.xlane v3, v0;
	_ =	sdelay $0x1  }
0x14f: {  	v4 =	vadd.s32 v1, v4;
	_ =	sdelay $0x1  }
0x150: {  	v3 =	vperm.xlane v3, v2;
	_ =	sdelay $0x1  }
0x151: {  	v3 =	vadd.s32 v1, v3  }
0x152: {  	[tilespmem:s18], [sflag:$0x1] =	stream.indirect_vreg.gather [hbm4b:s2+s3], $0x80, v4, vm0, $0xb8;
	[tilespmem:$0x8800] =	vst v63  }
0x153: {  	_ = 	snop  }
0x154: {  	[tilespmem:s19], [sflag:$0x1] =	stream.indirect_vreg.gather [hbm4b:s5+s3], $0x80, v4, vm0, $0xb8;
	[tilespmem:$0x8800] =	vst v63  }
0x155: {  	_ = 	snop  }
0x156: {  	[tilespmem:s20], [sflag:$0x1] =	stream.indirect_vreg.gather [hbm4b:s2+s3], $0x80, v3, vm0, $0xb8;
	[tilespmem:$0x8800] =	vst v63  }
0x157: {  	_ = 	snop  }
0x158: {  	[tilespmem:s21], [sflag:$0x1] =	stream.indirect_vreg.gather [hbm4b:s5+s3], $0x80, v3, vm0, $0xb8;
	[tilespmem:$0x8800] =	vst v63  }
0x159: {  	_ =	swait.ge [sflag:s0], $0x4000  }
0x15a: {  	[sflag:s0] =	ssyncset.done $0x0  }
0x15b: {  	[sflag:s0] =	ssyncadd.s32 $0xFFFFC000  }
0x15c: {  	[hbm4b:s9+s3] =	stream.linear.scatter [tilespmem:s22], [sflag:$0x3], $0x4000, $0x38;
	[tilespmem:$0x8800] =	vst v63  }
0x15d: {  	_ =	swait.ge [sflag:s13], $0x4000  }
0x15e: {  	[sflag:s13] =	ssyncset.done $0x0  }
0x15f: {  	[sflag:s13] =	ssyncadd.s32 $0xFFFFC000  }
0x160: {  	v3 =	vld [tilespmem:$0x480];
	_ =	sdelay $0x4  }
0x161: {  	v62 =	vshll.u32 v3, $0x2  }
0x162: {  	v3 =	vand.u32 $0x7, v3;
	v4 =	vand.u32 $0xFFFFFFE0, v62  }
0x163: {  	v3 =	vor.u32 v3, v4  }
0x164: {  	v4 =	vperm.xlane v3, v0;
	_ =	sdelay $0x1  }
0x165: {  	v4 =	vadd.s32 v1, v4;
	_ =	sdelay $0x1  }
0x166: {  	v3 =	vperm.xlane v3, v2;
	_ =	sdelay $0x1  }
0x167: {  	v3 =	vadd.s32 v1, v3  }
0x168: {  	[tilespmem:s22], [sflag:$0x2] =	stream.indirect_vreg.gather [hbm4b:s2+s3], $0x80, v4, vm0, $0xb8;
	[tilespmem:$0x8800] =	vst v63  }
0x169: {  	_ = 	snop  }
0x16a: {  	[tilespmem:s23], [sflag:$0x2] =	stream.indirect_vreg.gather [hbm4b:s5+s3], $0x80, v4, vm0, $0xb8;
	[tilespmem:$0x8800] =	vst v63  }
0x16b: {  	_ = 	snop  }
0x16c: {  	[tilespmem:s24], [sflag:$0x2] =	stream.indirect_vreg.gather [hbm4b:s2+s3], $0x80, v3, vm0, $0xb8;
	[tilespmem:$0x8800] =	vst v63  }
0x16d: {  	_ = 	snop  }
0x16e: {  	[tilespmem:s25], [sflag:$0x2] =	stream.indirect_vreg.gather [hbm4b:s5+s3], $0x80, v3, vm0, $0xb8;
	[tilespmem:$0x8800] =	vst v63  }
0x16f: {  	v3 =	vld [tilespmem:$0x490];
	_ =	sdelay $0x4  }
0x170: {  	v63 =	vshll.u32 v3, $0x2  }
0x171: {  	v3 =	vand.u32 $0x7, v3;
	v4 =	vand.u32 $0xFFFFFFE0, v63  }
0x172: {  	v3 =	vor.u32 v3, v4  }
0x173: {  	v4 =	vperm.xlane v3, v0;
	_ =	sdelay $0x1  }
0x174: {  	v4 =	vadd.s32 v1, v4;
	_ =	sdelay $0x1  }
0x175: {  	v3 =	vperm.xlane v3, v2;
	_ =	sdelay $0x1  }
0x176: {  	v3 =	vadd.s32 v1, v3  }
0x177: {  	[tilespmem:s26], [sflag:$0x2] =	stream.indirect_vreg.gather [hbm4b:s2+s3], $0x80, v4, vm0, $0xb8;
	[tilespmem:$0x8800] =	vst v63  }
0x178: {  	_ = 	snop  }
0x179: {  	[tilespmem:s28], [sflag:$0x2] =	stream.indirect_vreg.gather [hbm4b:s5+s3], $0x80, v4, vm0, $0xb8;
	[tilespmem:$0x8800] =	vst v63  }
0x17a: {  	_ = 	snop  }
0x17b: {  	[tilespmem:s29], [sflag:$0x2] =	stream.indirect_vreg.gather [hbm4b:s2+s3], $0x80, v3, vm0, $0xb8;
	[tilespmem:$0x8800] =	vst v63  }
0x17c: {  	_ = 	snop  }
0x17d: {  	[tilespmem:s30], [sflag:$0x2] =	stream.indirect_vreg.gather [hbm4b:s5+s3], $0x80, v3, vm0, $0xb8;
	[tilespmem:$0x8800] =	vst v63  }
0x17e: {  	_ =	swait.ge [sflag:s31], $0x4000  }
0x17f: {  	[sflag:s31] =	ssyncset.done $0x0  }
0x180: {  	[sflag:s31] =	ssyncadd.s32 $0xFFFFC000  }
0x181: {  	[hbm4b:s10+s3] =	stream.linear.scatter [tilespmem:s14], [sflag:$0x3], $0x4000, $0x38;
	[tilespmem:$0x8800] =	vst v63  }
0x182: {  	_ =	swait.ge [sflag:s13], $0x4000  }
0x183: {  	[sflag:s13] =	ssyncset.done $0x0  }
0x184: {  	[sflag:s13] =	ssyncadd.s32 $0xFFFFC000  }
0x185: {  	_ =	swait.ge [sflag:s0], $0x4000  }
0x186: {  	p0 =	sne.s32 s12, $0x1;
	[sflag:s0] =	ssyncset.done $0x0  }
.Ltmp0:
0x187: {  	[sflag:s0] =	ssyncadd.s32 $0xFFFFC000;
	(pc) =	sbr.rel @p0 .LBB2_1-.Ltmp0, $4  }
0x188: {  	[hbm4b:s11+s3] =	stream.linear.scatter [tilespmem:s22], [sflag:$0x3], $0x4000, $0x38;
	[tilespmem:$0x8800] =	vst v63  }
0x189: {  	_ =	swait.ge [sflag:s13], $0x4000  }
0x18a: {  	[sflag:s13] =	ssyncset.done $0x0  }
0x18b: {  	s12 =	sadd.s32 $0xFFFFFFFF, s12;
	[sflag:s13] =	ssyncadd.s32 $0xFFFFC000  }
0x18c: {  	_ =	sfence.sel $0x180000  }
0x18d: {  	[bflag:$0x0] =	sbarrier.arrive $0xFFFF  }
0x18e: {  	_ =	strace $0x9000004A  }
0x18f: {  	s0 =	stileid.u32;
	[bflag:$0x2] =	sbarrier.arrive $0xFFFF  }
0x190: {  	p0 =	sne.s32 s0, $0x0;
	s0 =	rddreg [dreg:$0x2]  }
0x191: {  	s0 =	sadd.s32 @!p0 $0x100000, s0  }
0x192: {  	[sflag:s0] =	ssyncadd.tile.s32 @!p0 $0x1;
	_ =	shalt  }
.Lfunc_end2:
_tile_overlayer_lowered:
.L_overlay_start_2:
0x193: {  	(tag) =	ssettag $0x2  }
0x194: {  	s0 =	rddreg [dreg:$0x0];
	s2 =	stileid.u32  }
0x195: {  	s1 =	rddreg [dreg:$0x1];
	p0 =	sne.s32 s2, $0x0  }
0x196: {  	s3 =	rddreg [dreg:$0x2];
	[bflag:$0x3] =	sbarrier.arrive $0xFFFF;
	s2 =	simm.s32 @!p0 $0x1C03  }
0x197: {  	[timem:s3], [sflag:s2] =	dma.local @!p0 [hbm:s0], s1  }
0x198: {  	s0 =	simm.s32 @!p0 $0x3  }
0x199: {  	_ =	swait.ge @!p0 [sflag:s0], s1  }
0x19a: {  	s1 =	ssub.s32 @!p0 $0x0, s1;
	[sflag:s0] =	ssyncset.done @!p0 $0x0  }
0x19b: {  	[sflag:s0] =	ssyncadd.s32 @!p0 s1  }
0x19c: {  	[bflag:$0x3] =	sbarrier.arrive $0xFFFF  }
0x19d: {  	_ =	shalt  }

// kernel: sparse-core-data-format-call.cloned.1.call-start
scs
called_computation_lowered:
.L_overlay_start_0:
0x0: {  	s1 =	sld [smem:$0x3FD9]  }
0x1: {  	s2 =	sld [smem:$0x3FFE];
	_ =	sdelay $0x1  }
0x2: {  	s3 =	srdreg.scid  }
0x3: {  	s0 =	sand.u32 $0x1, s3  }
0x4: {  	s17 =	sshll.u32 s0, $0xA;
	s1 =	sadd.s32 s2, s1  }
0x5: {  	s1 =	sadd.s32 s1, s17  }
0x6: {  	[smem:$0x3FB6] =	sst s1  }
0x7: {  	_ = 	snop  }
0x8: {  	(tm) =	ssettm $0x1  }
0x9: {  	s18 =	sld [smem:$0x3FFB];
	_ =	sdelay $0x3  }
0xa: {  	_ =	strace s18  }
0xb: {  	s1 =	sld [smem:$0x3FFC];
	_ =	sdelay $0x3  }
0xc: {  	_ =	strace s1  }
0xd: {  	s1 =	sld [smem:$0x3FFD];
	_ =	sdelay $0x3  }
0xe: {  	_ =	strace s1  }
0xf: {  	_ =	strace $0x8FFFFFFF  }
0x10: {  	s19 =	sld [smem:$0x3FDB];
	_ =	sdelay $0x1  }
0x11: {  	s20 =	simm.s32 $_scs_section_size  }
0x12: {  	s4 =	simm.s32 $_size__tile_overlayer_lowered;
	s5 =	simm.s32 $_tile_overlayer_lowered  }
0x13: {  	s23 =	simm.s32 $0x1BFF;
	s22 =	sshll.u32 s5, $0x1;
	s1 =	sadd.s32 s20, s19  }
0x14: {  	s6 =	simm.s32 $0x0;
	s21 =	sshll.u32 s4, $0x1;
	s4 =	sadd.s32 s22, s1  }
0x15: {  	[timem:s6], [sflag:s23] =	dma.local [hbm:s4], s21  }
0x16: {  	_ =	swait.ge [sflag:s23], s21  }
0x17: {  	s2 =	ssub.s32 $0x0, s21;
	[sflag:s23] =	ssyncset.done $0x0  }
0x18: {  	[sflag:s23] =	ssyncadd.s32 s2;
	_ =	sdelay $0x1  }
0x19: {  	s24 =	simm.s32 $0x1B8B  }
0x1a: {  	_ =	swait.ge [sflag:s24], $0x1  }
0x1b: {  	[sflag:s24] =	ssyncset.done $0x0  }
0x1c: {  	s26 =	simm.s32 $0x1B8E;
	s25 =	sld [smem:$0x3FFE];
	[sflag:s24] =	ssyncadd.s32 $0xFFFFFFFF  }
0x1d: {  	s27 =	simm.s32 $execute0_lowered;
	[smem:$0x3FD2] =	sst s26  }
0x1e: {  	s4 =	sshll.u32 s27, $0x1;
	_ =	strace $0x8000004C;
	[dreg:$0x1] =	wrdreg $0xFFFFFFFF  }
0x1f: {  	s28 =	simm.s32 $_size_execute0_lowered;
	s1 =	sadd.s32 s1, s4;
	[dreg:$0x0] =	wrdreg $0x0  }
0x20: {  	s4 =	sshll.u32 s28, $0x1;
	[dreg:$0x2] =	wrdreg s1  }
0x21: {  	[dreg:$0x3] =	wrdreg s4  }
0x22: {  	[dreg:$0x4] =	wrdreg $0xC0  }
0x23: {  	_ =	task [dreg:s6], $0x5FFFF  }
0x24: {  	[dreg:$0x1] =	wrdreg $0xFFFFFFFF  }
0x25: {  	[dreg:$0x0] =	wrdreg $0x60  }
0x26: {  	[dreg:$0x2] =	wrdreg s25  }
0x27: {  	[dreg:$0x3] =	wrdreg $0x9  }
0x28: {  	_ =	task.clear_ibuf [dreg:s6], $0x4FFFF;
	_ =	strace $0x9000004C  }
0x29: {  	s29 =	simm.s32 $0x9;
	_ =	strace $0x8000004E  }
0x2a: {  	_ =	swait.ge [sflag:s29], $0x1  }
0x2b: {  	[sflag:s29] =	ssyncadd.s32 $0xFFFFFFFF  }
0x2c: {  	_ =	strace $0x9000004E  }
0x2d: {  	_ =	sfence  }
0x2e: {  	s30 =	sld [smem:$0x0];
	_ =	sdelay $0x2  }
0x2f: {  	s31 =	sshll.u32 s3, $0xD;
	s3 =	sshrl.u32 s3, $0x2  }
0x30: {  	s2 =	sand.u32 $0x4000, s31;
	s1 =	sadd.s32 s3, s30  }
0x31: {  	s0 =	sor.u32 s2, s0;
	s1 =	sshll.u32 s1, $0x11  }
0x32: {  	s0 =	sor.u32 s1, s0  }
0x33: {  	s0 =	sadd.s32 $0x8F2B, s0  }
0x34: {  	[sflag:s0] =	ssyncadd.remote.s32 $0x1  }
0x35: {  	_ =	sfence.sel $0xFFFF  }
0x36: {  	[dreg:$0x0] =	wrdreg $0xFFFFFFFF;
	(pc) =	sbr.abs _section_cstart, $3  }
0x37: {  	[dreg:$0x1] =	wrdreg $0xFFFFFFFF  }
0x38: {  	_ =	task.clear_ibuf [dreg:s6], $0x2FFFF;
	_ =	strace $0x9FFFFFFF  }
0x39: {  	(tm) =	ssettm $0x7FFFFFFF  }
tec
execute0_lowered:
.L_overlay_start_1:
0x0: {  	(tag) =	ssettag $0x1  }
0x1: {  	s0 =	stileid.u32;
	s1 =	srdreg.scid  }
0x2: {  	s7 =	rddreg [dreg:$0x0];
	s31 =	simm.s32 $0x2;
	s14 =	simm.s32 $0x0  }
0x3: {  	s13 =	simm.s32 $0x0;
	s12 =	simm.s32 $0x0;
	s2 =	sshll.u32 s0, $0x7  }
0x4: {  	s3 =	sshll.u32 s0, $0x4;
	s1 =	sshll.u32 s1, $0x8;
	s2 =	sand.u32 $0x380, s2  }
0x5: {  	s3 =	sor.u32 s3, s1;
	s1 =	rddreg [dreg:$0x1];
	_ =	strace $0x8000004D  }
0x6: {  	s3 =	sand.u32 $0x180, s3;
	s4 =	ssub.s32 $0x400, s2;
	s11 =	smov.u32 s2  }
0x7: {  	s5 =	sand.u32 $0x380, s4;
	s6 =	ssub.s32 $0x2800, s3;
	s9 =	sshrl.u32 s4, $0xA  }
0x8: {  	p0 =	sne.s32 s5, $0x0;
	s5 =	simm.s32 $0x1;
	s8 =	sand.u32 $0x180, s6  }
0x9: {  	s5 =	simm.s32 @!p0 $0x0;
	p0 =	sne.s32 s8, $0x0;
	s8 =	simm.s32 $0x1  }
.Ltmp0:
0xa: {  	s6 =	sshrl.u32 s6, $0x9;
	s8 =	simm.s32 @!p0 $0x0;
	(pc) =	sbr.rel .LBB1_1-.Ltmp0, $4  }
0xb: {  	s4 =	simm.s32 $0x1;
	s5 =	sadd.s32 s5, s9;
	s6 =	sadd.s32 s8, s6  }
0xc: {  	s10 =	smov.u32 s3;
	[sflag:s4] =	ssyncpa.u1 $0x0;
	s5 =	smul.u32 s5, s6  }
0xd: {  	[sflag:s31] =	ssyncpa.u1 $0x0;
	p0 =	por $0x0, $0x0;
	s9 =	simm.s32 $0x2000  }
0xe: {  	s6 =	sadd.s32 $0x283200, s7;
	s7 =	sadd.s32 $0xA3200, s7;
	s8 =	sadd.s32 $0x1, s5  }
.LBB1_4:
0xf: {  	v5 =	vld [tilespmem:s18+$0xFFFFFFD0];
	[tilespmem:s17+$0x2040 ss:$0x81] =	vst.msk $0xffff, v4;
	s20 =	sshll.u32 s14, $0xA;
	s21 =	sshll.u32 s13, $0x3  }
0x10: {  	v58 =	vld [tilespmem:s18+$0xFFFFFFE0];
	[tilespmem:s17+$0x2850 ss:$0x81] =	vst.msk $0xffff, v3;
	s20 =	sand.u32 $0xFFFFE000, s20;
	s21 =	sand.u32 $0xFFFFFC00, s21  }
0x11: {  	s19 =	sshra.s32 s19, $0x2;
	v59 =	vld [tilespmem:s18+$0xFFFFFFF0];
	[tilespmem:s17+$0x3060 ss:$0x81] =	vst.msk $0xffff, v2;
	s20 =	sadd.s32 s21, s20  }
0x12: {  	v60 =	vld [tilespmem:s18+$0x0];
	[tilespmem:s17+$0x0 ss:$0x81] =	vst.msk $0xffff, v0;
	s16 =	sadd.s32 s19, s16;
	s26 =	sshrl.u32 s20, $0xA  }
0x13: {  	v61 =	vld [tilespmem:s18+$0x10];
	[tilespmem:s16+$0x3870 ss:$0x81] =	vst.msk $0xffff, v1;
	s27 =	smulhi.u32 $0xCCCCD, s26  }
0x14: {  	v62 =	vld [tilespmem:s18+$0x20];
	[tilespmem:s16+$0x810 ss:$0x81] =	vst.msk $0xffff, v5  }
0x15: {  	v63 =	vld [tilespmem:s18+$0xFFFFFFC0];
	s28 =	sshll.u32 s14, $0x7;
	[tilespmem:s16+$0x1020 ss:$0x81] =	vst.msk $0xffff, v58;
	s29 =	sshrl.u32 s27, $0x1  }
0x16: {  	s30 =	sand.u32 $0x78, s13;
	s14 =	sand.u32 $0x380, s28;
	[tilespmem:s16+$0x1830 ss:$0x81] =	vst.msk $0xffff, v59;
	s18 =	smul.u32 $0x2800, s29  }
0x17: {  	s14 =	sor.u32 s30, s14;
	[tilespmem:s16+$0x2040 ss:$0x81] =	vst.msk $0xffff, v60  }
0x18: {  	s31 =	sand.u32 $0x7, s13;
	s14 =	sshrl.u32 s14, $0x3;
	[tilespmem:s16+$0x2850 ss:$0x81] =	vst.msk $0xffff, v61;
	s17 =	ssub.s32 s26, s18  }
0x19: {  	s13 =	sshll.u32 s31, $0x12;
	s14 =	sadd.s32 s7, s14;
	[tilespmem:s16+$0x3060 ss:$0x81] =	vst.msk $0xffff, v62;
	s17 =	sshll.u32 s17, $0x7  }
0x1a: {  	s13 =	sor.u32 $0x400, s13;
	[tilespmem:s16+$0x0 ss:$0x81] =	vst.msk $0xffff, v63;
	s14 =	sadd.s32 s17, s14  }
0x1b: {  	[hbm4b:s14+s13] =	stream.strided.scatter [tilespmem:s15], [sflag:$0x2], $0x4000, s9, s13, $0x20;
	[tilespmem:$0x10100] =	vst v63  }
.LBB1_5:
0x1c: {  	s15 =	sadd.s32 $0x200, s10  }
0x1d: {  	s13 =	sadd.s32 $0x400, s11;
	s17 =	smov.u32 s11;
	p2 =	sgt.s32 s15, $0x27FF  }
0x1e: {  	s17 =	smov.u32 @p2 s13  }
0x1f: {  	s15 =	smov.u32 @p2 s3;
	p2 =	sgt.s32 s17, $0x3FF  }
0x20: {  	s17 =	smov.u32 @p2 s2;
	p2 =	sne.s32 s12, s8  }
.Ltmp1:
0x21: {  	p1 =	slt.u32 s12, $0x2;
	(pc) =	sbr.rel @!p2 .LBB1_6-.Ltmp1, $4  }
0x22: {  	s16 =	simm.s32 @!p1 $0x2  }
0x23: {  	s14 =	smov.u32 s10;
	p0 =	por !p0, !p0;
	_ =	swait.ge @!p1 [sflag:s16], $0x4000  }
0x24: {  	s13 =	smov.u32 s11;
	[sflag:s16] =	ssyncset.done @!p1 $0x0;
	s10 =	smov.u32 s15  }
0x25: {  	s12 =	sadd.s32 $0x1, s12;
	[sflag:s16] =	ssyncadd.s32 @!p1 $0xFFFFC000;
	s11 =	smov.u32 s17  }
.LBB1_1:
0x26: {  	p1 =	sge.u32 s12, s5  }
0x27: {  	s15 =	sshrl.u32 @!p1 s11, $0x3  }
0x28: {  	s16 =	sshll.u32 @!p1 s10, $0x3;
	s17 =	sshll.u32 @!p1 s11, $0x7;
	s15 =	smul.u32 @!p1 $0x14000, s15  }
0x29: {  	s18 =	sand.u32 @!p1 $0x7F, s10;
	s16 =	sand.u32 @!p1 $0xFFFFFC00, s16;
	s17 =	sand.u32 @!p1 $0x380, s17  }
0x2a: {  	s15 =	sadd.s32 @!p1 s15, s16;
	s16 =	sor.u32 @!p1 s18, s17  }
0x2b: {  	s16 =	sor.u32 @!p1 s15, s16  }
0x2c: {  	s17 =	smulhi.u32 @!p1 $0xCCCCCCCD, s16;
	_ =	sdelay $0x1  }
0x2d: {  	s15 =	smulhi.u32 @!p1 $0xCCCCCCCD, s15;
	s17 =	sshrl.u32 @!p1 s17, $0xD  }
0x2e: {  	s17 =	smul.u32 @!p1 $0x2800, s17  }
0x2f: {  	s31 =	sadd.s32 $0xFFFFFFFF, s12;
	s18 =	sxor.u32 @!p1 $0xFFFFFFFF, s12;
	s15 =	sshrl.u32 @!p1 s15, $0xD  }
0x30: {  	s18 =	sshll.u32 @!p1 s18, $0xE;
	s15 =	sand.u32 @!p1 $0x3FF, s15;
	s16 =	ssub.s32 @!p1 s16, s17  }
0x31: {  	s15 =	smul.u32 @!p1 $0x500, s15;
	s17 =	sshrl.u32 @!p1 s16, $0x3;
	s16 =	sand.u32 @!p1 $0x7, s16  }
0x32: {  	s18 =	sand.u32 @!p1 $0x4000, s18;
	s17 =	sadd.s32 @!p1 s6, s17;
	s16 =	sshll.u32 @!p1 s16, $0x12  }
0x33: {  	s15 =	sadd.s32 @!p1 s15, s17;
	s16 =	sor.u32 @!p1 $0x400, s16;
	s17 =	simm.s32 @!p1 $0x14000  }
0x34: {  	[tilespmem:s18], [sflag:$0x1] =	stream.strided.gather @!p1 [hbm4b:s15+s16], $0x4000, s17, s16, $0x38;
	[tilespmem:$0x10100] =	vst v63  }
0x35: {  	p1 =	sge.u32 s31, s5  }
.Ltmp2:
0x36: {  	_ = 	snop;
	(pc) =	sbr.rel @p1 .LBB1_5-.Ltmp2, $1  }
0x37: {  	_ =	sdelay $0x3  }
0x38: {  	s15 =	simm.s32 $0x1  }
0x39: {  	_ =	swait.ge [sflag:s4], $0x4000;
	s15 =	simm.s32 @!p0 $0x0  }
0x3a: {  	[sflag:s4] =	ssyncset.done $0x0;
	s16 =	sshll.u32 s15, $0xE  }
0x3b: {  	[sflag:s4] =	ssyncadd.s32 $0xFFFFC000;
	s18 =	sor.u32 $0x40, s16  }
0x3c: {  	s15 =	smul.u32 $0x10200, s15;
	v0 =	vld [tilespmem:s18+$0x30]  }
0x3d: {  	v1 =	vld [tilespmem:s18+$0xFFFFFFD0]  }
0x3e: {  	s15 =	sshrl.u32 s15, $0x2;
	v5 =	vld [tilespmem:s18+$0xFFFFFFE0]  }
0x3f: {  	v6 =	vld [tilespmem:s18+$0xFFFFFFF0];
	s16 =	sor.u32 $0x8000, s15  }
0x40: {  	s31 =	sand.u32 $0x1, s12;
	v4 =	vld [tilespmem:s18+$0x0];
	s17 =	sadd.s32 $0x0, s16  }
0x41: {  	v3 =	vld [tilespmem:s18+$0x10];
	s15 =	smul.u32 $0x10200, s31;
	[tilespmem:s17+$0x3870 ss:$0x81] =	vst.msk $0xffff, v0  }
0x42: {  	v2 =	vld [tilespmem:s18+$0x20];
	[tilespmem:s17+$0x810 ss:$0x81] =	vst.msk $0xffff, v1  }
0x43: {  	s15 =	sshrl.u32 s15, $0x2;
	v0 =	vld [tilespmem:s18+$0xFFFFFFC0];
	[tilespmem:s17+$0x1020 ss:$0x81] =	vst.msk $0xffff, v5;
	s18 =	sadd.s32 $0x80, s18  }
0x44: {  	s19 =	simm.s32 $0x4;
	s20 =	simm.s32 $0x8;
	s15 =	sor.u32 $0x8000, s15;
	[tilespmem:s17+$0x1830 ss:$0x81] =	vst.msk $0xffff, v6;
	v1 =	vld [tilespmem:s18+$0x30]  }
.LBB1_3:
0x45: {  	p1 =	sne.s32 s20, $0x1FC;
	v5 =	vld [tilespmem:s18+$0xFFFFFFD0];
	[tilespmem:s17+$0x2040 ss:$0x81] =	vst.msk $0xffff, v4  }
0x46: {  	v6 =	vld [tilespmem:s18+$0xFFFFFFE0];
	[tilespmem:s17+$0x2850 ss:$0x81] =	vst.msk $0xffff, v3  }
0x47: {  	s21 =	sshra.s32 s19, $0x2;
	s19 =	smov.u32 s20;
	v7 =	vld [tilespmem:s18+$0xFFFFFFF0];
	[tilespmem:s17+$0x3060 ss:$0x81] =	vst.msk $0xffff, v2  }
.Ltmp3:
0x48: {  	v4 =	vld [tilespmem:s18+$0x0];
	[tilespmem:s17+$0x0 ss:$0x81] =	vst.msk $0xffff, v0;
	s17 =	sadd.s32 s21, s16;
	(pc) =	sbr.rel @p1 .LBB1_3-.Ltmp3, $4  }
0x49: {  	v3 =	vld [tilespmem:s18+$0x10];
	[tilespmem:s17+$0x3870 ss:$0x81] =	vst.msk $0xffff, v1  }
0x4a: {  	[tilespmem:s17+$0x810 ss:$0x81] =	vst.msk $0xffff, v5;
	v2 =	vld [tilespmem:s18+$0x20]  }
0x4b: {  	v0 =	vld [tilespmem:s18+$0xFFFFFFC0];
	[tilespmem:s17+$0x1020 ss:$0x81] =	vst.msk $0xffff, v6;
	s18 =	sadd.s32 $0x80, s18  }
0x4c: {  	s20 =	sadd.s32 $0x4, s20;
	v1 =	vld [tilespmem:s18+$0x30];
	[tilespmem:s17+$0x1830 ss:$0x81] =	vst.msk $0xffff, v7  }
.Ltmp4:
0x4d: {  	_ = 	snop;
	(pc) =	sbr.rel .LBB1_4-.Ltmp4, $1  }
0x4e: {  	_ =	sdelay $0x3  }
.LBB1_6:
0x4f: {  	_ =	sfence.sel $0x180000  }
0x50: {  	s2 =	simm.s32 $0x1;
	[bflag:$0x0] =	sbarrier.arrive $0xFFFF  }
0x51: {  	s31 =	simm.s32 $0x2;
	[sflag:s2] =	ssyncpa.u1 $0x1  }
0x52: {  	[sflag:s31] =	ssyncpa.u1 $0x1  }
0x53: {  	p0 =	sne.s32 s0, $0x0;
	_ =	strace $0x9000004D  }
0x54: {  	s0 =	sadd.s32 @!p0 $0x100000, s1;
	[bflag:$0x2] =	sbarrier.arrive $0xFFFF  }
0x55: {  	[sflag:s0] =	ssyncadd.tile.s32 @!p0 $0x1;
	_ =	shalt  }
.Lfunc_end1:
_tile_overlayer_lowered:
.L_overlay_start_2:
0x56: {  	(tag) =	ssettag $0x2  }
0x57: {  	s0 =	rddreg [dreg:$0x0];
	s2 =	stileid.u32  }
0x58: {  	s1 =	rddreg [dreg:$0x1];
	p0 =	sne.s32 s2, $0x0  }
0x59: {  	s3 =	rddreg [dreg:$0x2];
	[bflag:$0x3] =	sbarrier.arrive $0xFFFF;
	s2 =	simm.s32 @!p0 $0x1C01  }
0x5a: {  	[timem:s3], [sflag:s2] =	dma.local @!p0 [hbm:s0], s1  }
0x5b: {  	s0 =	simm.s32 @!p0 $0x1  }
0x5c: {  	_ =	swait.ge @!p0 [sflag:s0], s1  }
0x5d: {  	s1 =	ssub.s32 @!p0 $0x0, s1;
	[sflag:s0] =	ssyncset.done @!p0 $0x0  }
0x5e: {  	[sflag:s0] =	ssyncadd.s32 @!p0 s1  }
0x5f: {  	[bflag:$0x3] =	sbarrier.arrive $0xFFFF  }
0x60: {  	_ =	shalt  }

</sc_bundles>
